<compile_context>
chip_gen: v7x
topology: tpu7x:2x2x1
jax: 0.10.2.dev20260603
libtpu: 0.0.44.dev20260713+nightly
codegen_flags: <defaults>
</compile_context>

<pallas_src>
import functools

import jax
import jax.numpy as jnp
from jax import lax
from jax.experimental import pallas as pl
from jax.experimental.pallas import tpu as pltpu
from jax.experimental.pallas import tpu_sc as plsc

NUM_LATENT = 32
BATCH = 16384
MQROWS = 100000 * NUM_LATENT // 128

_info = plsc.get_sparse_core_info()
_NC = _info.num_cores
_NS = _info.num_subcores
_NW = _NC * _NS
_BPW = BATCH // _NW
_G = 16
_W = 8
_NWAVE = _BPW // _W
_PAD = _BPW + _G


def _embed_dot(user_ids, movie_ids, utT, mt128):
    @functools.partial(
        pl.kernel,
        mesh=plsc.VectorSubcoreMesh(core_axis_name="c", subcore_axis_name="s"),
        out_type=jax.ShapeDtypeStruct((BATCH,), jnp.float32),
        compiler_params=pltpu.CompilerParams(needs_layout_passes=False),
        scratch_types=[
            pltpu.VMEM((_PAD,), jnp.int32),
            pltpu.VMEM((_PAD,), jnp.int32),
            pltpu.VMEM((_BPW,), jnp.int32),
            pltpu.VMEM((2 * _W, NUM_LATENT, 128), jnp.float32),
            pltpu.VMEM((_W, 128), jnp.float32),
            pltpu.VMEM((_W, 128), jnp.float32),
            pltpu.VMEM((_PAD,), jnp.float32),
            pltpu.SemaphoreType.DMA,
            pltpu.SemaphoreType.DMA,
        ],
    )
    def k(uid_hbm, mid_hbm, utT_hbm, mt_hbm, out_hbm,
          uid_v, mid_v, mq_v, slabs, mbufa, mbufb, out_v, sema, semb):
        wid = lax.axis_index("s") * _NC + lax.axis_index("c")
        base = wid * _BPW
        pltpu.sync_copy(uid_hbm.at[pl.ds(base, _BPW)],
                        uid_v.at[pl.ds(0, _BPW)])
        pltpu.sync_copy(mid_hbm.at[pl.ds(base, _BPW)],
                        mid_v.at[pl.ds(0, _BPW)])

        def quads(c, carry):
            mq_v[pl.ds(c * _G, _G)] = mid_v[pl.ds(c * _G, _G)] >> 2
            return carry
        lax.fori_loop(0, _BPW // _G, quads, 0)

        lanes = lax.iota(jnp.int32, _G)
        l8 = lanes & (_W - 1)

        def fire(w, slot0, mbuf, sem):
            chunk = uid_v[pl.ds(w * _W, _G)]
            for e in range(_W):
                u = chunk[e]
                col0 = pl.multiple_of((u >> 7) * 128, 128)
                pltpu.async_copy(utT_hbm.at[:, pl.ds(col0, 128)],
                                 slabs.at[slot0 + e], sem)
            pltpu.async_copy(mt_hbm.at[mq_v.at[pl.ds(w * _W, _W)]], mbuf, sem)

        def drain(slot0, mbuf, sem):
            for e in range(_W):
                pltpu.make_async_copy(utT_hbm.at[:, pl.ds(0, 128)],
                                      slabs.at[slot0 + e], sem).wait()
            pltpu.make_async_copy(mt_hbm.at[pl.ds(0, _W)], mbuf, sem).wait()

        def compute(w, slot0, mbuf):
            uchunk = uid_v[pl.ds(w * _W, _G)]
            mchunk = mid_v[pl.ds(w * _W, _G)]
            ulane = uchunk & 127
            sidx = l8 + slot0
            mcol0 = (mchunk & 3) * NUM_LATENT
            acc = jnp.zeros((_G,), jnp.float32)
            for j in range(NUM_LATENT):
                uj = plsc.load_gather(
                    slabs, [sidx, jnp.full((_G,), j, jnp.int32), ulane])
                mj = plsc.load_gather(mbuf, [l8, mcol0 + j])
                acc = acc + uj * mj
            out_v[pl.ds(w * _W, _G)] = acc

        fire(0, 0, mbufa, sema)

        def pair(p, carry):
            fire(2 * p + 1, _W, mbufb, semb)
            drain(0, mbufa, sema)
            compute(2 * p, 0, mbufa)

            @pl.when(p < _NWAVE // 2 - 1)
            def _():
                fire(2 * p + 2, 0, mbufa, sema)
            drain(_W, mbufb, semb)
            compute(2 * p + 1, _W, mbufb)
            return carry

        lax.fori_loop(0, _NWAVE // 2, pair, 0)
        pltpu.sync_copy(out_v.at[pl.ds(0, _BPW)],
                        out_hbm.at[pl.ds(base, _BPW)])

    return k(user_ids, movie_ids, utT, mt128)


def kernel(user_ids, movie_ids, user_table, movie_table):
    mt128 = movie_table.reshape(MQROWS, 128)
    return _embed_dot(user_ids.astype(jnp.int32),
                      movie_ids.astype(jnp.int32),
                      user_table.T, mt128)

# --- scband reference (transcript-rebuilt; emitter-appended) ---
"""Pipeline reference for scband-model-75797582840602 (READ-ONLY COPY).

The authoritative reference and input builder live on the scoring server;
editing this copy changes nothing except your own understanding.
"""

import jax, jax.numpy as jnp
import numpy as np

NUM_USERS = 1000000
NUM_MOVIES = 100000
NUM_LATENT = 32
BATCH = 16384

def setup_inputs(seed: int = 0) -> dict:
    key = jax.random.key(seed)
    k1, k2, k3, k4 = jax.random.split(key, 4)
    user_ids = jax.random.randint(k1, (BATCH,), 0, NUM_USERS, dtype=jnp.int64) if jax.config.jax_enable_x64 else jax.random.randint(k1, (BATCH,), 0, NUM_USERS, dtype=jnp.int32)
    movie_ids = jax.random.randint(k2, (BATCH,), 0, NUM_MOVIES, dtype=jnp.int32)
    user_table = jax.random.normal(k3, (NUM_USERS, NUM_LATENT), dtype=jnp.float32) * 0.1
    movie_table = jax.random.normal(k4, (NUM_MOVIES, NUM_LATENT), dtype=jnp.float32) * 0.1
    return {"user_ids": user_ids, "movie_ids": movie_ids, "user_table": user_table, "movie_table": movie_table}

def reference(user_ids, movie_ids, user_table, movie_table):
    users_latent = jnp.take(user_table, user_ids, axis=0)
    movies_latent = jnp.take(movie_table, movie_ids, axis=0)
    ratings = jnp.sum(users_latent * movies_latent, axis=1)
    return ratings

if __name__ == "__main__":
    import jax
    _d = setup_inputs()
    print(jax.jit(kernel)(*tuple(_d.values())))

</pallas_src>

<mosaic_0001>
#map = affine_map<(d0, d1) -> (0)>
#map1 = affine_map<(d0, d1) -> (0, 0)>
module attributes {stable_mosaic.version = 14 : i64} {
  func.func @k(%arg0: i32, %arg1: i32, %arg2: memref<16384xi32, #tpu.memory_space<hbm>>, %arg3: memref<16384xi32, #tpu.memory_space<hbm>>, %arg4: memref<32x1000000xf32, #tpu.memory_space<hbm>>, %arg5: memref<25000x128xf32, #tpu.memory_space<hbm>>, %arg6: memref<16384xf32, #tpu.memory_space<hbm>>, %arg7: memref<528xi32, #tpu.memory_space<vmem>>, %arg8: memref<528xi32, #tpu.memory_space<vmem>>, %arg9: memref<512xi32, #tpu.memory_space<vmem>>, %arg10: memref<16x32x128xf32, #tpu.memory_space<vmem>>, %arg11: memref<8x128xf32, #tpu.memory_space<vmem>>, %arg12: memref<8x128xf32, #tpu.memory_space<vmem>>, %arg13: memref<528xf32, #tpu.memory_space<vmem>>, %arg14: memref<!tpu.dma_semaphore, #tpu.memory_space<semaphore_mem>>, %arg15: memref<!tpu.dma_semaphore, #tpu.memory_space<semaphore_mem>>) attributes {dimension_semantics = [#tpu.dimension_semantics<core_parallel>, #tpu.dimension_semantics<subcore_parallel>], iteration_bounds = array<i64: 2, 16>, scalar_prefetch = 0 : i64, scratch_operands = 9 : i64, tpu.core_type = #tpu.core_type<sc_vector_subcore>, window_params = [{transform_indices = #map}, {transform_indices = #map}, {transform_indices = #map1}, {transform_indices = #map1}, {transform_indices = #map}]} {
    %mul3A = arith.constant 2 : i32
    %mul3A_0 = arith.muli %arg1, %mul3A : i32
    %add3A = arith.addi %mul3A_0, %arg0 : i32
    %mul3A_1 = arith.constant 512 : i32
    %mul3A_2 = arith.muli %add3A, %mul3A_1 : i32
    "tpu.region"() ({
      %run_scoped3A = tpu.sem_alloc : memref<!tpu.dma_semaphore, #tpu.memory_space<semaphore_mem>>
      %dma_start3A_177 = arith.constant 0 : i32
      %dma_start3A_178 = tpu.memref_slice %arg7[%dma_start3A_177] : memref<528xi32, #tpu.memory_space<vmem>> -> memref<512xi32, #tpu.memory_space<vmem>>
      %dma_start3A_179 = tpu.memref_slice %arg2[%mul3A_2] : memref<16384xi32, #tpu.memory_space<hbm>> -> memref<512xi32, #tpu.memory_space<hbm>>
      %dma_start3A_180 = arith.constant 0 : i32
      %dma_start3A_181 = tpu.memref_slice %arg7[%dma_start3A_180] : memref<528xi32, #tpu.memory_space<vmem>> -> memref<512xi32, #tpu.memory_space<vmem>>
      %dma_start3A_182 = tpu.memref_slice %arg2[%mul3A_2] : memref<16384xi32, #tpu.memory_space<hbm>> -> memref<512xi32, #tpu.memory_space<hbm>>
      tpu.enqueue_dma source(%dma_start3A_182 : memref<512xi32, #tpu.memory_space<hbm>>) target(%dma_start3A_181 : memref<512xi32, #tpu.memory_space<vmem>>) target_semaphore(%run_scoped3A : memref<!tpu.dma_semaphore, #tpu.memory_space<semaphore_mem>>)
      %dma_wait3A = arith.constant 0 : i32
      %dma_wait3A_183 = tpu.memref_slice %arg7[%dma_wait3A] : memref<528xi32, #tpu.memory_space<vmem>> -> memref<512xi32, #tpu.memory_space<vmem>>
      %dma_wait3A_184 = tpu.memref_slice %arg2[%mul3A_2] : memref<16384xi32, #tpu.memory_space<hbm>> -> memref<512xi32, #tpu.memory_space<hbm>>
      %dma_wait3A_185 = arith.constant 0 : i32
      %dma_wait3A_186 = tpu.memref_slice %arg7[%dma_wait3A_185] : memref<528xi32, #tpu.memory_space<vmem>> -> memref<512xi32, #tpu.memory_space<vmem>>
      %dma_wait3A_187 = tpu.memref_slice %arg2[%mul3A_2] : memref<16384xi32, #tpu.memory_space<hbm>> -> memref<512xi32, #tpu.memory_space<hbm>>
      tpu.wait_dma2 semaphore(%run_scoped3A : memref<!tpu.dma_semaphore, #tpu.memory_space<semaphore_mem>>) src(%dma_wait3A_187 : memref<512xi32, #tpu.memory_space<hbm>>) dst(%dma_wait3A_186 : memref<512xi32, #tpu.memory_space<vmem>>)
      tpu.yield
    }) : () -> ()
    "tpu.region"() ({
      %run_scoped3A = tpu.sem_alloc : memref<!tpu.dma_semaphore, #tpu.memory_space<semaphore_mem>>
      %dma_start3A_177 = arith.constant 0 : i32
      %dma_start3A_178 = tpu.memref_slice %arg8[%dma_start3A_177] : memref<528xi32, #tpu.memory_space<vmem>> -> memref<512xi32, #tpu.memory_space<vmem>>
      %dma_start3A_179 = tpu.memref_slice %arg3[%mul3A_2] : memref<16384xi32, #tpu.memory_space<hbm>> -> memref<512xi32, #tpu.memory_space<hbm>>
      %dma_start3A_180 = arith.constant 0 : i32
      %dma_start3A_181 = tpu.memref_slice %arg8[%dma_start3A_180] : memref<528xi32, #tpu.memory_space<vmem>> -> memref<512xi32, #tpu.memory_space<vmem>>
      %dma_start3A_182 = tpu.memref_slice %arg3[%mul3A_2] : memref<16384xi32, #tpu.memory_space<hbm>> -> memref<512xi32, #tpu.memory_space<hbm>>
      tpu.enqueue_dma source(%dma_start3A_182 : memref<512xi32, #tpu.memory_space<hbm>>) target(%dma_start3A_181 : memref<512xi32, #tpu.memory_space<vmem>>) target_semaphore(%run_scoped3A : memref<!tpu.dma_semaphore, #tpu.memory_space<semaphore_mem>>)
      %dma_wait3A = arith.constant 0 : i32
      %dma_wait3A_183 = tpu.memref_slice %arg8[%dma_wait3A] : memref<528xi32, #tpu.memory_space<vmem>> -> memref<512xi32, #tpu.memory_space<vmem>>
      %dma_wait3A_184 = tpu.memref_slice %arg3[%mul3A_2] : memref<16384xi32, #tpu.memory_space<hbm>> -> memref<512xi32, #tpu.memory_space<hbm>>
      %dma_wait3A_185 = arith.constant 0 : i32
      %dma_wait3A_186 = tpu.memref_slice %arg8[%dma_wait3A_185] : memref<528xi32, #tpu.memory_space<vmem>> -> memref<512xi32, #tpu.memory_space<vmem>>
      %dma_wait3A_187 = tpu.memref_slice %arg3[%mul3A_2] : memref<16384xi32, #tpu.memory_space<hbm>> -> memref<512xi32, #tpu.memory_space<hbm>>
      tpu.wait_dma2 semaphore(%run_scoped3A : memref<!tpu.dma_semaphore, #tpu.memory_space<semaphore_mem>>) src(%dma_wait3A_187 : memref<512xi32, #tpu.memory_space<hbm>>) dst(%dma_wait3A_186 : memref<512xi32, #tpu.memory_space<vmem>>)
      tpu.yield
    }) : () -> ()
    %scan3A = arith.constant 0 : i32
    %scan3A_3 = arith.constant 0 : i32
    %scan3A_4 = arith.constant 32 : i32
    %scan3A_5 = arith.addi %scan3A_3, %scan3A_4 : i32
    %scan3A_6 = arith.constant 1 : i32
    scf.for %scan3A_177 = %scan3A_3 to %scan3A_5 step %scan3A_6  : i32 {
      %mul3A_178 = arith.constant 16 : i32
      %mul3A_179 = arith.muli %scan3A_177, %mul3A_178 : i32
      %get3A_180 = arith.index_cast %mul3A_179 : i32 to index
      %get3A_181 = tpu.vector_load %arg8[%get3A_180] {strides = array<i32>} : memref<528xi32, #tpu.memory_space<vmem>>, vector<16xi32>,
      %shift_right_arithmetic3A_182 = arith.constant 2 : i32
      %shift_right_arithmetic3A_183 = vector.broadcast %shift_right_arithmetic3A_182 : i32 to vector<16xi32>
      %shift_right_arithmetic3A_184 = arith.shrsi %get3A_181, %shift_right_arithmetic3A_183 : vector<16xi32>
      %mul3A_185 = arith.constant 16 : i32
      %mul3A_186 = arith.muli %scan3A_177, %mul3A_185 : i32
      %swap3A = arith.index_cast %mul3A_186 : i32 to index
      %swap3A_187 = tpu.vector_load %arg9[%swap3A] {strides = array<i32>} : memref<512xi32, #tpu.memory_space<vmem>>, vector<16xi32>,
      tpu.vector_store %arg9[%swap3A], %shift_right_arithmetic3A_184 {strides = array<i32>} : memref<512xi32, #tpu.memory_space<vmem>>, vector<16xi32>,
    }
    %scan3A_7 = arith.constant 32 : i32
    %iota3A = tpu.iota {dimensions = array<i32: 0>} : vector<16xi32>
    %and3A = arith.constant 7 : i32
    %and3A_8 = vector.broadcast %and3A : i32 to vector<16xi32>
    %and3A_9 = arith.andi %iota3A, %and3A_8 : vector<16xi32>
    %get3A = arith.constant 0 : index
    %get3A_10 = tpu.vector_load %arg7[%get3A] {strides = array<i32>} : memref<528xi32, #tpu.memory_space<vmem>>, vector<16xi32>,
    %slice3A = vector.extract_strided_slice %get3A_10 {offsets = [0], sizes = [1], strides = [1]} : vector<16xi32> to vector<1xi32>
    %squeeze3A = vector.extract %slice3A[0] : i32 from vector<1xi32>
    %shift_right_arithmetic3A = arith.constant 7 : i32
    %shift_right_arithmetic3A_11 = arith.shrsi %squeeze3A, %shift_right_arithmetic3A : i32
    %mul3A_12 = arith.constant 128 : i32
    %mul3A_13 = arith.muli %shift_right_arithmetic3A_11, %mul3A_12 : i32
    %multiple_of3A = tpu.assume_multiple %mul3A_13, 128 : i32
    %dma_start3A = arith.constant 0 : i32
    %dma_start3A_14 = arith.constant 0 : i32
    %dma_start3A_15 = arith.constant 0 : i32
    %dma_start3A_16 = tpu.memref_slice %arg10[%dma_start3A, %dma_start3A_14, %dma_start3A_15] : memref<16x32x128xf32, #tpu.memory_space<vmem>> -> memref<1x32x128xf32, #tpu.memory_space<vmem>>
    %dma_start3A_17 = tpu.memref_squeeze %dma_start3A_16 : memref<1x32x128xf32, #tpu.memory_space<vmem>> -> memref<32x128xf32, #tpu.memory_space<vmem>>
    %dma_start3A_18 = arith.constant 0 : i32
    %dma_start3A_19 = tpu.memref_slice %arg4[%dma_start3A_18, %multiple_of3A] : memref<32x1000000xf32, #tpu.memory_space<hbm>> -> memref<32x128xf32, #tpu.memory_space<hbm>>
    %dma_start3A_20 = arith.constant 0 : i32
    %dma_start3A_21 = arith.constant 0 : i32
    %dma_start3A_22 = tpu.memref_slice %arg10[%dma_start3A, %dma_start3A_20, %dma_start3A_21] : memref<16x32x128xf32, #tpu.memory_space<vmem>> -> memref<1x32x128xf32, #tpu.memory_space<vmem>>
    %dma_start3A_23 = tpu.memref_squeeze %dma_start3A_22 : memref<1x32x128xf32, #tpu.memory_space<vmem>> -> memref<32x128xf32, #tpu.memory_space<vmem>>
    %dma_start3A_24 = arith.constant 0 : i32
    %dma_start3A_25 = tpu.memref_slice %arg4[%dma_start3A_24, %multiple_of3A] : memref<32x1000000xf32, #tpu.memory_space<hbm>> -> memref<32x128xf32, #tpu.memory_space<hbm>>
    tpu.enqueue_dma source(%dma_start3A_25 : memref<32x128xf32, #tpu.memory_space<hbm>>) target(%dma_start3A_23 : memref<32x128xf32, #tpu.memory_space<vmem>>) target_semaphore(%arg14 : memref<!tpu.dma_semaphore, #tpu.memory_space<semaphore_mem>>)
    %slice3A_26 = vector.extract_strided_slice %get3A_10 {offsets = [1], sizes = [1], strides = [1]} : vector<16xi32> to vector<1xi32>
    %squeeze3A_27 = vector.extract %slice3A_26[0] : i32 from vector<1xi32>
    %shift_right_arithmetic3A_28 = arith.constant 7 : i32
    %shift_right_arithmetic3A_29 = arith.shrsi %squeeze3A_27, %shift_right_arithmetic3A_28 : i32
    %mul3A_30 = arith.constant 128 : i32
    %mul3A_31 = arith.muli %shift_right_arithmetic3A_29, %mul3A_30 : i32
    %multiple_of3A_32 = tpu.assume_multiple %mul3A_31, 128 : i32
    %dma_start3A_33 = arith.constant 1 : i32
    %dma_start3A_34 = arith.constant 0 : i32
    %dma_start3A_35 = arith.constant 0 : i32
    %dma_start3A_36 = tpu.memref_slice %arg10[%dma_start3A_33, %dma_start3A_34, %dma_start3A_35] : memref<16x32x128xf32, #tpu.memory_space<vmem>> -> memref<1x32x128xf32, #tpu.memory_space<vmem>>
    %dma_start3A_37 = tpu.memref_squeeze %dma_start3A_36 : memref<1x32x128xf32, #tpu.memory_space<vmem>> -> memref<32x128xf32, #tpu.memory_space<vmem>>
    %dma_start3A_38 = arith.constant 0 : i32
    %dma_start3A_39 = tpu.memref_slice %arg4[%dma_start3A_38, %multiple_of3A_32] : memref<32x1000000xf32, #tpu.memory_space<hbm>> -> memref<32x128xf32, #tpu.memory_space<hbm>>
    %dma_start3A_40 = arith.constant 0 : i32
    %dma_start3A_41 = arith.constant 0 : i32
    %dma_start3A_42 = tpu.memref_slice %arg10[%dma_start3A_33, %dma_start3A_40, %dma_start3A_41] : memref<16x32x128xf32, #tpu.memory_space<vmem>> -> memref<1x32x128xf32, #tpu.memory_space<vmem>>
    %dma_start3A_43 = tpu.memref_squeeze %dma_start3A_42 : memref<1x32x128xf32, #tpu.memory_space<vmem>> -> memref<32x128xf32, #tpu.memory_space<vmem>>
    %dma_start3A_44 = arith.constant 0 : i32
    %dma_start3A_45 = tpu.memref_slice %arg4[%dma_start3A_44, %multiple_of3A_32] : memref<32x1000000xf32, #tpu.memory_space<hbm>> -> memref<32x128xf32, #tpu.memory_space<hbm>>
    tpu.enqueue_dma source(%dma_start3A_45 : memref<32x128xf32, #tpu.memory_space<hbm>>) target(%dma_start3A_43 : memref<32x128xf32, #tpu.memory_space<vmem>>) target_semaphore(%arg14 : memref<!tpu.dma_semaphore, #tpu.memory_space<semaphore_mem>>)
    %slice3A_46 = vector.extract_strided_slice %get3A_10 {offsets = [2], sizes = [1], strides = [1]} : vector<16xi32> to vector<1xi32>
    %squeeze3A_47 = vector.extract %slice3A_46[0] : i32 from vector<1xi32>
    %shift_right_arithmetic3A_48 = arith.constant 7 : i32
    %shift_right_arithmetic3A_49 = arith.shrsi %squeeze3A_47, %shift_right_arithmetic3A_48 : i32
    %mul3A_50 = arith.constant 128 : i32
    %mul3A_51 = arith.muli %shift_right_arithmetic3A_49, %mul3A_50 : i32
    %multiple_of3A_52 = tpu.assume_multiple %mul3A_51, 128 : i32
    %dma_start3A_53 = arith.constant 2 : i32
    %dma_start3A_54 = arith.constant 0 : i32
    %dma_start3A_55 = arith.constant 0 : i32
    %dma_start3A_56 = tpu.memref_slice %arg10[%dma_start3A_53, %dma_start3A_54, %dma_start3A_55] : memref<16x32x128xf32, #tpu.memory_space<vmem>> -> memref<1x32x128xf32, #tpu.memory_space<vmem>>
    %dma_start3A_57 = tpu.memref_squeeze %dma_start3A_56 : memref<1x32x128xf32, #tpu.memory_space<vmem>> -> memref<32x128xf32, #tpu.memory_space<vmem>>
    %dma_start3A_58 = arith.constant 0 : i32
    %dma_start3A_59 = tpu.memref_slice %arg4[%dma_start3A_58, %multiple_of3A_52] : memref<32x1000000xf32, #tpu.memory_space<hbm>> -> memref<32x128xf32, #tpu.memory_space<hbm>>
    %dma_start3A_60 = arith.constant 0 : i32
    %dma_start3A_61 = arith.constant 0 : i32
    %dma_start3A_62 = tpu.memref_slice %arg10[%dma_start3A_53, %dma_start3A_60, %dma_start3A_61] : memref<16x32x128xf32, #tpu.memory_space<vmem>> -> memref<1x32x128xf32, #tpu.memory_space<vmem>>
    %dma_start3A_63 = tpu.memref_squeeze %dma_start3A_62 : memref<1x32x128xf32, #tpu.memory_space<vmem>> -> memref<32x128xf32, #tpu.memory_space<vmem>>
    %dma_start3A_64 = arith.constant 0 : i32
    %dma_start3A_65 = tpu.memref_slice %arg4[%dma_start3A_64, %multiple_of3A_52] : memref<32x1000000xf32, #tpu.memory_space<hbm>> -> memref<32x128xf32, #tpu.memory_space<hbm>>
    tpu.enqueue_dma source(%dma_start3A_65 : memref<32x128xf32, #tpu.memory_space<hbm>>) target(%dma_start3A_63 : memref<32x128xf32, #tpu.memory_space<vmem>>) target_semaphore(%arg14 : memref<!tpu.dma_semaphore, #tpu.memory_space<semaphore_mem>>)
    %slice3A_66 = vector.extract_strided_slice %get3A_10 {offsets = [3], sizes = [1], strides = [1]} : vector<16xi32> to vector<1xi32>
    %squeeze3A_67 = vector.extract %slice3A_66[0] : i32 from vector<1xi32>
    %shift_right_arithmetic3A_68 = arith.constant 7 : i32
    %shift_right_arithmetic3A_69 = arith.shrsi %squeeze3A_67, %shift_right_arithmetic3A_68 : i32
    %mul3A_70 = arith.constant 128 : i32
    %mul3A_71 = arith.muli %shift_right_arithmetic3A_69, %mul3A_70 : i32
    %multiple_of3A_72 = tpu.assume_multiple %mul3A_71, 128 : i32
    %dma_start3A_73 = arith.constant 3 : i32
    %dma_start3A_74 = arith.constant 0 : i32
    %dma_start3A_75 = arith.constant 0 : i32
    %dma_start3A_76 = tpu.memref_slice %arg10[%dma_start3A_73, %dma_start3A_74, %dma_start3A_75] : memref<16x32x128xf32, #tpu.memory_space<vmem>> -> memref<1x32x128xf32, #tpu.memory_space<vmem>>
    %dma_start3A_77 = tpu.memref_squeeze %dma_start3A_76 : memref<1x32x128xf32, #tpu.memory_space<vmem>> -> memref<32x128xf32, #tpu.memory_space<vmem>>
    %dma_start3A_78 = arith.constant 0 : i32
    %dma_start3A_79 = tpu.memref_slice %arg4[%dma_start3A_78, %multiple_of3A_72] : memref<32x1000000xf32, #tpu.memory_space<hbm>> -> memref<32x128xf32, #tpu.memory_space<hbm>>
    %dma_start3A_80 = arith.constant 0 : i32
    %dma_start3A_81 = arith.constant 0 : i32
    %dma_start3A_82 = tpu.memref_slice %arg10[%dma_start3A_73, %dma_start3A_80, %dma_start3A_81] : memref<16x32x128xf32, #tpu.memory_space<vmem>> -> memref<1x32x128xf32, #tpu.memory_space<vmem>>
    %dma_start3A_83 = tpu.memref_squeeze %dma_start3A_82 : memref<1x32x128xf32, #tpu.memory_space<vmem>> -> memref<32x128xf32, #tpu.memory_space<vmem>>
    %dma_start3A_84 = arith.constant 0 : i32
    %dma_start3A_85 = tpu.memref_slice %arg4[%dma_start3A_84, %multiple_of3A_72] : memref<32x1000000xf32, #tpu.memory_space<hbm>> -> memref<32x128xf32, #tpu.memory_space<hbm>>
    tpu.enqueue_dma source(%dma_start3A_85 : memref<32x128xf32, #tpu.memory_space<hbm>>) target(%dma_start3A_83 : memref<32x128xf32, #tpu.memory_space<vmem>>) target_semaphore(%arg14 : memref<!tpu.dma_semaphore, #tpu.memory_space<semaphore_mem>>)
    %slice3A_86 = vector.extract_strided_slice %get3A_10 {offsets = [4], sizes = [1], strides = [1]} : vector<16xi32> to vector<1xi32>
    %squeeze3A_87 = vector.extract %slice3A_86[0] : i32 from vector<1xi32>
    %shift_right_arithmetic3A_88 = arith.constant 7 : i32
    %shift_right_arithmetic3A_89 = arith.shrsi %squeeze3A_87, %shift_right_arithmetic3A_88 : i32
    %mul3A_90 = arith.constant 128 : i32
    %mul3A_91 = arith.muli %shift_right_arithmetic3A_89, %mul3A_90 : i32
    %multiple_of3A_92 = tpu.assume_multiple %mul3A_91, 128 : i32
    %dma_start3A_93 = arith.constant 4 : i32
    %dma_start3A_94 = arith.constant 0 : i32
    %dma_start3A_95 = arith.constant 0 : i32
    %dma_start3A_96 = tpu.memref_slice %arg10[%dma_start3A_93, %dma_start3A_94, %dma_start3A_95] : memref<16x32x128xf32, #tpu.memory_space<vmem>> -> memref<1x32x128xf32, #tpu.memory_space<vmem>>
    %dma_start3A_97 = tpu.memref_squeeze %dma_start3A_96 : memref<1x32x128xf32, #tpu.memory_space<vmem>> -> memref<32x128xf32, #tpu.memory_space<vmem>>
    %dma_start3A_98 = arith.constant 0 : i32
    %dma_start3A_99 = tpu.memref_slice %arg4[%dma_start3A_98, %multiple_of3A_92] : memref<32x1000000xf32, #tpu.memory_space<hbm>> -> memref<32x128xf32, #tpu.memory_space<hbm>>
    %dma_start3A_100 = arith.constant 0 : i32
    %dma_start3A_101 = arith.constant 0 : i32
    %dma_start3A_102 = tpu.memref_slice %arg10[%dma_start3A_93, %dma_start3A_100, %dma_start3A_101] : memref<16x32x128xf32, #tpu.memory_space<vmem>> -> memref<1x32x128xf32, #tpu.memory_space<vmem>>
    %dma_start3A_103 = tpu.memref_squeeze %dma_start3A_102 : memref<1x32x128xf32, #tpu.memory_space<vmem>> -> memref<32x128xf32, #tpu.memory_space<vmem>>
    %dma_start3A_104 = arith.constant 0 : i32
    %dma_start3A_105 = tpu.memref_slice %arg4[%dma_start3A_104, %multiple_of3A_92] : memref<32x1000000xf32, #tpu.memory_space<hbm>> -> memref<32x128xf32, #tpu.memory_space<hbm>>
    tpu.enqueue_dma source(%dma_start3A_105 : memref<32x128xf32, #tpu.memory_space<hbm>>) target(%dma_start3A_103 : memref<32x128xf32, #tpu.memory_space<vmem>>) target_semaphore(%arg14 : memref<!tpu.dma_semaphore, #tpu.memory_space<semaphore_mem>>)
    %slice3A_106 = vector.extract_strided_slice %get3A_10 {offsets = [5], sizes = [1], strides = [1]} : vector<16xi32> to vector<1xi32>
    %squeeze3A_107 = vector.extract %slice3A_106[0] : i32 from vector<1xi32>
    %shift_right_arithmetic3A_108 = arith.constant 7 : i32
    %shift_right_arithmetic3A_109 = arith.shrsi %squeeze3A_107, %shift_right_arithmetic3A_108 : i32
    %mul3A_110 = arith.constant 128 : i32
    %mul3A_111 = arith.muli %shift_right_arithmetic3A_109, %mul3A_110 : i32
    %multiple_of3A_112 = tpu.assume_multiple %mul3A_111, 128 : i32
    %dma_start3A_113 = arith.constant 5 : i32
    %dma_start3A_114 = arith.constant 0 : i32
    %dma_start3A_115 = arith.constant 0 : i32
    %dma_start3A_116 = tpu.memref_slice %arg10[%dma_start3A_113, %dma_start3A_114, %dma_start3A_115] : memref<16x32x128xf32, #tpu.memory_space<vmem>> -> memref<1x32x128xf32, #tpu.memory_space<vmem>>
    %dma_start3A_117 = tpu.memref_squeeze %dma_start3A_116 : memref<1x32x128xf32, #tpu.memory_space<vmem>> -> memref<32x128xf32, #tpu.memory_space<vmem>>
    %dma_start3A_118 = arith.constant 0 : i32
    %dma_start3A_119 = tpu.memref_slice %arg4[%dma_start3A_118, %multiple_of3A_112] : memref<32x1000000xf32, #tpu.memory_space<hbm>> -> memref<32x128xf32, #tpu.memory_space<hbm>>
    %dma_start3A_120 = arith.constant 0 : i32
    %dma_start3A_121 = arith.constant 0 : i32
    %dma_start3A_122 = tpu.memref_slice %arg10[%dma_start3A_113, %dma_start3A_120, %dma_start3A_121] : memref<16x32x128xf32, #tpu.memory_space<vmem>> -> memref<1x32x128xf32, #tpu.memory_space<vmem>>
    %dma_start3A_123 = tpu.memref_squeeze %dma_start3A_122 : memref<1x32x128xf32, #tpu.memory_space<vmem>> -> memref<32x128xf32, #tpu.memory_space<vmem>>
    %dma_start3A_124 = arith.constant 0 : i32
    %dma_start3A_125 = tpu.memref_slice %arg4[%dma_start3A_124, %multiple_of3A_112] : memref<32x1000000xf32, #tpu.memory_space<hbm>> -> memref<32x128xf32, #tpu.memory_space<hbm>>
    tpu.enqueue_dma source(%dma_start3A_125 : memref<32x128xf32, #tpu.memory_space<hbm>>) target(%dma_start3A_123 : memref<32x128xf32, #tpu.memory_space<vmem>>) target_semaphore(%arg14 : memref<!tpu.dma_semaphore, #tpu.memory_space<semaphore_mem>>)
    %slice3A_126 = vector.extract_strided_slice %get3A_10 {offsets = [6], sizes = [1], strides = [1]} : vector<16xi32> to vector<1xi32>
    %squeeze3A_127 = vector.extract %slice3A_126[0] : i32 from vector<1xi32>
    %shift_right_arithmetic3A_128 = arith.constant 7 : i32
    %shift_right_arithmetic3A_129 = arith.shrsi %squeeze3A_127, %shift_right_arithmetic3A_128 : i32
    %mul3A_130 = arith.constant 128 : i32
    %mul3A_131 = arith.muli %shift_right_arithmetic3A_129, %mul3A_130 : i32
    %multiple_of3A_132 = tpu.assume_multiple %mul3A_131, 128 : i32
    %dma_start3A_133 = arith.constant 6 : i32
    %dma_start3A_134 = arith.constant 0 : i32
    %dma_start3A_135 = arith.constant 0 : i32
    %dma_start3A_136 = tpu.memref_slice %arg10[%dma_start3A_133, %dma_start3A_134, %dma_start3A_135] : memref<16x32x128xf32, #tpu.memory_space<vmem>> -> memref<1x32x128xf32, #tpu.memory_space<vmem>>
    %dma_start3A_137 = tpu.memref_squeeze %dma_start3A_136 : memref<1x32x128xf32, #tpu.memory_space<vmem>> -> memref<32x128xf32, #tpu.memory_space<vmem>>
    %dma_start3A_138 = arith.constant 0 : i32
    %dma_start3A_139 = tpu.memref_slice %arg4[%dma_start3A_138, %multiple_of3A_132] : memref<32x1000000xf32, #tpu.memory_space<hbm>> -> memref<32x128xf32, #tpu.memory_space<hbm>>
    %dma_start3A_140 = arith.constant 0 : i32
    %dma_start3A_141 = arith.constant 0 : i32
    %dma_start3A_142 = tpu.memref_slice %arg10[%dma_start3A_133, %dma_start3A_140, %dma_start3A_141] : memref<16x32x128xf32, #tpu.memory_space<vmem>> -> memref<1x32x128xf32, #tpu.memory_space<vmem>>
    %dma_start3A_143 = tpu.memref_squeeze %dma_start3A_142 : memref<1x32x128xf32, #tpu.memory_space<vmem>> -> memref<32x128xf32, #tpu.memory_space<vmem>>
    %dma_start3A_144 = arith.constant 0 : i32
    %dma_start3A_145 = tpu.memref_slice %arg4[%dma_start3A_144, %multiple_of3A_132] : memref<32x1000000xf32, #tpu.memory_space<hbm>> -> memref<32x128xf32, #tpu.memory_space<hbm>>
    tpu.enqueue_dma source(%dma_start3A_145 : memref<32x128xf32, #tpu.memory_space<hbm>>) target(%dma_start3A_143 : memref<32x128xf32, #tpu.memory_space<vmem>>) target_semaphore(%arg14 : memref<!tpu.dma_semaphore, #tpu.memory_space<semaphore_mem>>)
    %slice3A_146 = vector.extract_strided_slice %get3A_10 {offsets = [7], sizes = [1], strides = [1]} : vector<16xi32> to vector<1xi32>
    %squeeze3A_147 = vector.extract %slice3A_146[0] : i32 from vector<1xi32>
    %shift_right_arithmetic3A_148 = arith.constant 7 : i32
    %shift_right_arithmetic3A_149 = arith.shrsi %squeeze3A_147, %shift_right_arithmetic3A_148 : i32
    %mul3A_150 = arith.constant 128 : i32
    %mul3A_151 = arith.muli %shift_right_arithmetic3A_149, %mul3A_150 : i32
    %multiple_of3A_152 = tpu.assume_multiple %mul3A_151, 128 : i32
    %dma_start3A_153 = arith.constant 7 : i32
    %dma_start3A_154 = arith.constant 0 : i32
    %dma_start3A_155 = arith.constant 0 : i32
    %dma_start3A_156 = tpu.memref_slice %arg10[%dma_start3A_153, %dma_start3A_154, %dma_start3A_155] : memref<16x32x128xf32, #tpu.memory_space<vmem>> -> memref<1x32x128xf32, #tpu.memory_space<vmem>>
    %dma_start3A_157 = tpu.memref_squeeze %dma_start3A_156 : memref<1x32x128xf32, #tpu.memory_space<vmem>> -> memref<32x128xf32, #tpu.memory_space<vmem>>
    %dma_start3A_158 = arith.constant 0 : i32
    %dma_start3A_159 = tpu.memref_slice %arg4[%dma_start3A_158, %multiple_of3A_152] : memref<32x1000000xf32, #tpu.memory_space<hbm>> -> memref<32x128xf32, #tpu.memory_space<hbm>>
    %dma_start3A_160 = arith.constant 0 : i32
    %dma_start3A_161 = arith.constant 0 : i32
    %dma_start3A_162 = tpu.memref_slice %arg10[%dma_start3A_153, %dma_start3A_160, %dma_start3A_161] : memref<16x32x128xf32, #tpu.memory_space<vmem>> -> memref<1x32x128xf32, #tpu.memory_space<vmem>>
    %dma_start3A_163 = tpu.memref_squeeze %dma_start3A_162 : memref<1x32x128xf32, #tpu.memory_space<vmem>> -> memref<32x128xf32, #tpu.memory_space<vmem>>
    %dma_start3A_164 = arith.constant 0 : i32
    %dma_start3A_165 = tpu.memref_slice %arg4[%dma_start3A_164, %multiple_of3A_152] : memref<32x1000000xf32, #tpu.memory_space<hbm>> -> memref<32x128xf32, #tpu.memory_space<hbm>>
    tpu.enqueue_dma source(%dma_start3A_165 : memref<32x128xf32, #tpu.memory_space<hbm>>) target(%dma_start3A_163 : memref<32x128xf32, #tpu.memory_space<vmem>>) target_semaphore(%arg14 : memref<!tpu.dma_semaphore, #tpu.memory_space<semaphore_mem>>)
    %dma_start3A_166 = arith.constant 0 : i32
    %dma_start3A_167 = tpu.memref_slice %arg9[%dma_start3A_166] : memref<512xi32, #tpu.memory_space<vmem>> -> memref<8xi32, #tpu.memory_space<vmem>>
    %dma_start3A_168 = arith.constant 0 : i32
    %dma_start3A_169 = arith.constant 0 : i32
    %dma_start3A_170 = tpu.memref_slice %arg5[%dma_start3A_168, %dma_start3A_169] : memref<25000x128xf32, #tpu.memory_space<hbm>> -> memref<25000x128xf32, #tpu.memory_space<hbm>>
    tpu.enqueue_indirect_dma source(%dma_start3A_170 : memref<25000x128xf32, #tpu.memory_space<hbm>>) target(%arg11 : memref<8x128xf32, #tpu.memory_space<vmem>>) offsets(%dma_start3A_167 : memref<8xi32, #tpu.memory_space<vmem>>) semaphore(%arg14 : memref<!tpu.dma_semaphore, #tpu.memory_space<semaphore_mem>>)
    %scan3A_171 = arith.constant 0 : i32
    %scan3A_172 = arith.constant 0 : i32
    %scan3A_173 = arith.constant 32 : i32
    %scan3A_174 = arith.addi %scan3A_172, %scan3A_173 : i32
    %scan3A_175 = arith.constant 1 : i32
    scf.for %scan3A_177 = %scan3A_172 to %scan3A_174 step %scan3A_175  : i32 {
      %mul3A_178 = arith.constant 2 : i32
      %mul3A_179 = arith.muli %mul3A_178, %scan3A_177 : i32
      %add3A_180 = arith.constant 1 : i32
      %add3A_181 = arith.addi %mul3A_179, %add3A_180 : i32
      %mul3A_182 = arith.constant 8 : i32
      %mul3A_183 = arith.muli %add3A_181, %mul3A_182 : i32
      %get3A_184 = arith.index_cast %mul3A_183 : i32 to index
      %get3A_185 = tpu.vector_load %arg7[%get3A_184] {strides = array<i32>} : memref<528xi32, #tpu.memory_space<vmem>>, vector<16xi32>,
      %slice3A_186 = vector.extract_strided_slice %get3A_185 {offsets = [0], sizes = [1], strides = [1]} : vector<16xi32> to vector<1xi32>
      %squeeze3A_187 = vector.extract %slice3A_186[0] : i32 from vector<1xi32>
      %shift_right_arithmetic3A_188 = arith.constant 7 : i32
      %shift_right_arithmetic3A_189 = arith.shrsi %squeeze3A_187, %shift_right_arithmetic3A_188 : i32
      %mul3A_190 = arith.constant 128 : i32
      %mul3A_191 = arith.muli %shift_right_arithmetic3A_189, %mul3A_190 : i32
      %multiple_of3A_192 = tpu.assume_multiple %mul3A_191, 128 : i32
      %dma_start3A_193 = arith.constant 8 : i32
      %dma_start3A_194 = arith.constant 0 : i32
      %dma_start3A_195 = arith.constant 0 : i32
      %dma_start3A_196 = tpu.memref_slice %arg10[%dma_start3A_193, %dma_start3A_194, %dma_start3A_195] : memref<16x32x128xf32, #tpu.memory_space<vmem>> -> memref<1x32x128xf32, #tpu.memory_space<vmem>>
      %dma_start3A_197 = tpu.memref_squeeze %dma_start3A_196 : memref<1x32x128xf32, #tpu.memory_space<vmem>> -> memref<32x128xf32, #tpu.memory_space<vmem>>
      %dma_start3A_198 = arith.constant 0 : i32
      %dma_start3A_199 = tpu.memref_slice %arg4[%dma_start3A_198, %multiple_of3A_192] : memref<32x1000000xf32, #tpu.memory_space<hbm>> -> memref<32x128xf32, #tpu.memory_space<hbm>>
      %dma_start3A_200 = arith.constant 0 : i32
      %dma_start3A_201 = arith.constant 0 : i32
      %dma_start3A_202 = tpu.memref_slice %arg10[%dma_start3A_193, %dma_start3A_200, %dma_start3A_201] : memref<16x32x128xf32, #tpu.memory_space<vmem>> -> memref<1x32x128xf32, #tpu.memory_space<vmem>>
      %dma_start3A_203 = tpu.memref_squeeze %dma_start3A_202 : memref<1x32x128xf32, #tpu.memory_space<vmem>> -> memref<32x128xf32, #tpu.memory_space<vmem>>
      %dma_start3A_204 = arith.constant 0 : i32
      %dma_start3A_205 = tpu.memref_slice %arg4[%dma_start3A_204, %multiple_of3A_192] : memref<32x1000000xf32, #tpu.memory_space<hbm>> -> memref<32x128xf32, #tpu.memory_space<hbm>>
      tpu.enqueue_dma source(%dma_start3A_205 : memref<32x128xf32, #tpu.memory_space<hbm>>) target(%dma_start3A_203 : memref<32x128xf32, #tpu.memory_space<vmem>>) target_semaphore(%arg15 : memref<!tpu.dma_semaphore, #tpu.memory_space<semaphore_mem>>)
      %slice3A_206 = vector.extract_strided_slice %get3A_185 {offsets = [1], sizes = [1], strides = [1]} : vector<16xi32> to vector<1xi32>
      %squeeze3A_207 = vector.extract %slice3A_206[0] : i32 from vector<1xi32>
      %shift_right_arithmetic3A_208 = arith.constant 7 : i32
      %shift_right_arithmetic3A_209 = arith.shrsi %squeeze3A_207, %shift_right_arithmetic3A_208 : i32
      %mul3A_210 = arith.constant 128 : i32
      %mul3A_211 = arith.muli %shift_right_arithmetic3A_209, %mul3A_210 : i32
      %multiple_of3A_212 = tpu.assume_multiple %mul3A_211, 128 : i32
      %dma_start3A_213 = arith.constant 9 : i32
      %dma_start3A_214 = arith.constant 0 : i32
      %dma_start3A_215 = arith.constant 0 : i32
      %dma_start3A_216 = tpu.memref_slice %arg10[%dma_start3A_213, %dma_start3A_214, %dma_start3A_215] : memref<16x32x128xf32, #tpu.memory_space<vmem>> -> memref<1x32x128xf32, #tpu.memory_space<vmem>>
      %dma_start3A_217 = tpu.memref_squeeze %dma_start3A_216 : memref<1x32x128xf32, #tpu.memory_space<vmem>> -> memref<32x128xf32, #tpu.memory_space<vmem>>
      %dma_start3A_218 = arith.constant 0 : i32
      %dma_start3A_219 = tpu.memref_slice %arg4[%dma_start3A_218, %multiple_of3A_212] : memref<32x1000000xf32, #tpu.memory_space<hbm>> -> memref<32x128xf32, #tpu.memory_space<hbm>>
      %dma_start3A_220 = arith.constant 0 : i32
      %dma_start3A_221 = arith.constant 0 : i32
      %dma_start3A_222 = tpu.memref_slice %arg10[%dma_start3A_213, %dma_start3A_220, %dma_start3A_221] : memref<16x32x128xf32, #tpu.memory_space<vmem>> -> memref<1x32x128xf32, #tpu.memory_space<vmem>>
      %dma_start3A_223 = tpu.memref_squeeze %dma_start3A_222 : memref<1x32x128xf32, #tpu.memory_space<vmem>> -> memref<32x128xf32, #tpu.memory_space<vmem>>
      %dma_start3A_224 = arith.constant 0 : i32
      %dma_start3A_225 = tpu.memref_slice %arg4[%dma_start3A_224, %multiple_of3A_212] : memref<32x1000000xf32, #tpu.memory_space<hbm>> -> memref<32x128xf32, #tpu.memory_space<hbm>>
      tpu.enqueue_dma source(%dma_start3A_225 : memref<32x128xf32, #tpu.memory_space<hbm>>) target(%dma_start3A_223 : memref<32x128xf32, #tpu.memory_space<vmem>>) target_semaphore(%arg15 : memref<!tpu.dma_semaphore, #tpu.memory_space<semaphore_mem>>)
      %slice3A_226 = vector.extract_strided_slice %get3A_185 {offsets = [2], sizes = [1], strides = [1]} : vector<16xi32> to vector<1xi32>
      %squeeze3A_227 = vector.extract %slice3A_226[0] : i32 from vector<1xi32>
      %shift_right_arithmetic3A_228 = arith.constant 7 : i32
      %shift_right_arithmetic3A_229 = arith.shrsi %squeeze3A_227, %shift_right_arithmetic3A_228 : i32
      %mul3A_230 = arith.constant 128 : i32
      %mul3A_231 = arith.muli %shift_right_arithmetic3A_229, %mul3A_230 : i32
      %multiple_of3A_232 = tpu.assume_multiple %mul3A_231, 128 : i32
      %dma_start3A_233 = arith.constant 10 : i32
      %dma_start3A_234 = arith.constant 0 : i32
      %dma_start3A_235 = arith.constant 0 : i32
      %dma_start3A_236 = tpu.memref_slice %arg10[%dma_start3A_233, %dma_start3A_234, %dma_start3A_235] : memref<16x32x128xf32, #tpu.memory_space<vmem>> -> memref<1x32x128xf32, #tpu.memory_space<vmem>>
      %dma_start3A_237 = tpu.memref_squeeze %dma_start3A_236 : memref<1x32x128xf32, #tpu.memory_space<vmem>> -> memref<32x128xf32, #tpu.memory_space<vmem>>
      %dma_start3A_238 = arith.constant 0 : i32
      %dma_start3A_239 = tpu.memref_slice %arg4[%dma_start3A_238, %multiple_of3A_232] : memref<32x1000000xf32, #tpu.memory_space<hbm>> -> memref<32x128xf32, #tpu.memory_space<hbm>>
      %dma_start3A_240 = arith.constant 0 : i32
      %dma_start3A_241 = arith.constant 0 : i32
      %dma_start3A_242 = tpu.memref_slice %arg10[%dma_start3A_233, %dma_start3A_240, %dma_start3A_241] : memref<16x32x128xf32, #tpu.memory_space<vmem>> -> memref<1x32x128xf32, #tpu.memory_space<vmem>>
      %dma_start3A_243 = tpu.memref_squeeze %dma_start3A_242 : memref<1x32x128xf32, #tpu.memory_space<vmem>> -> memref<32x128xf32, #tpu.memory_space<vmem>>
      %dma_start3A_244 = arith.constant 0 : i32
      %dma_start3A_245 = tpu.memref_slice %arg4[%dma_start3A_244, %multiple_of3A_232] : memref<32x1000000xf32, #tpu.memory_space<hbm>> -> memref<32x128xf32, #tpu.memory_space<hbm>>
      tpu.enqueue_dma source(%dma_start3A_245 : memref<32x128xf32, #tpu.memory_space<hbm>>) target(%dma_start3A_243 : memref<32x128xf32, #tpu.memory_space<vmem>>) target_semaphore(%arg15 : memref<!tpu.dma_semaphore, #tpu.memory_space<semaphore_mem>>)
      %slice3A_246 = vector.extract_strided_slice %get3A_185 {offsets = [3], sizes = [1], strides = [1]} : vector<16xi32> to vector<1xi32>
      %squeeze3A_247 = vector.extract %slice3A_246[0] : i32 from vector<1xi32>
      %shift_right_arithmetic3A_248 = arith.constant 7 : i32
      %shift_right_arithmetic3A_249 = arith.shrsi %squeeze3A_247, %shift_right_arithmetic3A_248 : i32
      %mul3A_250 = arith.constant 128 : i32
      %mul3A_251 = arith.muli %shift_right_arithmetic3A_249, %mul3A_250 : i32
      %multiple_of3A_252 = tpu.assume_multiple %mul3A_251, 128 : i32
      %dma_start3A_253 = arith.constant 11 : i32
      %dma_start3A_254 = arith.constant 0 : i32
      %dma_start3A_255 = arith.constant 0 : i32
      %dma_start3A_256 = tpu.memref_slice %arg10[%dma_start3A_253, %dma_start3A_254, %dma_start3A_255] : memref<16x32x128xf32, #tpu.memory_space<vmem>> -> memref<1x32x128xf32, #tpu.memory_space<vmem>>
      %dma_start3A_257 = tpu.memref_squeeze %dma_start3A_256 : memref<1x32x128xf32, #tpu.memory_space<vmem>> -> memref<32x128xf32, #tpu.memory_space<vmem>>
      %dma_start3A_258 = arith.constant 0 : i32
      %dma_start3A_259 = tpu.memref_slice %arg4[%dma_start3A_258, %multiple_of3A_252] : memref<32x1000000xf32, #tpu.memory_space<hbm>> -> memref<32x128xf32, #tpu.memory_space<hbm>>
      %dma_start3A_260 = arith.constant 0 : i32
      %dma_start3A_261 = arith.constant 0 : i32
      %dma_start3A_262 = tpu.memref_slice %arg10[%dma_start3A_253, %dma_start3A_260, %dma_start3A_261] : memref<16x32x128xf32, #tpu.memory_space<vmem>> -> memref<1x32x128xf32, #tpu.memory_space<vmem>>
      %dma_start3A_263 = tpu.memref_squeeze %dma_start3A_262 : memref<1x32x128xf32, #tpu.memory_space<vmem>> -> memref<32x128xf32, #tpu.memory_space<vmem>>
      %dma_start3A_264 = arith.constant 0 : i32
      %dma_start3A_265 = tpu.memref_slice %arg4[%dma_start3A_264, %multiple_of3A_252] : memref<32x1000000xf32, #tpu.memory_space<hbm>> -> memref<32x128xf32, #tpu.memory_space<hbm>>
      tpu.enqueue_dma source(%dma_start3A_265 : memref<32x128xf32, #tpu.memory_space<hbm>>) target(%dma_start3A_263 : memref<32x128xf32, #tpu.memory_space<vmem>>) target_semaphore(%arg15 : memref<!tpu.dma_semaphore, #tpu.memory_space<semaphore_mem>>)
      %slice3A_266 = vector.extract_strided_slice %get3A_185 {offsets = [4], sizes = [1], strides = [1]} : vector<16xi32> to vector<1xi32>
      %squeeze3A_267 = vector.extract %slice3A_266[0] : i32 from vector<1xi32>
      %shift_right_arithmetic3A_268 = arith.constant 7 : i32
      %shift_right_arithmetic3A_269 = arith.shrsi %squeeze3A_267, %shift_right_arithmetic3A_268 : i32
      %mul3A_270 = arith.constant 128 : i32
      %mul3A_271 = arith.muli %shift_right_arithmetic3A_269, %mul3A_270 : i32
      %multiple_of3A_272 = tpu.assume_multiple %mul3A_271, 128 : i32
      %dma_start3A_273 = arith.constant 12 : i32
      %dma_start3A_274 = arith.constant 0 : i32
      %dma_start3A_275 = arith.constant 0 : i32
      %dma_start3A_276 = tpu.memref_slice %arg10[%dma_start3A_273, %dma_start3A_274, %dma_start3A_275] : memref<16x32x128xf32, #tpu.memory_space<vmem>> -> memref<1x32x128xf32, #tpu.memory_space<vmem>>
      %dma_start3A_277 = tpu.memref_squeeze %dma_start3A_276 : memref<1x32x128xf32, #tpu.memory_space<vmem>> -> memref<32x128xf32, #tpu.memory_space<vmem>>
      %dma_start3A_278 = arith.constant 0 : i32
      %dma_start3A_279 = tpu.memref_slice %arg4[%dma_start3A_278, %multiple_of3A_272] : memref<32x1000000xf32, #tpu.memory_space<hbm>> -> memref<32x128xf32, #tpu.memory_space<hbm>>
      %dma_start3A_280 = arith.constant 0 : i32
      %dma_start3A_281 = arith.constant 0 : i32
      %dma_start3A_282 = tpu.memref_slice %arg10[%dma_start3A_273, %dma_start3A_280, %dma_start3A_281] : memref<16x32x128xf32, #tpu.memory_space<vmem>> -> memref<1x32x128xf32, #tpu.memory_space<vmem>>
      %dma_start3A_283 = tpu.memref_squeeze %dma_start3A_282 : memref<1x32x128xf32, #tpu.memory_space<vmem>> -> memref<32x128xf32, #tpu.memory_space<vmem>>
      %dma_start3A_284 = arith.constant 0 : i32
      %dma_start3A_285 = tpu.memref_slice %arg4[%dma_start3A_284, %multiple_of3A_272] : memref<32x1000000xf32, #tpu.memory_space<hbm>> -> memref<32x128xf32, #tpu.memory_space<hbm>>
      tpu.enqueue_dma source(%dma_start3A_285 : memref<32x128xf32, #tpu.memory_space<hbm>>) target(%dma_start3A_283 : memref<32x128xf32, #tpu.memory_space<vmem>>) target_semaphore(%arg15 : memref<!tpu.dma_semaphore, #tpu.memory_space<semaphore_mem>>)
      %slice3A_286 = vector.extract_strided_slice %get3A_185 {offsets = [5], sizes = [1], strides = [1]} : vector<16xi32> to vector<1xi32>
      %squeeze3A_287 = vector.extract %slice3A_286[0] : i32 from vector<1xi32>
      %shift_right_arithmetic3A_288 = arith.constant 7 : i32
      %shift_right_arithmetic3A_289 = arith.shrsi %squeeze3A_287, %shift_right_arithmetic3A_288 : i32
      %mul3A_290 = arith.constant 128 : i32
      %mul3A_291 = arith.muli %shift_right_arithmetic3A_289, %mul3A_290 : i32
      %multiple_of3A_292 = tpu.assume_multiple %mul3A_291, 128 : i32
      %dma_start3A_293 = arith.constant 13 : i32
      %dma_start3A_294 = arith.constant 0 : i32
      %dma_start3A_295 = arith.constant 0 : i32
      %dma_start3A_296 = tpu.memref_slice %arg10[%dma_start3A_293, %dma_start3A_294, %dma_start3A_295] : memref<16x32x128xf32, #tpu.memory_space<vmem>> -> memref<1x32x128xf32, #tpu.memory_space<vmem>>
      %dma_start3A_297 = tpu.memref_squeeze %dma_start3A_296 : memref<1x32x128xf32, #tpu.memory_space<vmem>> -> memref<32x128xf32, #tpu.memory_space<vmem>>
      %dma_start3A_298 = arith.constant 0 : i32
      %dma_start3A_299 = tpu.memref_slice %arg4[%dma_start3A_298, %multiple_of3A_292] : memref<32x1000000xf32, #tpu.memory_space<hbm>> -> memref<32x128xf32, #tpu.memory_space<hbm>>
      %dma_start3A_300 = arith.constant 0 : i32
      %dma_start3A_301 = arith.constant 0 : i32
      %dma_start3A_302 = tpu.memref_slice %arg10[%dma_start3A_293, %dma_start3A_300, %dma_start3A_301] : memref<16x32x128xf32, #tpu.memory_space<vmem>> -> memref<1x32x128xf32, #tpu.memory_space<vmem>>
      %dma_start3A_303 = tpu.memref_squeeze %dma_start3A_302 : memref<1x32x128xf32, #tpu.memory_space<vmem>> -> memref<32x128xf32, #tpu.memory_space<vmem>>
      %dma_start3A_304 = arith.constant 0 : i32
      %dma_start3A_305 = tpu.memref_slice %arg4[%dma_start3A_304, %multiple_of3A_292] : memref<32x1000000xf32, #tpu.memory_space<hbm>> -> memref<32x128xf32, #tpu.memory_space<hbm>>
      tpu.enqueue_dma source(%dma_start3A_305 : memref<32x128xf32, #tpu.memory_space<hbm>>) target(%dma_start3A_303 : memref<32x128xf32, #tpu.memory_space<vmem>>) target_semaphore(%arg15 : memref<!tpu.dma_semaphore, #tpu.memory_space<semaphore_mem>>)
      %slice3A_306 = vector.extract_strided_slice %get3A_185 {offsets = [6], sizes = [1], strides = [1]} : vector<16xi32> to vector<1xi32>
      %squeeze3A_307 = vector.extract %slice3A_306[0] : i32 from vector<1xi32>
      %shift_right_arithmetic3A_308 = arith.constant 7 : i32
      %shift_right_arithmetic3A_309 = arith.shrsi %squeeze3A_307, %shift_right_arithmetic3A_308 : i32
      %mul3A_310 = arith.constant 128 : i32
      %mul3A_311 = arith.muli %shift_right_arithmetic3A_309, %mul3A_310 : i32
      %multiple_of3A_312 = tpu.assume_multiple %mul3A_311, 128 : i32
      %dma_start3A_313 = arith.constant 14 : i32
      %dma_start3A_314 = arith.constant 0 : i32
      %dma_start3A_315 = arith.constant 0 : i32
      %dma_start3A_316 = tpu.memref_slice %arg10[%dma_start3A_313, %dma_start3A_314, %dma_start3A_315] : memref<16x32x128xf32, #tpu.memory_space<vmem>> -> memref<1x32x128xf32, #tpu.memory_space<vmem>>
      %dma_start3A_317 = tpu.memref_squeeze %dma_start3A_316 : memref<1x32x128xf32, #tpu.memory_space<vmem>> -> memref<32x128xf32, #tpu.memory_space<vmem>>
      %dma_start3A_318 = arith.constant 0 : i32
      %dma_start3A_319 = tpu.memref_slice %arg4[%dma_start3A_318, %multiple_of3A_312] : memref<32x1000000xf32, #tpu.memory_space<hbm>> -> memref<32x128xf32, #tpu.memory_space<hbm>>
      %dma_start3A_320 = arith.constant 0 : i32
      %dma_start3A_321 = arith.constant 0 : i32
      %dma_start3A_322 = tpu.memref_slice %arg10[%dma_start3A_313, %dma_start3A_320, %dma_start3A_321] : memref<16x32x128xf32, #tpu.memory_space<vmem>> -> memref<1x32x128xf32, #tpu.memory_space<vmem>>
      %dma_start3A_323 = tpu.memref_squeeze %dma_start3A_322 : memref<1x32x128xf32, #tpu.memory_space<vmem>> -> memref<32x128xf32, #tpu.memory_space<vmem>>
      %dma_start3A_324 = arith.constant 0 : i32
      %dma_start3A_325 = tpu.memref_slice %arg4[%dma_start3A_324, %multiple_of3A_312] : memref<32x1000000xf32, #tpu.memory_space<hbm>> -> memref<32x128xf32, #tpu.memory_space<hbm>>
      tpu.enqueue_dma source(%dma_start3A_325 : memref<32x128xf32, #tpu.memory_space<hbm>>) target(%dma_start3A_323 : memref<32x128xf32, #tpu.memory_space<vmem>>) target_semaphore(%arg15 : memref<!tpu.dma_semaphore, #tpu.memory_space<semaphore_mem>>)
      %slice3A_326 = vector.extract_strided_slice %get3A_185 {offsets = [7], sizes = [1], strides = [1]} : vector<16xi32> to vector<1xi32>
      %squeeze3A_327 = vector.extract %slice3A_326[0] : i32 from vector<1xi32>
      %shift_right_arithmetic3A_328 = arith.constant 7 : i32
      %shift_right_arithmetic3A_329 = arith.shrsi %squeeze3A_327, %shift_right_arithmetic3A_328 : i32
      %mul3A_330 = arith.constant 128 : i32
      %mul3A_331 = arith.muli %shift_right_arithmetic3A_329, %mul3A_330 : i32
      %multiple_of3A_332 = tpu.assume_multiple %mul3A_331, 128 : i32
      %dma_start3A_333 = arith.constant 15 : i32
      %dma_start3A_334 = arith.constant 0 : i32
      %dma_start3A_335 = arith.constant 0 : i32
      %dma_start3A_336 = tpu.memref_slice %arg10[%dma_start3A_333, %dma_start3A_334, %dma_start3A_335] : memref<16x32x128xf32, #tpu.memory_space<vmem>> -> memref<1x32x128xf32, #tpu.memory_space<vmem>>
      %dma_start3A_337 = tpu.memref_squeeze %dma_start3A_336 : memref<1x32x128xf32, #tpu.memory_space<vmem>> -> memref<32x128xf32, #tpu.memory_space<vmem>>
      %dma_start3A_338 = arith.constant 0 : i32
      %dma_start3A_339 = tpu.memref_slice %arg4[%dma_start3A_338, %multiple_of3A_332] : memref<32x1000000xf32, #tpu.memory_space<hbm>> -> memref<32x128xf32, #tpu.memory_space<hbm>>
      %dma_start3A_340 = arith.constant 0 : i32
      %dma_start3A_341 = arith.constant 0 : i32
      %dma_start3A_342 = tpu.memref_slice %arg10[%dma_start3A_333, %dma_start3A_340, %dma_start3A_341] : memref<16x32x128xf32, #tpu.memory_space<vmem>> -> memref<1x32x128xf32, #tpu.memory_space<vmem>>
      %dma_start3A_343 = tpu.memref_squeeze %dma_start3A_342 : memref<1x32x128xf32, #tpu.memory_space<vmem>> -> memref<32x128xf32, #tpu.memory_space<vmem>>
      %dma_start3A_344 = arith.constant 0 : i32
      %dma_start3A_345 = tpu.memref_slice %arg4[%dma_start3A_344, %multiple_of3A_332] : memref<32x1000000xf32, #tpu.memory_space<hbm>> -> memref<32x128xf32, #tpu.memory_space<hbm>>
      tpu.enqueue_dma source(%dma_start3A_345 : memref<32x128xf32, #tpu.memory_space<hbm>>) target(%dma_start3A_343 : memref<32x128xf32, #tpu.memory_space<vmem>>) target_semaphore(%arg15 : memref<!tpu.dma_semaphore, #tpu.memory_space<semaphore_mem>>)
      %mul3A_346 = arith.constant 8 : i32
      %mul3A_347 = arith.muli %add3A_181, %mul3A_346 : i32
      %dma_start3A_348 = tpu.memref_slice %arg9[%mul3A_347] : memref<512xi32, #tpu.memory_space<vmem>> -> memref<8xi32, #tpu.memory_space<vmem>>
      %dma_start3A_349 = arith.constant 0 : i32
      %dma_start3A_350 = arith.constant 0 : i32
      %dma_start3A_351 = tpu.memref_slice %arg5[%dma_start3A_349, %dma_start3A_350] : memref<25000x128xf32, #tpu.memory_space<hbm>> -> memref<25000x128xf32, #tpu.memory_space<hbm>>
      tpu.enqueue_indirect_dma source(%dma_start3A_351 : memref<25000x128xf32, #tpu.memory_space<hbm>>) target(%arg12 : memref<8x128xf32, #tpu.memory_space<vmem>>) offsets(%dma_start3A_348 : memref<8xi32, #tpu.memory_space<vmem>>) semaphore(%arg15 : memref<!tpu.dma_semaphore, #tpu.memory_space<semaphore_mem>>)
      %dma_wait3A = arith.constant 0 : i32
      %dma_wait3A_352 = arith.constant 0 : i32
      %dma_wait3A_353 = arith.constant 0 : i32
      %dma_wait3A_354 = tpu.memref_slice %arg10[%dma_wait3A, %dma_wait3A_352, %dma_wait3A_353] : memref<16x32x128xf32, #tpu.memory_space<vmem>> -> memref<1x32x128xf32, #tpu.memory_space<vmem>>
      %dma_wait3A_355 = tpu.memref_squeeze %dma_wait3A_354 : memref<1x32x128xf32, #tpu.memory_space<vmem>> -> memref<32x128xf32, #tpu.memory_space<vmem>>
      %dma_wait3A_356 = arith.constant 0 : i32
      %dma_wait3A_357 = arith.constant 0 : i32
      %dma_wait3A_358 = tpu.memref_slice %arg4[%dma_wait3A_356, %dma_wait3A_357] : memref<32x1000000xf32, #tpu.memory_space<hbm>> -> memref<32x128xf32, #tpu.memory_space<hbm>>
      %dma_wait3A_359 = arith.constant 0 : i32
      %dma_wait3A_360 = arith.constant 0 : i32
      %dma_wait3A_361 = tpu.memref_slice %arg10[%dma_wait3A, %dma_wait3A_359, %dma_wait3A_360] : memref<16x32x128xf32, #tpu.memory_space<vmem>> -> memref<1x32x128xf32, #tpu.memory_space<vmem>>
      %dma_wait3A_362 = tpu.memref_squeeze %dma_wait3A_361 : memref<1x32x128xf32, #tpu.memory_space<vmem>> -> memref<32x128xf32, #tpu.memory_space<vmem>>
      %dma_wait3A_363 = arith.constant 0 : i32
      %dma_wait3A_364 = arith.constant 0 : i32
      %dma_wait3A_365 = tpu.memref_slice %arg4[%dma_wait3A_363, %dma_wait3A_364] : memref<32x1000000xf32, #tpu.memory_space<hbm>> -> memref<32x128xf32, #tpu.memory_space<hbm>>
      tpu.wait_dma2 semaphore(%arg14 : memref<!tpu.dma_semaphore, #tpu.memory_space<semaphore_mem>>) src(%dma_wait3A_365 : memref<32x128xf32, #tpu.memory_space<hbm>>) dst(%dma_wait3A_362 : memref<32x128xf32, #tpu.memory_space<vmem>>)
      %dma_wait3A_366 = arith.constant 1 : i32
      %dma_wait3A_367 = arith.constant 0 : i32
      %dma_wait3A_368 = arith.constant 0 : i32
      %dma_wait3A_369 = tpu.memref_slice %arg10[%dma_wait3A_366, %dma_wait3A_367, %dma_wait3A_368] : memref<16x32x128xf32, #tpu.memory_space<vmem>> -> memref<1x32x128xf32, #tpu.memory_space<vmem>>
      %dma_wait3A_370 = tpu.memref_squeeze %dma_wait3A_369 : memref<1x32x128xf32, #tpu.memory_space<vmem>> -> memref<32x128xf32, #tpu.memory_space<vmem>>
      %dma_wait3A_371 = arith.constant 0 : i32
      %dma_wait3A_372 = arith.constant 0 : i32
      %dma_wait3A_373 = tpu.memref_slice %arg4[%dma_wait3A_371, %dma_wait3A_372] : memref<32x1000000xf32, #tpu.memory_space<hbm>> -> memref<32x128xf32, #tpu.memory_space<hbm>>
      %dma_wait3A_374 = arith.constant 0 : i32
      %dma_wait3A_375 = arith.constant 0 : i32
      %dma_wait3A_376 = tpu.memref_slice %arg10[%dma_wait3A_366, %dma_wait3A_374, %dma_wait3A_375] : memref<16x32x128xf32, #tpu.memory_space<vmem>> -> memref<1x32x128xf32, #tpu.memory_space<vmem>>
      %dma_wait3A_377 = tpu.memref_squeeze %dma_wait3A_376 : memref<1x32x128xf32, #tpu.memory_space<vmem>> -> memref<32x128xf32, #tpu.memory_space<vmem>>
      %dma_wait3A_378 = arith.constant 0 : i32
      %dma_wait3A_379 = arith.constant 0 : i32
      %dma_wait3A_380 = tpu.memref_slice %arg4[%dma_wait3A_378, %dma_wait3A_379] : memref<32x1000000xf32, #tpu.memory_space<hbm>> -> memref<32x128xf32, #tpu.memory_space<hbm>>
      tpu.wait_dma2 semaphore(%arg14 : memref<!tpu.dma_semaphore, #tpu.memory_space<semaphore_mem>>) src(%dma_wait3A_380 : memref<32x128xf32, #tpu.memory_space<hbm>>) dst(%dma_wait3A_377 : memref<32x128xf32, #tpu.memory_space<vmem>>)
      %dma_wait3A_381 = arith.constant 2 : i32
      %dma_wait3A_382 = arith.constant 0 : i32
      %dma_wait3A_383 = arith.constant 0 : i32
      %dma_wait3A_384 = tpu.memref_slice %arg10[%dma_wait3A_381, %dma_wait3A_382, %dma_wait3A_383] : memref<16x32x128xf32, #tpu.memory_space<vmem>> -> memref<1x32x128xf32, #tpu.memory_space<vmem>>
      %dma_wait3A_385 = tpu.memref_squeeze %dma_wait3A_384 : memref<1x32x128xf32, #tpu.memory_space<vmem>> -> memref<32x128xf32, #tpu.memory_space<vmem>>
      %dma_wait3A_386 = arith.constant 0 : i32
      %dma_wait3A_387 = arith.constant 0 : i32
      %dma_wait3A_388 = tpu.memref_slice %arg4[%dma_wait3A_386, %dma_wait3A_387] : memref<32x1000000xf32, #tpu.memory_space<hbm>> -> memref<32x128xf32, #tpu.memory_space<hbm>>
      %dma_wait3A_389 = arith.constant 0 : i32
      %dma_wait3A_390 = arith.constant 0 : i32
      %dma_wait3A_391 = tpu.memref_slice %arg10[%dma_wait3A_381, %dma_wait3A_389, %dma_wait3A_390] : memref<16x32x128xf32, #tpu.memory_space<vmem>> -> memref<1x32x128xf32, #tpu.memory_space<vmem>>
      %dma_wait3A_392 = tpu.memref_squeeze %dma_wait3A_391 : memref<1x32x128xf32, #tpu.memory_space<vmem>> -> memref<32x128xf32, #tpu.memory_space<vmem>>
      %dma_wait3A_393 = arith.constant 0 : i32
      %dma_wait3A_394 = arith.constant 0 : i32
      %dma_wait3A_395 = tpu.memref_slice %arg4[%dma_wait3A_393, %dma_wait3A_394] : memref<32x1000000xf32, #tpu.memory_space<hbm>> -> memref<32x128xf32, #tpu.memory_space<hbm>>
      tpu.wait_dma2 semaphore(%arg14 : memref<!tpu.dma_semaphore, #tpu.memory_space<semaphore_mem>>) src(%dma_wait3A_395 : memref<32x128xf32, #tpu.memory_space<hbm>>) dst(%dma_wait3A_392 : memref<32x128xf32, #tpu.memory_space<vmem>>)
      %dma_wait3A_396 = arith.constant 3 : i32
      %dma_wait3A_397 = arith.constant 0 : i32
      %dma_wait3A_398 = arith.constant 0 : i32
      %dma_wait3A_399 = tpu.memref_slice %arg10[%dma_wait3A_396, %dma_wait3A_397, %dma_wait3A_398] : memref<16x32x128xf32, #tpu.memory_space<vmem>> -> memref<1x32x128xf32, #tpu.memory_space<vmem>>
      %dma_wait3A_400 = tpu.memref_squeeze %dma_wait3A_399 : memref<1x32x128xf32, #tpu.memory_space<vmem>> -> memref<32x128xf32, #tpu.memory_space<vmem>>
      %dma_wait3A_401 = arith.constant 0 : i32
      %dma_wait3A_402 = arith.constant 0 : i32
      %dma_wait3A_403 = tpu.memref_slice %arg4[%dma_wait3A_401, %dma_wait3A_402] : memref<32x1000000xf32, #tpu.memory_space<hbm>> -> memref<32x128xf32, #tpu.memory_space<hbm>>
      %dma_wait3A_404 = arith.constant 0 : i32
      %dma_wait3A_405 = arith.constant 0 : i32
      %dma_wait3A_406 = tpu.memref_slice %arg10[%dma_wait3A_396, %dma_wait3A_404, %dma_wait3A_405] : memref<16x32x128xf32, #tpu.memory_space<vmem>> -> memref<1x32x128xf32, #tpu.memory_space<vmem>>
      %dma_wait3A_407 = tpu.memref_squeeze %dma_wait3A_406 : memref<1x32x128xf32, #tpu.memory_space<vmem>> -> memref<32x128xf32, #tpu.memory_space<vmem>>
      %dma_wait3A_408 = arith.constant 0 : i32
      %dma_wait3A_409 = arith.constant 0 : i32
      %dma_wait3A_410 = tpu.memref_slice %arg4[%dma_wait3A_408, %dma_wait3A_409] : memref<32x1000000xf32, #tpu.memory_space<hbm>> -> memref<32x128xf32, #tpu.memory_space<hbm>>
      tpu.wait_dma2 semaphore(%arg14 : memref<!tpu.dma_semaphore, #tpu.memory_space<semaphore_mem>>) src(%dma_wait3A_410 : memref<32x128xf32, #tpu.memory_space<hbm>>) dst(%dma_wait3A_407 : memref<32x128xf32, #tpu.memory_space<vmem>>)
      %dma_wait3A_411 = arith.constant 4 : i32
      %dma_wait3A_412 = arith.constant 0 : i32
      %dma_wait3A_413 = arith.constant 0 : i32
      %dma_wait3A_414 = tpu.memref_slice %arg10[%dma_wait3A_411, %dma_wait3A_412, %dma_wait3A_413] : memref<16x32x128xf32, #tpu.memory_space<vmem>> -> memref<1x32x128xf32, #tpu.memory_space<vmem>>
      %dma_wait3A_415 = tpu.memref_squeeze %dma_wait3A_414 : memref<1x32x128xf32, #tpu.memory_space<vmem>> -> memref<32x128xf32, #tpu.memory_space<vmem>>
      %dma_wait3A_416 = arith.constant 0 : i32
      %dma_wait3A_417 = arith.constant 0 : i32
      %dma_wait3A_418 = tpu.memref_slice %arg4[%dma_wait3A_416, %dma_wait3A_417] : memref<32x1000000xf32, #tpu.memory_space<hbm>> -> memref<32x128xf32, #tpu.memory_space<hbm>>
      %dma_wait3A_419 = arith.constant 0 : i32
      %dma_wait3A_420 = arith.constant 0 : i32
      %dma_wait3A_421 = tpu.memref_slice %arg10[%dma_wait3A_411, %dma_wait3A_419, %dma_wait3A_420] : memref<16x32x128xf32, #tpu.memory_space<vmem>> -> memref<1x32x128xf32, #tpu.memory_space<vmem>>
      %dma_wait3A_422 = tpu.memref_squeeze %dma_wait3A_421 : memref<1x32x128xf32, #tpu.memory_space<vmem>> -> memref<32x128xf32, #tpu.memory_space<vmem>>
      %dma_wait3A_423 = arith.constant 0 : i32
      %dma_wait3A_424 = arith.constant 0 : i32
      %dma_wait3A_425 = tpu.memref_slice %arg4[%dma_wait3A_423, %dma_wait3A_424] : memref<32x1000000xf32, #tpu.memory_space<hbm>> -> memref<32x128xf32, #tpu.memory_space<hbm>>
      tpu.wait_dma2 semaphore(%arg14 : memref<!tpu.dma_semaphore, #tpu.memory_space<semaphore_mem>>) src(%dma_wait3A_425 : memref<32x128xf32, #tpu.memory_space<hbm>>) dst(%dma_wait3A_422 : memref<32x128xf32, #tpu.memory_space<vmem>>)
      %dma_wait3A_426 = arith.constant 5 : i32
      %dma_wait3A_427 = arith.constant 0 : i32
      %dma_wait3A_428 = arith.constant 0 : i32
      %dma_wait3A_429 = tpu.memref_slice %arg10[%dma_wait3A_426, %dma_wait3A_427, %dma_wait3A_428] : memref<16x32x128xf32, #tpu.memory_space<vmem>> -> memref<1x32x128xf32, #tpu.memory_space<vmem>>
      %dma_wait3A_430 = tpu.memref_squeeze %dma_wait3A_429 : memref<1x32x128xf32, #tpu.memory_space<vmem>> -> memref<32x128xf32, #tpu.memory_space<vmem>>
      %dma_wait3A_431 = arith.constant 0 : i32
      %dma_wait3A_432 = arith.constant 0 : i32
      %dma_wait3A_433 = tpu.memref_slice %arg4[%dma_wait3A_431, %dma_wait3A_432] : memref<32x1000000xf32, #tpu.memory_space<hbm>> -> memref<32x128xf32, #tpu.memory_space<hbm>>
      %dma_wait3A_434 = arith.constant 0 : i32
      %dma_wait3A_435 = arith.constant 0 : i32
      %dma_wait3A_436 = tpu.memref_slice %arg10[%dma_wait3A_426, %dma_wait3A_434, %dma_wait3A_435] : memref<16x32x128xf32, #tpu.memory_space<vmem>> -> memref<1x32x128xf32, #tpu.memory_space<vmem>>
      %dma_wait3A_437 = tpu.memref_squeeze %dma_wait3A_436 : memref<1x32x128xf32, #tpu.memory_space<vmem>> -> memref<32x128xf32, #tpu.memory_space<vmem>>
      %dma_wait3A_438 = arith.constant 0 : i32
      %dma_wait3A_439 = arith.constant 0 : i32
      %dma_wait3A_440 = tpu.memref_slice %arg4[%dma_wait3A_438, %dma_wait3A_439] : memref<32x1000000xf32, #tpu.memory_space<hbm>> -> memref<32x128xf32, #tpu.memory_space<hbm>>
      tpu.wait_dma2 semaphore(%arg14 : memref<!tpu.dma_semaphore, #tpu.memory_space<semaphore_mem>>) src(%dma_wait3A_440 : memref<32x128xf32, #tpu.memory_space<hbm>>) dst(%dma_wait3A_437 : memref<32x128xf32, #tpu.memory_space<vmem>>)
      %dma_wait3A_441 = arith.constant 6 : i32
      %dma_wait3A_442 = arith.constant 0 : i32
      %dma_wait3A_443 = arith.constant 0 : i32
      %dma_wait3A_444 = tpu.memref_slice %arg10[%dma_wait3A_441, %dma_wait3A_442, %dma_wait3A_443] : memref<16x32x128xf32, #tpu.memory_space<vmem>> -> memref<1x32x128xf32, #tpu.memory_space<vmem>>
      %dma_wait3A_445 = tpu.memref_squeeze %dma_wait3A_444 : memref<1x32x128xf32, #tpu.memory_space<vmem>> -> memref<32x128xf32, #tpu.memory_space<vmem>>
      %dma_wait3A_446 = arith.constant 0 : i32
      %dma_wait3A_447 = arith.constant 0 : i32
      %dma_wait3A_448 = tpu.memref_slice %arg4[%dma_wait3A_446, %dma_wait3A_447] : memref<32x1000000xf32, #tpu.memory_space<hbm>> -> memref<32x128xf32, #tpu.memory_space<hbm>>
      %dma_wait3A_449 = arith.constant 0 : i32
      %dma_wait3A_450 = arith.constant 0 : i32
      %dma_wait3A_451 = tpu.memref_slice %arg10[%dma_wait3A_441, %dma_wait3A_449, %dma_wait3A_450] : memref<16x32x128xf32, #tpu.memory_space<vmem>> -> memref<1x32x128xf32, #tpu.memory_space<vmem>>
      %dma_wait3A_452 = tpu.memref_squeeze %dma_wait3A_451 : memref<1x32x128xf32, #tpu.memory_space<vmem>> -> memref<32x128xf32, #tpu.memory_space<vmem>>
      %dma_wait3A_453 = arith.constant 0 : i32
      %dma_wait3A_454 = arith.constant 0 : i32
      %dma_wait3A_455 = tpu.memref_slice %arg4[%dma_wait3A_453, %dma_wait3A_454] : memref<32x1000000xf32, #tpu.memory_space<hbm>> -> memref<32x128xf32, #tpu.memory_space<hbm>>
      tpu.wait_dma2 semaphore(%arg14 : memref<!tpu.dma_semaphore, #tpu.memory_space<semaphore_mem>>) src(%dma_wait3A_455 : memref<32x128xf32, #tpu.memory_space<hbm>>) dst(%dma_wait3A_452 : memref<32x128xf32, #tpu.memory_space<vmem>>)
      %dma_wait3A_456 = arith.constant 7 : i32
      %dma_wait3A_457 = arith.constant 0 : i32
      %dma_wait3A_458 = arith.constant 0 : i32
      %dma_wait3A_459 = tpu.memref_slice %arg10[%dma_wait3A_456, %dma_wait3A_457, %dma_wait3A_458] : memref<16x32x128xf32, #tpu.memory_space<vmem>> -> memref<1x32x128xf32, #tpu.memory_space<vmem>>
      %dma_wait3A_460 = tpu.memref_squeeze %dma_wait3A_459 : memref<1x32x128xf32, #tpu.memory_space<vmem>> -> memref<32x128xf32, #tpu.memory_space<vmem>>
      %dma_wait3A_461 = arith.constant 0 : i32
      %dma_wait3A_462 = arith.constant 0 : i32
      %dma_wait3A_463 = tpu.memref_slice %arg4[%dma_wait3A_461, %dma_wait3A_462] : memref<32x1000000xf32, #tpu.memory_space<hbm>> -> memref<32x128xf32, #tpu.memory_space<hbm>>
      %dma_wait3A_464 = arith.constant 0 : i32
      %dma_wait3A_465 = arith.constant 0 : i32
      %dma_wait3A_466 = tpu.memref_slice %arg10[%dma_wait3A_456, %dma_wait3A_464, %dma_wait3A_465] : memref<16x32x128xf32, #tpu.memory_space<vmem>> -> memref<1x32x128xf32, #tpu.memory_space<vmem>>
      %dma_wait3A_467 = tpu.memref_squeeze %dma_wait3A_466 : memref<1x32x128xf32, #tpu.memory_space<vmem>> -> memref<32x128xf32, #tpu.memory_space<vmem>>
      %dma_wait3A_468 = arith.constant 0 : i32
      %dma_wait3A_469 = arith.constant 0 : i32
      %dma_wait3A_470 = tpu.memref_slice %arg4[%dma_wait3A_468, %dma_wait3A_469] : memref<32x1000000xf32, #tpu.memory_space<hbm>> -> memref<32x128xf32, #tpu.memory_space<hbm>>
      tpu.wait_dma2 semaphore(%arg14 : memref<!tpu.dma_semaphore, #tpu.memory_space<semaphore_mem>>) src(%dma_wait3A_470 : memref<32x128xf32, #tpu.memory_space<hbm>>) dst(%dma_wait3A_467 : memref<32x128xf32, #tpu.memory_space<vmem>>)
      %dma_wait3A_471 = arith.constant 0 : i32
      %dma_wait3A_472 = arith.constant 0 : i32
      %dma_wait3A_473 = tpu.memref_slice %arg5[%dma_wait3A_471, %dma_wait3A_472] : memref<25000x128xf32, #tpu.memory_space<hbm>> -> memref<8x128xf32, #tpu.memory_space<hbm>>
      %dma_wait3A_474 = arith.constant 0 : i32
      %dma_wait3A_475 = arith.constant 0 : i32
      %dma_wait3A_476 = tpu.memref_slice %arg5[%dma_wait3A_474, %dma_wait3A_475] : memref<25000x128xf32, #tpu.memory_space<hbm>> -> memref<8x128xf32, #tpu.memory_space<hbm>>
      tpu.wait_dma2 semaphore(%arg14 : memref<!tpu.dma_semaphore, #tpu.memory_space<semaphore_mem>>) src(%dma_wait3A_476 : memref<8x128xf32, #tpu.memory_space<hbm>>) dst(%arg11 : memref<8x128xf32, #tpu.memory_space<vmem>>)
      %mul3A_477 = arith.constant 2 : i32
      %mul3A_478 = arith.muli %mul3A_477, %scan3A_177 : i32
      %mul3A_479 = arith.constant 8 : i32
      %mul3A_480 = arith.muli %mul3A_478, %mul3A_479 : i32
      %get3A_481 = arith.index_cast %mul3A_480 : i32 to index
      %get3A_482 = tpu.vector_load %arg7[%get3A_481] {strides = array<i32>} : memref<528xi32, #tpu.memory_space<vmem>>, vector<16xi32>,
      %mul3A_483 = arith.constant 8 : i32
      %mul3A_484 = arith.muli %mul3A_478, %mul3A_483 : i32
      %get3A_485 = arith.index_cast %mul3A_484 : i32 to index
      %get3A_486 = tpu.vector_load %arg8[%get3A_485] {strides = array<i32>} : memref<528xi32, #tpu.memory_space<vmem>>, vector<16xi32>,
      %and3A_487 = arith.constant 127 : i32
      %and3A_488 = vector.broadcast %and3A_487 : i32 to vector<16xi32>
      %and3A_489 = arith.andi %get3A_482, %and3A_488 : vector<16xi32>
      %add3A_490 = arith.constant 0 : i32
      %add3A_491 = vector.broadcast %add3A_490 : i32 to vector<16xi32>
      %add3A_492 = arith.addi %and3A_9, %add3A_491 : vector<16xi32>
      %and3A_493 = arith.constant 3 : i32
      %and3A_494 = vector.broadcast %and3A_493 : i32 to vector<16xi32>
      %and3A_495 = arith.andi %get3A_486, %and3A_494 : vector<16xi32>
      %mul3A_496 = arith.constant 32 : i32
      %mul3A_497 = vector.broadcast %mul3A_496 : i32 to vector<16xi32>
      %mul3A_498 = arith.muli %and3A_495, %mul3A_497 : vector<16xi32>
      %broadcast_in_dim3A = arith.constant 0.000000e+00 : f32
      %broadcast_in_dim3A_499 = vector.broadcast %broadcast_in_dim3A : f32 to vector<16xf32>
      %broadcast_in_dim3A_500 = arith.constant 0 : i32
      %broadcast_in_dim3A_501 = vector.broadcast %broadcast_in_dim3A_500 : i32 to vector<16xi32>
      %gather3A = tpu.vector_load_idx %arg10[%add3A_492, %broadcast_in_dim3A_501, %and3A_489] : memref<16x32x128xf32, #tpu.memory_space<vmem>>[vector<16xi32>, vector<16xi32>, vector<16xi32>], vector<16xf32>,
      %add3A_502 = arith.constant 0 : i32
      %add3A_503 = vector.broadcast %add3A_502 : i32 to vector<16xi32>
      %add3A_504 = arith.addi %mul3A_498, %add3A_503 : vector<16xi32>
      %gather3A_505 = tpu.vector_load_idx %arg11[%and3A_9, %add3A_504] : memref<8x128xf32, #tpu.memory_space<vmem>>[vector<16xi32>, vector<16xi32>], vector<16xf32>,
      %mul3A_506 = arith.mulf %gather3A, %gather3A_505 : vector<16xf32>
      %add3A_507 = arith.addf %broadcast_in_dim3A_499, %mul3A_506 : vector<16xf32>
      %broadcast_in_dim3A_508 = arith.constant 1 : i32
      %broadcast_in_dim3A_509 = vector.broadcast %broadcast_in_dim3A_508 : i32 to vector<16xi32>
      %gather3A_510 = tpu.vector_load_idx %arg10[%add3A_492, %broadcast_in_dim3A_509, %and3A_489] : memref<16x32x128xf32, #tpu.memory_space<vmem>>[vector<16xi32>, vector<16xi32>, vector<16xi32>], vector<16xf32>,
      %add3A_511 = arith.constant 1 : i32
      %add3A_512 = vector.broadcast %add3A_511 : i32 to vector<16xi32>
      %add3A_513 = arith.addi %mul3A_498, %add3A_512 : vector<16xi32>
      %gather3A_514 = tpu.vector_load_idx %arg11[%and3A_9, %add3A_513] : memref<8x128xf32, #tpu.memory_space<vmem>>[vector<16xi32>, vector<16xi32>], vector<16xf32>,
      %mul3A_515 = arith.mulf %gather3A_510, %gather3A_514 : vector<16xf32>
      %add3A_516 = arith.addf %add3A_507, %mul3A_515 : vector<16xf32>
      %broadcast_in_dim3A_517 = arith.constant 2 : i32
      %broadcast_in_dim3A_518 = vector.broadcast %broadcast_in_dim3A_517 : i32 to vector<16xi32>
      %gather3A_519 = tpu.vector_load_idx %arg10[%add3A_492, %broadcast_in_dim3A_518, %and3A_489] : memref<16x32x128xf32, #tpu.memory_space<vmem>>[vector<16xi32>, vector<16xi32>, vector<16xi32>], vector<16xf32>,
      %add3A_520 = arith.constant 2 : i32
      %add3A_521 = vector.broadcast %add3A_520 : i32 to vector<16xi32>
      %add3A_522 = arith.addi %mul3A_498, %add3A_521 : vector<16xi32>
      %gather3A_523 = tpu.vector_load_idx %arg11[%and3A_9, %add3A_522] : memref<8x128xf32, #tpu.memory_space<vmem>>[vector<16xi32>, vector<16xi32>], vector<16xf32>,
      %mul3A_524 = arith.mulf %gather3A_519, %gather3A_523 : vector<16xf32>
      %add3A_525 = arith.addf %add3A_516, %mul3A_524 : vector<16xf32>
      %broadcast_in_dim3A_526 = arith.constant 3 : i32
      %broadcast_in_dim3A_527 = vector.broadcast %broadcast_in_dim3A_526 : i32 to vector<16xi32>
      %gather3A_528 = tpu.vector_load_idx %arg10[%add3A_492, %broadcast_in_dim3A_527, %and3A_489] : memref<16x32x128xf32, #tpu.memory_space<vmem>>[vector<16xi32>, vector<16xi32>, vector<16xi32>], vector<16xf32>,
      %add3A_529 = arith.constant 3 : i32
      %add3A_530 = vector.broadcast %add3A_529 : i32 to vector<16xi32>
      %add3A_531 = arith.addi %mul3A_498, %add3A_530 : vector<16xi32>
      %gather3A_532 = tpu.vector_load_idx %arg11[%and3A_9, %add3A_531] : memref<8x128xf32, #tpu.memory_space<vmem>>[vector<16xi32>, vector<16xi32>], vector<16xf32>,
      %mul3A_533 = arith.mulf %gather3A_528, %gather3A_532 : vector<16xf32>
      %add3A_534 = arith.addf %add3A_525, %mul3A_533 : vector<16xf32>
      %broadcast_in_dim3A_535 = arith.constant 4 : i32
      %broadcast_in_dim3A_536 = vector.broadcast %broadcast_in_dim3A_535 : i32 to vector<16xi32>
      %gather3A_537 = tpu.vector_load_idx %arg10[%add3A_492, %broadcast_in_dim3A_536, %and3A_489] : memref<16x32x128xf32, #tpu.memory_space<vmem>>[vector<16xi32>, vector<16xi32>, vector<16xi32>], vector<16xf32>,
      %add3A_538 = arith.constant 4 : i32
      %add3A_539 = vector.broadcast %add3A_538 : i32 to vector<16xi32>
      %add3A_540 = arith.addi %mul3A_498, %add3A_539 : vector<16xi32>
      %gather3A_541 = tpu.vector_load_idx %arg11[%and3A_9, %add3A_540] : memref<8x128xf32, #tpu.memory_space<vmem>>[vector<16xi32>, vector<16xi32>], vector<16xf32>,
      %mul3A_542 = arith.mulf %gather3A_537, %gather3A_541 : vector<16xf32>
      %add3A_543 = arith.addf %add3A_534, %mul3A_542 : vector<16xf32>
      %broadcast_in_dim3A_544 = arith.constant 5 : i32
      %broadcast_in_dim3A_545 = vector.broadcast %broadcast_in_dim3A_544 : i32 to vector<16xi32>
      %gather3A_546 = tpu.vector_load_idx %arg10[%add3A_492, %broadcast_in_dim3A_545, %and3A_489] : memref<16x32x128xf32, #tpu.memory_space<vmem>>[vector<16xi32>, vector<16xi32>, vector<16xi32>], vector<16xf32>,
      %add3A_547 = arith.constant 5 : i32
      %add3A_548 = vector.broadcast %add3A_547 : i32 to vector<16xi32>
      %add3A_549 = arith.addi %mul3A_498, %add3A_548 : vector<16xi32>
      %gather3A_550 = tpu.vector_load_idx %arg11[%and3A_9, %add3A_549] : memref<8x128xf32, #tpu.memory_space<vmem>>[vector<16xi32>, vector<16xi32>], vector<16xf32>,
      %mul3A_551 = arith.mulf %gather3A_546, %gather3A_550 : vector<16xf32>
      %add3A_552 = arith.addf %add3A_543, %mul3A_551 : vector<16xf32>
      %broadcast_in_dim3A_553 = arith.constant 6 : i32
      %broadcast_in_dim3A_554 = vector.broadcast %broadcast_in_dim3A_553 : i32 to vector<16xi32>
      %gather3A_555 = tpu.vector_load_idx %arg10[%add3A_492, %broadcast_in_dim3A_554, %and3A_489] : memref<16x32x128xf32, #tpu.memory_space<vmem>>[vector<16xi32>, vector<16xi32>, vector<16xi32>], vector<16xf32>,
      %add3A_556 = arith.constant 6 : i32
      %add3A_557 = vector.broadcast %add3A_556 : i32 to vector<16xi32>
      %add3A_558 = arith.addi %mul3A_498, %add3A_557 : vector<16xi32>
      %gather3A_559 = tpu.vector_load_idx %arg11[%and3A_9, %add3A_558] : memref<8x128xf32, #tpu.memory_space<vmem>>[vector<16xi32>, vector<16xi32>], vector<16xf32>,
      %mul3A_560 = arith.mulf %gather3A_555, %gather3A_559 : vector<16xf32>
      %add3A_561 = arith.addf %add3A_552, %mul3A_560 : vector<16xf32>
      %broadcast_in_dim3A_562 = arith.constant 7 : i32
      %broadcast_in_dim3A_563 = vector.broadcast %broadcast_in_dim3A_562 : i32 to vector<16xi32>
      %gather3A_564 = tpu.vector_load_idx %arg10[%add3A_492, %broadcast_in_dim3A_563, %and3A_489] : memref<16x32x128xf32, #tpu.memory_space<vmem>>[vector<16xi32>, vector<16xi32>, vector<16xi32>], vector<16xf32>,
      %add3A_565 = arith.constant 7 : i32
      %add3A_566 = vector.broadcast %add3A_565 : i32 to vector<16xi32>
      %add3A_567 = arith.addi %mul3A_498, %add3A_566 : vector<16xi32>
      %gather3A_568 = tpu.vector_load_idx %arg11[%and3A_9, %add3A_567] : memref<8x128xf32, #tpu.memory_space<vmem>>[vector<16xi32>, vector<16xi32>], vector<16xf32>,
      %mul3A_569 = arith.mulf %gather3A_564, %gather3A_568 : vector<16xf32>
      %add3A_570 = arith.addf %add3A_561, %mul3A_569 : vector<16xf32>
      %broadcast_in_dim3A_571 = arith.constant 8 : i32
      %broadcast_in_dim3A_572 = vector.broadcast %broadcast_in_dim3A_571 : i32 to vector<16xi32>
      %gather3A_573 = tpu.vector_load_idx %arg10[%add3A_492, %broadcast_in_dim3A_572, %and3A_489] : memref<16x32x128xf32, #tpu.memory_space<vmem>>[vector<16xi32>, vector<16xi32>, vector<16xi32>], vector<16xf32>,
      %add3A_574 = arith.constant 8 : i32
      %add3A_575 = vector.broadcast %add3A_574 : i32 to vector<16xi32>
      %add3A_576 = arith.addi %mul3A_498, %add3A_575 : vector<16xi32>
      %gather3A_577 = tpu.vector_load_idx %arg11[%and3A_9, %add3A_576] : memref<8x128xf32, #tpu.memory_space<vmem>>[vector<16xi32>, vector<16xi32>], vector<16xf32>,
      %mul3A_578 = arith.mulf %gather3A_573, %gather3A_577 : vector<16xf32>
      %add3A_579 = arith.addf %add3A_570, %mul3A_578 : vector<16xf32>
      %broadcast_in_dim3A_580 = arith.constant 9 : i32
      %broadcast_in_dim3A_581 = vector.broadcast %broadcast_in_dim3A_580 : i32 to vector<16xi32>
      %gather3A_582 = tpu.vector_load_idx %arg10[%add3A_492, %broadcast_in_dim3A_581, %and3A_489] : memref<16x32x128xf32, #tpu.memory_space<vmem>>[vector<16xi32>, vector<16xi32>, vector<16xi32>], vector<16xf32>,
      %add3A_583 = arith.constant 9 : i32
      %add3A_584 = vector.broadcast %add3A_583 : i32 to vector<16xi32>
      %add3A_585 = arith.addi %mul3A_498, %add3A_584 : vector<16xi32>
      %gather3A_586 = tpu.vector_load_idx %arg11[%and3A_9, %add3A_585] : memref<8x128xf32, #tpu.memory_space<vmem>>[vector<16xi32>, vector<16xi32>], vector<16xf32>,
      %mul3A_587 = arith.mulf %gather3A_582, %gather3A_586 : vector<16xf32>
      %add3A_588 = arith.addf %add3A_579, %mul3A_587 : vector<16xf32>
      %broadcast_in_dim3A_589 = arith.constant 10 : i32
      %broadcast_in_dim3A_590 = vector.broadcast %broadcast_in_dim3A_589 : i32 to vector<16xi32>
      %gather3A_591 = tpu.vector_load_idx %arg10[%add3A_492, %broadcast_in_dim3A_590, %and3A_489] : memref<16x32x128xf32, #tpu.memory_space<vmem>>[vector<16xi32>, vector<16xi32>, vector<16xi32>], vector<16xf32>,
      %add3A_592 = arith.constant 10 : i32
      %add3A_593 = vector.broadcast %add3A_592 : i32 to vector<16xi32>
      %add3A_594 = arith.addi %mul3A_498, %add3A_593 : vector<16xi32>
      %gather3A_595 = tpu.vector_load_idx %arg11[%and3A_9, %add3A_594] : memref<8x128xf32, #tpu.memory_space<vmem>>[vector<16xi32>, vector<16xi32>], vector<16xf32>,
      %mul3A_596 = arith.mulf %gather3A_591, %gather3A_595 : vector<16xf32>
      %add3A_597 = arith.addf %add3A_588, %mul3A_596 : vector<16xf32>
      %broadcast_in_dim3A_598 = arith.constant 11 : i32
      %broadcast_in_dim3A_599 = vector.broadcast %broadcast_in_dim3A_598 : i32 to vector<16xi32>
      %gather3A_600 = tpu.vector_load_idx %arg10[%add3A_492, %broadcast_in_dim3A_599, %and3A_489] : memref<16x32x128xf32, #tpu.memory_space<vmem>>[vector<16xi32>, vector<16xi32>, vector<16xi32>], vector<16xf32>,
      %add3A_601 = arith.constant 11 : i32
      %add3A_602 = vector.broadcast %add3A_601 : i32 to vector<16xi32>
      %add3A_603 = arith.addi %mul3A_498, %add3A_602 : vector<16xi32>
      %gather3A_604 = tpu.vector_load_idx %arg11[%and3A_9, %add3A_603] : memref<8x128xf32, #tpu.memory_space<vmem>>[vector<16xi32>, vector<16xi32>], vector<16xf32>,
      %mul3A_605 = arith.mulf %gather3A_600, %gather3A_604 : vector<16xf32>
      %add3A_606 = arith.addf %add3A_597, %mul3A_605 : vector<16xf32>
      %broadcast_in_dim3A_607 = arith.constant 12 : i32
      %broadcast_in_dim3A_608 = vector.broadcast %broadcast_in_dim3A_607 : i32 to vector<16xi32>
      %gather3A_609 = tpu.vector_load_idx %arg10[%add3A_492, %broadcast_in_dim3A_608, %and3A_489] : memref<16x32x128xf32, #tpu.memory_space<vmem>>[vector<16xi32>, vector<16xi32>, vector<16xi32>], vector<16xf32>,
      %add3A_610 = arith.constant 12 : i32
      %add3A_611 = vector.broadcast %add3A_610 : i32 to vector<16xi32>
      %add3A_612 = arith.addi %mul3A_498, %add3A_611 : vector<16xi32>
      %gather3A_613 = tpu.vector_load_idx %arg11[%and3A_9, %add3A_612] : memref<8x128xf32, #tpu.memory_space<vmem>>[vector<16xi32>, vector<16xi32>], vector<16xf32>,
      %mul3A_614 = arith.mulf %gather3A_609, %gather3A_613 : vector<16xf32>
      %add3A_615 = arith.addf %add3A_606, %mul3A_614 : vector<16xf32>
      %broadcast_in_dim3A_616 = arith.constant 13 : i32
      %broadcast_in_dim3A_617 = vector.broadcast %broadcast_in_dim3A_616 : i32 to vector<16xi32>
      %gather3A_618 = tpu.vector_load_idx %arg10[%add3A_492, %broadcast_in_dim3A_617, %and3A_489] : memref<16x32x128xf32, #tpu.memory_space<vmem>>[vector<16xi32>, vector<16xi32>, vector<16xi32>], vector<16xf32>,
      %add3A_619 = arith.constant 13 : i32
      %add3A_620 = vector.broadcast %add3A_619 : i32 to vector<16xi32>
      %add3A_621 = arith.addi %mul3A_498, %add3A_620 : vector<16xi32>
      %gather3A_622 = tpu.vector_load_idx %arg11[%and3A_9, %add3A_621] : memref<8x128xf32, #tpu.memory_space<vmem>>[vector<16xi32>, vector<16xi32>], vector<16xf32>,
      %mul3A_623 = arith.mulf %gather3A_618, %gather3A_622 : vector<16xf32>
      %add3A_624 = arith.addf %add3A_615, %mul3A_623 : vector<16xf32>
      %broadcast_in_dim3A_625 = arith.constant 14 : i32
      %broadcast_in_dim3A_626 = vector.broadcast %broadcast_in_dim3A_625 : i32 to vector<16xi32>
      %gather3A_627 = tpu.vector_load_idx %arg10[%add3A_492, %broadcast_in_dim3A_626, %and3A_489] : memref<16x32x128xf32, #tpu.memory_space<vmem>>[vector<16xi32>, vector<16xi32>, vector<16xi32>], vector<16xf32>,
      %add3A_628 = arith.constant 14 : i32
      %add3A_629 = vector.broadcast %add3A_628 : i32 to vector<16xi32>
      %add3A_630 = arith.addi %mul3A_498, %add3A_629 : vector<16xi32>
      %gather3A_631 = tpu.vector_load_idx %arg11[%and3A_9, %add3A_630] : memref<8x128xf32, #tpu.memory_space<vmem>>[vector<16xi32>, vector<16xi32>], vector<16xf32>,
      %mul3A_632 = arith.mulf %gather3A_627, %gather3A_631 : vector<16xf32>
      %add3A_633 = arith.addf %add3A_624, %mul3A_632 : vector<16xf32>
      %broadcast_in_dim3A_634 = arith.constant 15 : i32
      %broadcast_in_dim3A_635 = vector.broadcast %broadcast_in_dim3A_634 : i32 to vector<16xi32>
      %gather3A_636 = tpu.vector_load_idx %arg10[%add3A_492, %broadcast_in_dim3A_635, %and3A_489] : memref<16x32x128xf32, #tpu.memory_space<vmem>>[vector<16xi32>, vector<16xi32>, vector<16xi32>], vector<16xf32>,
      %add3A_637 = arith.constant 15 : i32
      %add3A_638 = vector.broadcast %add3A_637 : i32 to vector<16xi32>
      %add3A_639 = arith.addi %mul3A_498, %add3A_638 : vector<16xi32>
      %gather3A_640 = tpu.vector_load_idx %arg11[%and3A_9, %add3A_639] : memref<8x128xf32, #tpu.memory_space<vmem>>[vector<16xi32>, vector<16xi32>], vector<16xf32>,
      %mul3A_641 = arith.mulf %gather3A_636, %gather3A_640 : vector<16xf32>
      %add3A_642 = arith.addf %add3A_633, %mul3A_641 : vector<16xf32>
      %broadcast_in_dim3A_643 = arith.constant 16 : i32
      %broadcast_in_dim3A_644 = vector.broadcast %broadcast_in_dim3A_643 : i32 to vector<16xi32>
      %gather3A_645 = tpu.vector_load_idx %arg10[%add3A_492, %broadcast_in_dim3A_644, %and3A_489] : memref<16x32x128xf32, #tpu.memory_space<vmem>>[vector<16xi32>, vector<16xi32>, vector<16xi32>], vector<16xf32>,
      %add3A_646 = arith.constant 16 : i32
      %add3A_647 = vector.broadcast %add3A_646 : i32 to vector<16xi32>
      %add3A_648 = arith.addi %mul3A_498, %add3A_647 : vector<16xi32>
      %gather3A_649 = tpu.vector_load_idx %arg11[%and3A_9, %add3A_648] : memref<8x128xf32, #tpu.memory_space<vmem>>[vector<16xi32>, vector<16xi32>], vector<16xf32>,
      %mul3A_650 = arith.mulf %gather3A_645, %gather3A_649 : vector<16xf32>
      %add3A_651 = arith.addf %add3A_642, %mul3A_650 : vector<16xf32>
      %broadcast_in_dim3A_652 = arith.constant 17 : i32
      %broadcast_in_dim3A_653 = vector.broadcast %broadcast_in_dim3A_652 : i32 to vector<16xi32>
      %gather3A_654 = tpu.vector_load_idx %arg10[%add3A_492, %broadcast_in_dim3A_653, %and3A_489] : memref<16x32x128xf32, #tpu.memory_space<vmem>>[vector<16xi32>, vector<16xi32>, vector<16xi32>], vector<16xf32>,
      %add3A_655 = arith.constant 17 : i32
      %add3A_656 = vector.broadcast %add3A_655 : i32 to vector<16xi32>
      %add3A_657 = arith.addi %mul3A_498, %add3A_656 : vector<16xi32>
      %gather3A_658 = tpu.vector_load_idx %arg11[%and3A_9, %add3A_657] : memref<8x128xf32, #tpu.memory_space<vmem>>[vector<16xi32>, vector<16xi32>], vector<16xf32>,
      %mul3A_659 = arith.mulf %gather3A_654, %gather3A_658 : vector<16xf32>
      %add3A_660 = arith.addf %add3A_651, %mul3A_659 : vector<16xf32>
      %broadcast_in_dim3A_661 = arith.constant 18 : i32
      %broadcast_in_dim3A_662 = vector.broadcast %broadcast_in_dim3A_661 : i32 to vector<16xi32>
      %gather3A_663 = tpu.vector_load_idx %arg10[%add3A_492, %broadcast_in_dim3A_662, %and3A_489] : memref<16x32x128xf32, #tpu.memory_space<vmem>>[vector<16xi32>, vector<16xi32>, vector<16xi32>], vector<16xf32>,
      %add3A_664 = arith.constant 18 : i32
      %add3A_665 = vector.broadcast %add3A_664 : i32 to vector<16xi32>
      %add3A_666 = arith.addi %mul3A_498, %add3A_665 : vector<16xi32>
      %gather3A_667 = tpu.vector_load_idx %arg11[%and3A_9, %add3A_666] : memref<8x128xf32, #tpu.memory_space<vmem>>[vector<16xi32>, vector<16xi32>], vector<16xf32>,
      %mul3A_668 = arith.mulf %gather3A_663, %gather3A_667 : vector<16xf32>
      %add3A_669 = arith.addf %add3A_660, %mul3A_668 : vector<16xf32>
      %broadcast_in_dim3A_670 = arith.constant 19 : i32
      %broadcast_in_dim3A_671 = vector.broadcast %broadcast_in_dim3A_670 : i32 to vector<16xi32>
      %gather3A_672 = tpu.vector_load_idx %arg10[%add3A_492, %broadcast_in_dim3A_671, %and3A_489] : memref<16x32x128xf32, #tpu.memory_space<vmem>>[vector<16xi32>, vector<16xi32>, vector<16xi32>], vector<16xf32>,
      %add3A_673 = arith.constant 19 : i32
      %add3A_674 = vector.broadcast %add3A_673 : i32 to vector<16xi32>
      %add3A_675 = arith.addi %mul3A_498, %add3A_674 : vector<16xi32>
      %gather3A_676 = tpu.vector_load_idx %arg11[%and3A_9, %add3A_675] : memref<8x128xf32, #tpu.memory_space<vmem>>[vector<16xi32>, vector<16xi32>], vector<16xf32>,
      %mul3A_677 = arith.mulf %gather3A_672, %gather3A_676 : vector<16xf32>
      %add3A_678 = arith.addf %add3A_669, %mul3A_677 : vector<16xf32>
      %broadcast_in_dim3A_679 = arith.constant 20 : i32
      %broadcast_in_dim3A_680 = vector.broadcast %broadcast_in_dim3A_679 : i32 to vector<16xi32>
      %gather3A_681 = tpu.vector_load_idx %arg10[%add3A_492, %broadcast_in_dim3A_680, %and3A_489] : memref<16x32x128xf32, #tpu.memory_space<vmem>>[vector<16xi32>, vector<16xi32>, vector<16xi32>], vector<16xf32>,
      %add3A_682 = arith.constant 20 : i32
      %add3A_683 = vector.broadcast %add3A_682 : i32 to vector<16xi32>
      %add3A_684 = arith.addi %mul3A_498, %add3A_683 : vector<16xi32>
      %gather3A_685 = tpu.vector_load_idx %arg11[%and3A_9, %add3A_684] : memref<8x128xf32, #tpu.memory_space<vmem>>[vector<16xi32>, vector<16xi32>], vector<16xf32>,
      %mul3A_686 = arith.mulf %gather3A_681, %gather3A_685 : vector<16xf32>
      %add3A_687 = arith.addf %add3A_678, %mul3A_686 : vector<16xf32>
      %broadcast_in_dim3A_688 = arith.constant 21 : i32
      %broadcast_in_dim3A_689 = vector.broadcast %broadcast_in_dim3A_688 : i32 to vector<16xi32>
      %gather3A_690 = tpu.vector_load_idx %arg10[%add3A_492, %broadcast_in_dim3A_689, %and3A_489] : memref<16x32x128xf32, #tpu.memory_space<vmem>>[vector<16xi32>, vector<16xi32>, vector<16xi32>], vector<16xf32>,
      %add3A_691 = arith.constant 21 : i32
      %add3A_692 = vector.broadcast %add3A_691 : i32 to vector<16xi32>
      %add3A_693 = arith.addi %mul3A_498, %add3A_692 : vector<16xi32>
      %gather3A_694 = tpu.vector_load_idx %arg11[%and3A_9, %add3A_693] : memref<8x128xf32, #tpu.memory_space<vmem>>[vector<16xi32>, vector<16xi32>], vector<16xf32>,
      %mul3A_695 = arith.mulf %gather3A_690, %gather3A_694 : vector<16xf32>
      %add3A_696 = arith.addf %add3A_687, %mul3A_695 : vector<16xf32>
      %broadcast_in_dim3A_697 = arith.constant 22 : i32
      %broadcast_in_dim3A_698 = vector.broadcast %broadcast_in_dim3A_697 : i32 to vector<16xi32>
      %gather3A_699 = tpu.vector_load_idx %arg10[%add3A_492, %broadcast_in_dim3A_698, %and3A_489] : memref<16x32x128xf32, #tpu.memory_space<vmem>>[vector<16xi32>, vector<16xi32>, vector<16xi32>], vector<16xf32>,
      %add3A_700 = arith.constant 22 : i32
      %add3A_701 = vector.broadcast %add3A_700 : i32 to vector<16xi32>
      %add3A_702 = arith.addi %mul3A_498, %add3A_701 : vector<16xi32>
      %gather3A_703 = tpu.vector_load_idx %arg11[%and3A_9, %add3A_702] : memref<8x128xf32, #tpu.memory_space<vmem>>[vector<16xi32>, vector<16xi32>], vector<16xf32>,
      %mul3A_704 = arith.mulf %gather3A_699, %gather3A_703 : vector<16xf32>
      %add3A_705 = arith.addf %add3A_696, %mul3A_704 : vector<16xf32>
      %broadcast_in_dim3A_706 = arith.constant 23 : i32
      %broadcast_in_dim3A_707 = vector.broadcast %broadcast_in_dim3A_706 : i32 to vector<16xi32>
      %gather3A_708 = tpu.vector_load_idx %arg10[%add3A_492, %broadcast_in_dim3A_707, %and3A_489] : memref<16x32x128xf32, #tpu.memory_space<vmem>>[vector<16xi32>, vector<16xi32>, vector<16xi32>], vector<16xf32>,
      %add3A_709 = arith.constant 23 : i32
      %add3A_710 = vector.broadcast %add3A_709 : i32 to vector<16xi32>
      %add3A_711 = arith.addi %mul3A_498, %add3A_710 : vector<16xi32>
      %gather3A_712 = tpu.vector_load_idx %arg11[%and3A_9, %add3A_711] : memref<8x128xf32, #tpu.memory_space<vmem>>[vector<16xi32>, vector<16xi32>], vector<16xf32>,
      %mul3A_713 = arith.mulf %gather3A_708, %gather3A_712 : vector<16xf32>
      %add3A_714 = arith.addf %add3A_705, %mul3A_713 : vector<16xf32>
      %broadcast_in_dim3A_715 = arith.constant 24 : i32
      %broadcast_in_dim3A_716 = vector.broadcast %broadcast_in_dim3A_715 : i32 to vector<16xi32>
      %gather3A_717 = tpu.vector_load_idx %arg10[%add3A_492, %broadcast_in_dim3A_716, %and3A_489] : memref<16x32x128xf32, #tpu.memory_space<vmem>>[vector<16xi32>, vector<16xi32>, vector<16xi32>], vector<16xf32>,
      %add3A_718 = arith.constant 24 : i32
      %add3A_719 = vector.broadcast %add3A_718 : i32 to vector<16xi32>
      %add3A_720 = arith.addi %mul3A_498, %add3A_719 : vector<16xi32>
      %gather3A_721 = tpu.vector_load_idx %arg11[%and3A_9, %add3A_720] : memref<8x128xf32, #tpu.memory_space<vmem>>[vector<16xi32>, vector<16xi32>], vector<16xf32>,
      %mul3A_722 = arith.mulf %gather3A_717, %gather3A_721 : vector<16xf32>
      %add3A_723 = arith.addf %add3A_714, %mul3A_722 : vector<16xf32>
      %broadcast_in_dim3A_724 = arith.constant 25 : i32
      %broadcast_in_dim3A_725 = vector.broadcast %broadcast_in_dim3A_724 : i32 to vector<16xi32>
      %gather3A_726 = tpu.vector_load_idx %arg10[%add3A_492, %broadcast_in_dim3A_725, %and3A_489] : memref<16x32x128xf32, #tpu.memory_space<vmem>>[vector<16xi32>, vector<16xi32>, vector<16xi32>], vector<16xf32>,
      %add3A_727 = arith.constant 25 : i32
      %add3A_728 = vector.broadcast %add3A_727 : i32 to vector<16xi32>
      %add3A_729 = arith.addi %mul3A_498, %add3A_728 : vector<16xi32>
      %gather3A_730 = tpu.vector_load_idx %arg11[%and3A_9, %add3A_729] : memref<8x128xf32, #tpu.memory_space<vmem>>[vector<16xi32>, vector<16xi32>], vector<16xf32>,
      %mul3A_731 = arith.mulf %gather3A_726, %gather3A_730 : vector<16xf32>
      %add3A_732 = arith.addf %add3A_723, %mul3A_731 : vector<16xf32>
      %broadcast_in_dim3A_733 = arith.constant 26 : i32
      %broadcast_in_dim3A_734 = vector.broadcast %broadcast_in_dim3A_733 : i32 to vector<16xi32>
      %gather3A_735 = tpu.vector_load_idx %arg10[%add3A_492, %broadcast_in_dim3A_734, %and3A_489] : memref<16x32x128xf32, #tpu.memory_space<vmem>>[vector<16xi32>, vector<16xi32>, vector<16xi32>], vector<16xf32>,
      %add3A_736 = arith.constant 26 : i32
      %add3A_737 = vector.broadcast %add3A_736 : i32 to vector<16xi32>
      %add3A_738 = arith.addi %mul3A_498, %add3A_737 : vector<16xi32>
      %gather3A_739 = tpu.vector_load_idx %arg11[%and3A_9, %add3A_738] : memref<8x128xf32, #tpu.memory_space<vmem>>[vector<16xi32>, vector<16xi32>], vector<16xf32>,
      %mul3A_740 = arith.mulf %gather3A_735, %gather3A_739 : vector<16xf32>
      %add3A_741 = arith.addf %add3A_732, %mul3A_740 : vector<16xf32>
      %broadcast_in_dim3A_742 = arith.constant 27 : i32
      %broadcast_in_dim3A_743 = vector.broadcast %broadcast_in_dim3A_742 : i32 to vector<16xi32>
      %gather3A_744 = tpu.vector_load_idx %arg10[%add3A_492, %broadcast_in_dim3A_743, %and3A_489] : memref<16x32x128xf32, #tpu.memory_space<vmem>>[vector<16xi32>, vector<16xi32>, vector<16xi32>], vector<16xf32>,
      %add3A_745 = arith.constant 27 : i32
      %add3A_746 = vector.broadcast %add3A_745 : i32 to vector<16xi32>
      %add3A_747 = arith.addi %mul3A_498, %add3A_746 : vector<16xi32>
      %gather3A_748 = tpu.vector_load_idx %arg11[%and3A_9, %add3A_747] : memref<8x128xf32, #tpu.memory_space<vmem>>[vector<16xi32>, vector<16xi32>], vector<16xf32>,
      %mul3A_749 = arith.mulf %gather3A_744, %gather3A_748 : vector<16xf32>
      %add3A_750 = arith.addf %add3A_741, %mul3A_749 : vector<16xf32>
      %broadcast_in_dim3A_751 = arith.constant 28 : i32
      %broadcast_in_dim3A_752 = vector.broadcast %broadcast_in_dim3A_751 : i32 to vector<16xi32>
      %gather3A_753 = tpu.vector_load_idx %arg10[%add3A_492, %broadcast_in_dim3A_752, %and3A_489] : memref<16x32x128xf32, #tpu.memory_space<vmem>>[vector<16xi32>, vector<16xi32>, vector<16xi32>], vector<16xf32>,
      %add3A_754 = arith.constant 28 : i32
      %add3A_755 = vector.broadcast %add3A_754 : i32 to vector<16xi32>
      %add3A_756 = arith.addi %mul3A_498, %add3A_755 : vector<16xi32>
      %gather3A_757 = tpu.vector_load_idx %arg11[%and3A_9, %add3A_756] : memref<8x128xf32, #tpu.memory_space<vmem>>[vector<16xi32>, vector<16xi32>], vector<16xf32>,
      %mul3A_758 = arith.mulf %gather3A_753, %gather3A_757 : vector<16xf32>
      %add3A_759 = arith.addf %add3A_750, %mul3A_758 : vector<16xf32>
      %broadcast_in_dim3A_760 = arith.constant 29 : i32
      %broadcast_in_dim3A_761 = vector.broadcast %broadcast_in_dim3A_760 : i32 to vector<16xi32>
      %gather3A_762 = tpu.vector_load_idx %arg10[%add3A_492, %broadcast_in_dim3A_761, %and3A_489] : memref<16x32x128xf32, #tpu.memory_space<vmem>>[vector<16xi32>, vector<16xi32>, vector<16xi32>], vector<16xf32>,
      %add3A_763 = arith.constant 29 : i32
      %add3A_764 = vector.broadcast %add3A_763 : i32 to vector<16xi32>
      %add3A_765 = arith.addi %mul3A_498, %add3A_764 : vector<16xi32>
      %gather3A_766 = tpu.vector_load_idx %arg11[%and3A_9, %add3A_765] : memref<8x128xf32, #tpu.memory_space<vmem>>[vector<16xi32>, vector<16xi32>], vector<16xf32>,
      %mul3A_767 = arith.mulf %gather3A_762, %gather3A_766 : vector<16xf32>
      %add3A_768 = arith.addf %add3A_759, %mul3A_767 : vector<16xf32>
      %broadcast_in_dim3A_769 = arith.constant 30 : i32
      %broadcast_in_dim3A_770 = vector.broadcast %broadcast_in_dim3A_769 : i32 to vector<16xi32>
      %gather3A_771 = tpu.vector_load_idx %arg10[%add3A_492, %broadcast_in_dim3A_770, %and3A_489] : memref<16x32x128xf32, #tpu.memory_space<vmem>>[vector<16xi32>, vector<16xi32>, vector<16xi32>], vector<16xf32>,
      %add3A_772 = arith.constant 30 : i32
      %add3A_773 = vector.broadcast %add3A_772 : i32 to vector<16xi32>
      %add3A_774 = arith.addi %mul3A_498, %add3A_773 : vector<16xi32>
      %gather3A_775 = tpu.vector_load_idx %arg11[%and3A_9, %add3A_774] : memref<8x128xf32, #tpu.memory_space<vmem>>[vector<16xi32>, vector<16xi32>], vector<16xf32>,
      %mul3A_776 = arith.mulf %gather3A_771, %gather3A_775 : vector<16xf32>
      %add3A_777 = arith.addf %add3A_768, %mul3A_776 : vector<16xf32>
      %broadcast_in_dim3A_778 = arith.constant 31 : i32
      %broadcast_in_dim3A_779 = vector.broadcast %broadcast_in_dim3A_778 : i32 to vector<16xi32>
      %gather3A_780 = tpu.vector_load_idx %arg10[%add3A_492, %broadcast_in_dim3A_779, %and3A_489] : memref<16x32x128xf32, #tpu.memory_space<vmem>>[vector<16xi32>, vector<16xi32>, vector<16xi32>], vector<16xf32>,
      %add3A_781 = arith.constant 31 : i32
      %add3A_782 = vector.broadcast %add3A_781 : i32 to vector<16xi32>
      %add3A_783 = arith.addi %mul3A_498, %add3A_782 : vector<16xi32>
      %gather3A_784 = tpu.vector_load_idx %arg11[%and3A_9, %add3A_783] : memref<8x128xf32, #tpu.memory_space<vmem>>[vector<16xi32>, vector<16xi32>], vector<16xf32>,
      %mul3A_785 = arith.mulf %gather3A_780, %gather3A_784 : vector<16xf32>
      %add3A_786 = arith.addf %add3A_777, %mul3A_785 : vector<16xf32>
      %mul3A_787 = arith.constant 8 : i32
      %mul3A_788 = arith.muli %mul3A_478, %mul3A_787 : i32
      %swap3A = arith.index_cast %mul3A_788 : i32 to index
      %swap3A_789 = tpu.vector_load %arg13[%swap3A] {strides = array<i32>} : memref<528xf32, #tpu.memory_space<vmem>>, vector<16xf32>,
      tpu.vector_store %arg13[%swap3A], %add3A_786 {strides = array<i32>} : memref<528xf32, #tpu.memory_space<vmem>>, vector<16xf32>,
      %lt3A = arith.constant 31 : i32
      %lt3A_790 = arith.cmpi slt, %scan3A_177, %lt3A : i32
      %convert_element_type3A = arith.extui %lt3A_790 : i1 to i32
      %cond3A = arith.constant 0 : i32
      %cond3A_791 = arith.cmpi ne, %convert_element_type3A, %cond3A : i32
      scf.if %cond3A_791 {
        %mul3A_1236 = arith.constant 2 : i32
        %mul3A_1237 = arith.muli %mul3A_1236, %scan3A_177 : i32
        %add3A_1238 = arith.constant 2 : i32
        %add3A_1239 = arith.addi %mul3A_1237, %add3A_1238 : i32
        %mul3A_1240 = arith.constant 8 : i32
        %mul3A_1241 = arith.muli %add3A_1239, %mul3A_1240 : i32
        %get3A_1242 = arith.index_cast %mul3A_1241 : i32 to index
        %get3A_1243 = tpu.vector_load %arg7[%get3A_1242] {strides = array<i32>} : memref<528xi32, #tpu.memory_space<vmem>>, vector<16xi32>,
        %slice3A_1244 = vector.extract_strided_slice %get3A_1243 {offsets = [0], sizes = [1], strides = [1]} : vector<16xi32> to vector<1xi32>
        %squeeze3A_1245 = vector.extract %slice3A_1244[0] : i32 from vector<1xi32>
        %shift_right_arithmetic3A_1246 = arith.constant 7 : i32
        %shift_right_arithmetic3A_1247 = arith.shrsi %squeeze3A_1245, %shift_right_arithmetic3A_1246 : i32
        %mul3A_1248 = arith.constant 128 : i32
        %mul3A_1249 = arith.muli %shift_right_arithmetic3A_1247, %mul3A_1248 : i32
        %multiple_of3A_1250 = tpu.assume_multiple %mul3A_1249, 128 : i32
        %dma_start3A_1251 = arith.constant 0 : i32
        %dma_start3A_1252 = arith.constant 0 : i32
        %dma_start3A_1253 = arith.constant 0 : i32
        %dma_start3A_1254 = tpu.memref_slice %arg10[%dma_start3A_1251, %dma_start3A_1252, %dma_start3A_1253] : memref<16x32x128xf32, #tpu.memory_space<vmem>> -> memref<1x32x128xf32, #tpu.memory_space<vmem>>
        %dma_start3A_1255 = tpu.memref_squeeze %dma_start3A_1254 : memref<1x32x128xf32, #tpu.memory_space<vmem>> -> memref<32x128xf32, #tpu.memory_space<vmem>>
        %dma_start3A_1256 = arith.constant 0 : i32
        %dma_start3A_1257 = tpu.memref_slice %arg4[%dma_start3A_1256, %multiple_of3A_1250] : memref<32x1000000xf32, #tpu.memory_space<hbm>> -> memref<32x128xf32, #tpu.memory_space<hbm>>
        %dma_start3A_1258 = arith.constant 0 : i32
        %dma_start3A_1259 = arith.constant 0 : i32
        %dma_start3A_1260 = tpu.memref_slice %arg10[%dma_start3A_1251, %dma_start3A_1258, %dma_start3A_1259] : memref<16x32x128xf32, #tpu.memory_space<vmem>> -> memref<1x32x128xf32, #tpu.memory_space<vmem>>
        %dma_start3A_1261 = tpu.memref_squeeze %dma_start3A_1260 : memref<1x32x128xf32, #tpu.memory_space<vmem>> -> memref<32x128xf32, #tpu.memory_space<vmem>>
        %dma_start3A_1262 = arith.constant 0 : i32
        %dma_start3A_1263 = tpu.memref_slice %arg4[%dma_start3A_1262, %multiple_of3A_1250] : memref<32x1000000xf32, #tpu.memory_space<hbm>> -> memref<32x128xf32, #tpu.memory_space<hbm>>
        tpu.enqueue_dma source(%dma_start3A_1263 : memref<32x128xf32, #tpu.memory_space<hbm>>) target(%dma_start3A_1261 : memref<32x128xf32, #tpu.memory_space<vmem>>) target_semaphore(%arg14 : memref<!tpu.dma_semaphore, #tpu.memory_space<semaphore_mem>>)
        %slice3A_1264 = vector.extract_strided_slice %get3A_1243 {offsets = [1], sizes = [1], strides = [1]} : vector<16xi32> to vector<1xi32>
        %squeeze3A_1265 = vector.extract %slice3A_1264[0] : i32 from vector<1xi32>
        %shift_right_arithmetic3A_1266 = arith.constant 7 : i32
        %shift_right_arithmetic3A_1267 = arith.shrsi %squeeze3A_1265, %shift_right_arithmetic3A_1266 : i32
        %mul3A_1268 = arith.constant 128 : i32
        %mul3A_1269 = arith.muli %shift_right_arithmetic3A_1267, %mul3A_1268 : i32
        %multiple_of3A_1270 = tpu.assume_multiple %mul3A_1269, 128 : i32
        %dma_start3A_1271 = arith.constant 1 : i32
        %dma_start3A_1272 = arith.constant 0 : i32
        %dma_start3A_1273 = arith.constant 0 : i32
        %dma_start3A_1274 = tpu.memref_slice %arg10[%dma_start3A_1271, %dma_start3A_1272, %dma_start3A_1273] : memref<16x32x128xf32, #tpu.memory_space<vmem>> -> memref<1x32x128xf32, #tpu.memory_space<vmem>>
        %dma_start3A_1275 = tpu.memref_squeeze %dma_start3A_1274 : memref<1x32x128xf32, #tpu.memory_space<vmem>> -> memref<32x128xf32, #tpu.memory_space<vmem>>
        %dma_start3A_1276 = arith.constant 0 : i32
        %dma_start3A_1277 = tpu.memref_slice %arg4[%dma_start3A_1276, %multiple_of3A_1270] : memref<32x1000000xf32, #tpu.memory_space<hbm>> -> memref<32x128xf32, #tpu.memory_space<hbm>>
        %dma_start3A_1278 = arith.constant 0 : i32
        %dma_start3A_1279 = arith.constant 0 : i32
        %dma_start3A_1280 = tpu.memref_slice %arg10[%dma_start3A_1271, %dma_start3A_1278, %dma_start3A_1279] : memref<16x32x128xf32, #tpu.memory_space<vmem>> -> memref<1x32x128xf32, #tpu.memory_space<vmem>>
        %dma_start3A_1281 = tpu.memref_squeeze %dma_start3A_1280 : memref<1x32x128xf32, #tpu.memory_space<vmem>> -> memref<32x128xf32, #tpu.memory_space<vmem>>
        %dma_start3A_1282 = arith.constant 0 : i32
        %dma_start3A_1283 = tpu.memref_slice %arg4[%dma_start3A_1282, %multiple_of3A_1270] : memref<32x1000000xf32, #tpu.memory_space<hbm>> -> memref<32x128xf32, #tpu.memory_space<hbm>>
        tpu.enqueue_dma source(%dma_start3A_1283 : memref<32x128xf32, #tpu.memory_space<hbm>>) target(%dma_start3A_1281 : memref<32x128xf32, #tpu.memory_space<vmem>>) target_semaphore(%arg14 : memref<!tpu.dma_semaphore, #tpu.memory_space<semaphore_mem>>)
        %slice3A_1284 = vector.extract_strided_slice %get3A_1243 {offsets = [2], sizes = [1], strides = [1]} : vector<16xi32> to vector<1xi32>
        %squeeze3A_1285 = vector.extract %slice3A_1284[0] : i32 from vector<1xi32>
        %shift_right_arithmetic3A_1286 = arith.constant 7 : i32
        %shift_right_arithmetic3A_1287 = arith.shrsi %squeeze3A_1285, %shift_right_arithmetic3A_1286 : i32
        %mul3A_1288 = arith.constant 128 : i32
        %mul3A_1289 = arith.muli %shift_right_arithmetic3A_1287, %mul3A_1288 : i32
        %multiple_of3A_1290 = tpu.assume_multiple %mul3A_1289, 128 : i32
        %dma_start3A_1291 = arith.constant 2 : i32
        %dma_start3A_1292 = arith.constant 0 : i32
        %dma_start3A_1293 = arith.constant 0 : i32
        %dma_start3A_1294 = tpu.memref_slice %arg10[%dma_start3A_1291, %dma_start3A_1292, %dma_start3A_1293] : memref<16x32x128xf32, #tpu.memory_space<vmem>> -> memref<1x32x128xf32, #tpu.memory_space<vmem>>
        %dma_start3A_1295 = tpu.memref_squeeze %dma_start3A_1294 : memref<1x32x128xf32, #tpu.memory_space<vmem>> -> memref<32x128xf32, #tpu.memory_space<vmem>>
        %dma_start3A_1296 = arith.constant 0 : i32
        %dma_start3A_1297 = tpu.memref_slice %arg4[%dma_start3A_1296, %multiple_of3A_1290] : memref<32x1000000xf32, #tpu.memory_space<hbm>> -> memref<32x128xf32, #tpu.memory_space<hbm>>
        %dma_start3A_1298 = arith.constant 0 : i32
        %dma_start3A_1299 = arith.constant 0 : i32
        %dma_start3A_1300 = tpu.memref_slice %arg10[%dma_start3A_1291, %dma_start3A_1298, %dma_start3A_1299] : memref<16x32x128xf32, #tpu.memory_space<vmem>> -> memref<1x32x128xf32, #tpu.memory_space<vmem>>
        %dma_start3A_1301 = tpu.memref_squeeze %dma_start3A_1300 : memref<1x32x128xf32, #tpu.memory_space<vmem>> -> memref<32x128xf32, #tpu.memory_space<vmem>>
        %dma_start3A_1302 = arith.constant 0 : i32
        %dma_start3A_1303 = tpu.memref_slice %arg4[%dma_start3A_1302, %multiple_of3A_1290] : memref<32x1000000xf32, #tpu.memory_space<hbm>> -> memref<32x128xf32, #tpu.memory_space<hbm>>
        tpu.enqueue_dma source(%dma_start3A_1303 : memref<32x128xf32, #tpu.memory_space<hbm>>) target(%dma_start3A_1301 : memref<32x128xf32, #tpu.memory_space<vmem>>) target_semaphore(%arg14 : memref<!tpu.dma_semaphore, #tpu.memory_space<semaphore_mem>>)
        %slice3A_1304 = vector.extract_strided_slice %get3A_1243 {offsets = [3], sizes = [1], strides = [1]} : vector<16xi32> to vector<1xi32>
        %squeeze3A_1305 = vector.extract %slice3A_1304[0] : i32 from vector<1xi32>
        %shift_right_arithmetic3A_1306 = arith.constant 7 : i32
        %shift_right_arithmetic3A_1307 = arith.shrsi %squeeze3A_1305, %shift_right_arithmetic3A_1306 : i32
        %mul3A_1308 = arith.constant 128 : i32
        %mul3A_1309 = arith.muli %shift_right_arithmetic3A_1307, %mul3A_1308 : i32
        %multiple_of3A_1310 = tpu.assume_multiple %mul3A_1309, 128 : i32
        %dma_start3A_1311 = arith.constant 3 : i32
        %dma_start3A_1312 = arith.constant 0 : i32
        %dma_start3A_1313 = arith.constant 0 : i32
        %dma_start3A_1314 = tpu.memref_slice %arg10[%dma_start3A_1311, %dma_start3A_1312, %dma_start3A_1313] : memref<16x32x128xf32, #tpu.memory_space<vmem>> -> memref<1x32x128xf32, #tpu.memory_space<vmem>>
        %dma_start3A_1315 = tpu.memref_squeeze %dma_start3A_1314 : memref<1x32x128xf32, #tpu.memory_space<vmem>> -> memref<32x128xf32, #tpu.memory_space<vmem>>
        %dma_start3A_1316 = arith.constant 0 : i32
        %dma_start3A_1317 = tpu.memref_slice %arg4[%dma_start3A_1316, %multiple_of3A_1310] : memref<32x1000000xf32, #tpu.memory_space<hbm>> -> memref<32x128xf32, #tpu.memory_space<hbm>>
        %dma_start3A_1318 = arith.constant 0 : i32
        %dma_start3A_1319 = arith.constant 0 : i32
        %dma_start3A_1320 = tpu.memref_slice %arg10[%dma_start3A_1311, %dma_start3A_1318, %dma_start3A_1319] : memref<16x32x128xf32, #tpu.memory_space<vmem>> -> memref<1x32x128xf32, #tpu.memory_space<vmem>>
        %dma_start3A_1321 = tpu.memref_squeeze %dma_start3A_1320 : memref<1x32x128xf32, #tpu.memory_space<vmem>> -> memref<32x128xf32, #tpu.memory_space<vmem>>
        %dma_start3A_1322 = arith.constant 0 : i32
        %dma_start3A_1323 = tpu.memref_slice %arg4[%dma_start3A_1322, %multiple_of3A_1310] : memref<32x1000000xf32, #tpu.memory_space<hbm>> -> memref<32x128xf32, #tpu.memory_space<hbm>>
        tpu.enqueue_dma source(%dma_start3A_1323 : memref<32x128xf32, #tpu.memory_space<hbm>>) target(%dma_start3A_1321 : memref<32x128xf32, #tpu.memory_space<vmem>>) target_semaphore(%arg14 : memref<!tpu.dma_semaphore, #tpu.memory_space<semaphore_mem>>)
        %slice3A_1324 = vector.extract_strided_slice %get3A_1243 {offsets = [4], sizes = [1], strides = [1]} : vector<16xi32> to vector<1xi32>
        %squeeze3A_1325 = vector.extract %slice3A_1324[0] : i32 from vector<1xi32>
        %shift_right_arithmetic3A_1326 = arith.constant 7 : i32
        %shift_right_arithmetic3A_1327 = arith.shrsi %squeeze3A_1325, %shift_right_arithmetic3A_1326 : i32
        %mul3A_1328 = arith.constant 128 : i32
        %mul3A_1329 = arith.muli %shift_right_arithmetic3A_1327, %mul3A_1328 : i32
        %multiple_of3A_1330 = tpu.assume_multiple %mul3A_1329, 128 : i32
        %dma_start3A_1331 = arith.constant 4 : i32
        %dma_start3A_1332 = arith.constant 0 : i32
        %dma_start3A_1333 = arith.constant 0 : i32
        %dma_start3A_1334 = tpu.memref_slice %arg10[%dma_start3A_1331, %dma_start3A_1332, %dma_start3A_1333] : memref<16x32x128xf32, #tpu.memory_space<vmem>> -> memref<1x32x128xf32, #tpu.memory_space<vmem>>
        %dma_start3A_1335 = tpu.memref_squeeze %dma_start3A_1334 : memref<1x32x128xf32, #tpu.memory_space<vmem>> -> memref<32x128xf32, #tpu.memory_space<vmem>>
        %dma_start3A_1336 = arith.constant 0 : i32
        %dma_start3A_1337 = tpu.memref_slice %arg4[%dma_start3A_1336, %multiple_of3A_1330] : memref<32x1000000xf32, #tpu.memory_space<hbm>> -> memref<32x128xf32, #tpu.memory_space<hbm>>
        %dma_start3A_1338 = arith.constant 0 : i32
        %dma_start3A_1339 = arith.constant 0 : i32
        %dma_start3A_1340 = tpu.memref_slice %arg10[%dma_start3A_1331, %dma_start3A_1338, %dma_start3A_1339] : memref<16x32x128xf32, #tpu.memory_space<vmem>> -> memref<1x32x128xf32, #tpu.memory_space<vmem>>
        %dma_start3A_1341 = tpu.memref_squeeze %dma_start3A_1340 : memref<1x32x128xf32, #tpu.memory_space<vmem>> -> memref<32x128xf32, #tpu.memory_space<vmem>>
        %dma_start3A_1342 = arith.constant 0 : i32
        %dma_start3A_1343 = tpu.memref_slice %arg4[%dma_start3A_1342, %multiple_of3A_1330] : memref<32x1000000xf32, #tpu.memory_space<hbm>> -> memref<32x128xf32, #tpu.memory_space<hbm>>
        tpu.enqueue_dma source(%dma_start3A_1343 : memref<32x128xf32, #tpu.memory_space<hbm>>) target(%dma_start3A_1341 : memref<32x128xf32, #tpu.memory_space<vmem>>) target_semaphore(%arg14 : memref<!tpu.dma_semaphore, #tpu.memory_space<semaphore_mem>>)
        %slice3A_1344 = vector.extract_strided_slice %get3A_1243 {offsets = [5], sizes = [1], strides = [1]} : vector<16xi32> to vector<1xi32>
        %squeeze3A_1345 = vector.extract %slice3A_1344[0] : i32 from vector<1xi32>
        %shift_right_arithmetic3A_1346 = arith.constant 7 : i32
        %shift_right_arithmetic3A_1347 = arith.shrsi %squeeze3A_1345, %shift_right_arithmetic3A_1346 : i32
        %mul3A_1348 = arith.constant 128 : i32
        %mul3A_1349 = arith.muli %shift_right_arithmetic3A_1347, %mul3A_1348 : i32
        %multiple_of3A_1350 = tpu.assume_multiple %mul3A_1349, 128 : i32
        %dma_start3A_1351 = arith.constant 5 : i32
        %dma_start3A_1352 = arith.constant 0 : i32
        %dma_start3A_1353 = arith.constant 0 : i32
        %dma_start3A_1354 = tpu.memref_slice %arg10[%dma_start3A_1351, %dma_start3A_1352, %dma_start3A_1353] : memref<16x32x128xf32, #tpu.memory_space<vmem>> -> memref<1x32x128xf32, #tpu.memory_space<vmem>>
        %dma_start3A_1355 = tpu.memref_squeeze %dma_start3A_1354 : memref<1x32x128xf32, #tpu.memory_space<vmem>> -> memref<32x128xf32, #tpu.memory_space<vmem>>
        %dma_start3A_1356 = arith.constant 0 : i32
        %dma_start3A_1357 = tpu.memref_slice %arg4[%dma_start3A_1356, %multiple_of3A_1350] : memref<32x1000000xf32, #tpu.memory_space<hbm>> -> memref<32x128xf32, #tpu.memory_space<hbm>>
        %dma_start3A_1358 = arith.constant 0 : i32
        %dma_start3A_1359 = arith.constant 0 : i32
        %dma_start3A_1360 = tpu.memref_slice %arg10[%dma_start3A_1351, %dma_start3A_1358, %dma_start3A_1359] : memref<16x32x128xf32, #tpu.memory_space<vmem>> -> memref<1x32x128xf32, #tpu.memory_space<vmem>>
        %dma_start3A_1361 = tpu.memref_squeeze %dma_start3A_1360 : memref<1x32x128xf32, #tpu.memory_space<vmem>> -> memref<32x128xf32, #tpu.memory_space<vmem>>
        %dma_start3A_1362 = arith.constant 0 : i32
        %dma_start3A_1363 = tpu.memref_slice %arg4[%dma_start3A_1362, %multiple_of3A_1350] : memref<32x1000000xf32, #tpu.memory_space<hbm>> -> memref<32x128xf32, #tpu.memory_space<hbm>>
        tpu.enqueue_dma source(%dma_start3A_1363 : memref<32x128xf32, #tpu.memory_space<hbm>>) target(%dma_start3A_1361 : memref<32x128xf32, #tpu.memory_space<vmem>>) target_semaphore(%arg14 : memref<!tpu.dma_semaphore, #tpu.memory_space<semaphore_mem>>)
        %slice3A_1364 = vector.extract_strided_slice %get3A_1243 {offsets = [6], sizes = [1], strides = [1]} : vector<16xi32> to vector<1xi32>
        %squeeze3A_1365 = vector.extract %slice3A_1364[0] : i32 from vector<1xi32>
        %shift_right_arithmetic3A_1366 = arith.constant 7 : i32
        %shift_right_arithmetic3A_1367 = arith.shrsi %squeeze3A_1365, %shift_right_arithmetic3A_1366 : i32
        %mul3A_1368 = arith.constant 128 : i32
        %mul3A_1369 = arith.muli %shift_right_arithmetic3A_1367, %mul3A_1368 : i32
        %multiple_of3A_1370 = tpu.assume_multiple %mul3A_1369, 128 : i32
        %dma_start3A_1371 = arith.constant 6 : i32
        %dma_start3A_1372 = arith.constant 0 : i32
        %dma_start3A_1373 = arith.constant 0 : i32
        %dma_start3A_1374 = tpu.memref_slice %arg10[%dma_start3A_1371, %dma_start3A_1372, %dma_start3A_1373] : memref<16x32x128xf32, #tpu.memory_space<vmem>> -> memref<1x32x128xf32, #tpu.memory_space<vmem>>
        %dma_start3A_1375 = tpu.memref_squeeze %dma_start3A_1374 : memref<1x32x128xf32, #tpu.memory_space<vmem>> -> memref<32x128xf32, #tpu.memory_space<vmem>>
        %dma_start3A_1376 = arith.constant 0 : i32
        %dma_start3A_1377 = tpu.memref_slice %arg4[%dma_start3A_1376, %multiple_of3A_1370] : memref<32x1000000xf32, #tpu.memory_space<hbm>> -> memref<32x128xf32, #tpu.memory_space<hbm>>
        %dma_start3A_1378 = arith.constant 0 : i32
        %dma_start3A_1379 = arith.constant 0 : i32
        %dma_start3A_1380 = tpu.memref_slice %arg10[%dma_start3A_1371, %dma_start3A_1378, %dma_start3A_1379] : memref<16x32x128xf32, #tpu.memory_space<vmem>> -> memref<1x32x128xf32, #tpu.memory_space<vmem>>
        %dma_start3A_1381 = tpu.memref_squeeze %dma_start3A_1380 : memref<1x32x128xf32, #tpu.memory_space<vmem>> -> memref<32x128xf32, #tpu.memory_space<vmem>>
        %dma_start3A_1382 = arith.constant 0 : i32
        %dma_start3A_1383 = tpu.memref_slice %arg4[%dma_start3A_1382, %multiple_of3A_1370] : memref<32x1000000xf32, #tpu.memory_space<hbm>> -> memref<32x128xf32, #tpu.memory_space<hbm>>
        tpu.enqueue_dma source(%dma_start3A_1383 : memref<32x128xf32, #tpu.memory_space<hbm>>) target(%dma_start3A_1381 : memref<32x128xf32, #tpu.memory_space<vmem>>) target_semaphore(%arg14 : memref<!tpu.dma_semaphore, #tpu.memory_space<semaphore_mem>>)
        %slice3A_1384 = vector.extract_strided_slice %get3A_1243 {offsets = [7], sizes = [1], strides = [1]} : vector<16xi32> to vector<1xi32>
        %squeeze3A_1385 = vector.extract %slice3A_1384[0] : i32 from vector<1xi32>
        %shift_right_arithmetic3A_1386 = arith.constant 7 : i32
        %shift_right_arithmetic3A_1387 = arith.shrsi %squeeze3A_1385, %shift_right_arithmetic3A_1386 : i32
        %mul3A_1388 = arith.constant 128 : i32
        %mul3A_1389 = arith.muli %shift_right_arithmetic3A_1387, %mul3A_1388 : i32
        %multiple_of3A_1390 = tpu.assume_multiple %mul3A_1389, 128 : i32
        %dma_start3A_1391 = arith.constant 7 : i32
        %dma_start3A_1392 = arith.constant 0 : i32
        %dma_start3A_1393 = arith.constant 0 : i32
        %dma_start3A_1394 = tpu.memref_slice %arg10[%dma_start3A_1391, %dma_start3A_1392, %dma_start3A_1393] : memref<16x32x128xf32, #tpu.memory_space<vmem>> -> memref<1x32x128xf32, #tpu.memory_space<vmem>>
        %dma_start3A_1395 = tpu.memref_squeeze %dma_start3A_1394 : memref<1x32x128xf32, #tpu.memory_space<vmem>> -> memref<32x128xf32, #tpu.memory_space<vmem>>
        %dma_start3A_1396 = arith.constant 0 : i32
        %dma_start3A_1397 = tpu.memref_slice %arg4[%dma_start3A_1396, %multiple_of3A_1390] : memref<32x1000000xf32, #tpu.memory_space<hbm>> -> memref<32x128xf32, #tpu.memory_space<hbm>>
        %dma_start3A_1398 = arith.constant 0 : i32
        %dma_start3A_1399 = arith.constant 0 : i32
        %dma_start3A_1400 = tpu.memref_slice %arg10[%dma_start3A_1391, %dma_start3A_1398, %dma_start3A_1399] : memref<16x32x128xf32, #tpu.memory_space<vmem>> -> memref<1x32x128xf32, #tpu.memory_space<vmem>>
        %dma_start3A_1401 = tpu.memref_squeeze %dma_start3A_1400 : memref<1x32x128xf32, #tpu.memory_space<vmem>> -> memref<32x128xf32, #tpu.memory_space<vmem>>
        %dma_start3A_1402 = arith.constant 0 : i32
        %dma_start3A_1403 = tpu.memref_slice %arg4[%dma_start3A_1402, %multiple_of3A_1390] : memref<32x1000000xf32, #tpu.memory_space<hbm>> -> memref<32x128xf32, #tpu.memory_space<hbm>>
        tpu.enqueue_dma source(%dma_start3A_1403 : memref<32x128xf32, #tpu.memory_space<hbm>>) target(%dma_start3A_1401 : memref<32x128xf32, #tpu.memory_space<vmem>>) target_semaphore(%arg14 : memref<!tpu.dma_semaphore, #tpu.memory_space<semaphore_mem>>)
        %mul3A_1404 = arith.constant 8 : i32
        %mul3A_1405 = arith.muli %add3A_1239, %mul3A_1404 : i32
        %dma_start3A_1406 = tpu.memref_slice %arg9[%mul3A_1405] : memref<512xi32, #tpu.memory_space<vmem>> -> memref<8xi32, #tpu.memory_space<vmem>>
        %dma_start3A_1407 = arith.constant 0 : i32
        %dma_start3A_1408 = arith.constant 0 : i32
        %dma_start3A_1409 = tpu.memref_slice %arg5[%dma_start3A_1407, %dma_start3A_1408] : memref<25000x128xf32, #tpu.memory_space<hbm>> -> memref<25000x128xf32, #tpu.memory_space<hbm>>
        tpu.enqueue_indirect_dma source(%dma_start3A_1409 : memref<25000x128xf32, #tpu.memory_space<hbm>>) target(%arg11 : memref<8x128xf32, #tpu.memory_space<vmem>>) offsets(%dma_start3A_1406 : memref<8xi32, #tpu.memory_space<vmem>>) semaphore(%arg14 : memref<!tpu.dma_semaphore, #tpu.memory_space<semaphore_mem>>)
      } else {
      }
      %dma_wait3A_792 = arith.constant 8 : i32
      %dma_wait3A_793 = arith.constant 0 : i32
      %dma_wait3A_794 = arith.constant 0 : i32
      %dma_wait3A_795 = tpu.memref_slice %arg10[%dma_wait3A_792, %dma_wait3A_793, %dma_wait3A_794] : memref<16x32x128xf32, #tpu.memory_space<vmem>> -> memref<1x32x128xf32, #tpu.memory_space<vmem>>
      %dma_wait3A_796 = tpu.memref_squeeze %dma_wait3A_795 : memref<1x32x128xf32, #tpu.memory_space<vmem>> -> memref<32x128xf32, #tpu.memory_space<vmem>>
      %dma_wait3A_797 = arith.constant 0 : i32
      %dma_wait3A_798 = arith.constant 0 : i32
      %dma_wait3A_799 = tpu.memref_slice %arg4[%dma_wait3A_797, %dma_wait3A_798] : memref<32x1000000xf32, #tpu.memory_space<hbm>> -> memref<32x128xf32, #tpu.memory_space<hbm>>
      %dma_wait3A_800 = arith.constant 0 : i32
      %dma_wait3A_801 = arith.constant 0 : i32
      %dma_wait3A_802 = tpu.memref_slice %arg10[%dma_wait3A_792, %dma_wait3A_800, %dma_wait3A_801] : memref<16x32x128xf32, #tpu.memory_space<vmem>> -> memref<1x32x128xf32, #tpu.memory_space<vmem>>
      %dma_wait3A_803 = tpu.memref_squeeze %dma_wait3A_802 : memref<1x32x128xf32, #tpu.memory_space<vmem>> -> memref<32x128xf32, #tpu.memory_space<vmem>>
      %dma_wait3A_804 = arith.constant 0 : i32
      %dma_wait3A_805 = arith.constant 0 : i32
      %dma_wait3A_806 = tpu.memref_slice %arg4[%dma_wait3A_804, %dma_wait3A_805] : memref<32x1000000xf32, #tpu.memory_space<hbm>> -> memref<32x128xf32, #tpu.memory_space<hbm>>
      tpu.wait_dma2 semaphore(%arg15 : memref<!tpu.dma_semaphore, #tpu.memory_space<semaphore_mem>>) src(%dma_wait3A_806 : memref<32x128xf32, #tpu.memory_space<hbm>>) dst(%dma_wait3A_803 : memref<32x128xf32, #tpu.memory_space<vmem>>)
      %dma_wait3A_807 = arith.constant 9 : i32
      %dma_wait3A_808 = arith.constant 0 : i32
      %dma_wait3A_809 = arith.constant 0 : i32
      %dma_wait3A_810 = tpu.memref_slice %arg10[%dma_wait3A_807, %dma_wait3A_808, %dma_wait3A_809] : memref<16x32x128xf32, #tpu.memory_space<vmem>> -> memref<1x32x128xf32, #tpu.memory_space<vmem>>
      %dma_wait3A_811 = tpu.memref_squeeze %dma_wait3A_810 : memref<1x32x128xf32, #tpu.memory_space<vmem>> -> memref<32x128xf32, #tpu.memory_space<vmem>>
      %dma_wait3A_812 = arith.constant 0 : i32
      %dma_wait3A_813 = arith.constant 0 : i32
      %dma_wait3A_814 = tpu.memref_slice %arg4[%dma_wait3A_812, %dma_wait3A_813] : memref<32x1000000xf32, #tpu.memory_space<hbm>> -> memref<32x128xf32, #tpu.memory_space<hbm>>
      %dma_wait3A_815 = arith.constant 0 : i32
      %dma_wait3A_816 = arith.constant 0 : i32
      %dma_wait3A_817 = tpu.memref_slice %arg10[%dma_wait3A_807, %dma_wait3A_815, %dma_wait3A_816] : memref<16x32x128xf32, #tpu.memory_space<vmem>> -> memref<1x32x128xf32, #tpu.memory_space<vmem>>
      %dma_wait3A_818 = tpu.memref_squeeze %dma_wait3A_817 : memref<1x32x128xf32, #tpu.memory_space<vmem>> -> memref<32x128xf32, #tpu.memory_space<vmem>>
      %dma_wait3A_819 = arith.constant 0 : i32
      %dma_wait3A_820 = arith.constant 0 : i32
      %dma_wait3A_821 = tpu.memref_slice %arg4[%dma_wait3A_819, %dma_wait3A_820] : memref<32x1000000xf32, #tpu.memory_space<hbm>> -> memref<32x128xf32, #tpu.memory_space<hbm>>
      tpu.wait_dma2 semaphore(%arg15 : memref<!tpu.dma_semaphore, #tpu.memory_space<semaphore_mem>>) src(%dma_wait3A_821 : memref<32x128xf32, #tpu.memory_space<hbm>>) dst(%dma_wait3A_818 : memref<32x128xf32, #tpu.memory_space<vmem>>)
      %dma_wait3A_822 = arith.constant 10 : i32
      %dma_wait3A_823 = arith.constant 0 : i32
      %dma_wait3A_824 = arith.constant 0 : i32
      %dma_wait3A_825 = tpu.memref_slice %arg10[%dma_wait3A_822, %dma_wait3A_823, %dma_wait3A_824] : memref<16x32x128xf32, #tpu.memory_space<vmem>> -> memref<1x32x128xf32, #tpu.memory_space<vmem>>
      %dma_wait3A_826 = tpu.memref_squeeze %dma_wait3A_825 : memref<1x32x128xf32, #tpu.memory_space<vmem>> -> memref<32x128xf32, #tpu.memory_space<vmem>>
      %dma_wait3A_827 = arith.constant 0 : i32
      %dma_wait3A_828 = arith.constant 0 : i32
      %dma_wait3A_829 = tpu.memref_slice %arg4[%dma_wait3A_827, %dma_wait3A_828] : memref<32x1000000xf32, #tpu.memory_space<hbm>> -> memref<32x128xf32, #tpu.memory_space<hbm>>
      %dma_wait3A_830 = arith.constant 0 : i32
      %dma_wait3A_831 = arith.constant 0 : i32
      %dma_wait3A_832 = tpu.memref_slice %arg10[%dma_wait3A_822, %dma_wait3A_830, %dma_wait3A_831] : memref<16x32x128xf32, #tpu.memory_space<vmem>> -> memref<1x32x128xf32, #tpu.memory_space<vmem>>
      %dma_wait3A_833 = tpu.memref_squeeze %dma_wait3A_832 : memref<1x32x128xf32, #tpu.memory_space<vmem>> -> memref<32x128xf32, #tpu.memory_space<vmem>>
      %dma_wait3A_834 = arith.constant 0 : i32
      %dma_wait3A_835 = arith.constant 0 : i32
      %dma_wait3A_836 = tpu.memref_slice %arg4[%dma_wait3A_834, %dma_wait3A_835] : memref<32x1000000xf32, #tpu.memory_space<hbm>> -> memref<32x128xf32, #tpu.memory_space<hbm>>
      tpu.wait_dma2 semaphore(%arg15 : memref<!tpu.dma_semaphore, #tpu.memory_space<semaphore_mem>>) src(%dma_wait3A_836 : memref<32x128xf32, #tpu.memory_space<hbm>>) dst(%dma_wait3A_833 : memref<32x128xf32, #tpu.memory_space<vmem>>)
      %dma_wait3A_837 = arith.constant 11 : i32
      %dma_wait3A_838 = arith.constant 0 : i32
      %dma_wait3A_839 = arith.constant 0 : i32
      %dma_wait3A_840 = tpu.memref_slice %arg10[%dma_wait3A_837, %dma_wait3A_838, %dma_wait3A_839] : memref<16x32x128xf32, #tpu.memory_space<vmem>> -> memref<1x32x128xf32, #tpu.memory_space<vmem>>
      %dma_wait3A_841 = tpu.memref_squeeze %dma_wait3A_840 : memref<1x32x128xf32, #tpu.memory_space<vmem>> -> memref<32x128xf32, #tpu.memory_space<vmem>>
      %dma_wait3A_842 = arith.constant 0 : i32
      %dma_wait3A_843 = arith.constant 0 : i32
      %dma_wait3A_844 = tpu.memref_slice %arg4[%dma_wait3A_842, %dma_wait3A_843] : memref<32x1000000xf32, #tpu.memory_space<hbm>> -> memref<32x128xf32, #tpu.memory_space<hbm>>
      %dma_wait3A_845 = arith.constant 0 : i32
      %dma_wait3A_846 = arith.constant 0 : i32
      %dma_wait3A_847 = tpu.memref_slice %arg10[%dma_wait3A_837, %dma_wait3A_845, %dma_wait3A_846] : memref<16x32x128xf32, #tpu.memory_space<vmem>> -> memref<1x32x128xf32, #tpu.memory_space<vmem>>
      %dma_wait3A_848 = tpu.memref_squeeze %dma_wait3A_847 : memref<1x32x128xf32, #tpu.memory_space<vmem>> -> memref<32x128xf32, #tpu.memory_space<vmem>>
      %dma_wait3A_849 = arith.constant 0 : i32
      %dma_wait3A_850 = arith.constant 0 : i32
      %dma_wait3A_851 = tpu.memref_slice %arg4[%dma_wait3A_849, %dma_wait3A_850] : memref<32x1000000xf32, #tpu.memory_space<hbm>> -> memref<32x128xf32, #tpu.memory_space<hbm>>
      tpu.wait_dma2 semaphore(%arg15 : memref<!tpu.dma_semaphore, #tpu.memory_space<semaphore_mem>>) src(%dma_wait3A_851 : memref<32x128xf32, #tpu.memory_space<hbm>>) dst(%dma_wait3A_848 : memref<32x128xf32, #tpu.memory_space<vmem>>)
      %dma_wait3A_852 = arith.constant 12 : i32
      %dma_wait3A_853 = arith.constant 0 : i32
      %dma_wait3A_854 = arith.constant 0 : i32
      %dma_wait3A_855 = tpu.memref_slice %arg10[%dma_wait3A_852, %dma_wait3A_853, %dma_wait3A_854] : memref<16x32x128xf32, #tpu.memory_space<vmem>> -> memref<1x32x128xf32, #tpu.memory_space<vmem>>
      %dma_wait3A_856 = tpu.memref_squeeze %dma_wait3A_855 : memref<1x32x128xf32, #tpu.memory_space<vmem>> -> memref<32x128xf32, #tpu.memory_space<vmem>>
      %dma_wait3A_857 = arith.constant 0 : i32
      %dma_wait3A_858 = arith.constant 0 : i32
      %dma_wait3A_859 = tpu.memref_slice %arg4[%dma_wait3A_857, %dma_wait3A_858] : memref<32x1000000xf32, #tpu.memory_space<hbm>> -> memref<32x128xf32, #tpu.memory_space<hbm>>
      %dma_wait3A_860 = arith.constant 0 : i32
      %dma_wait3A_861 = arith.constant 0 : i32
      %dma_wait3A_862 = tpu.memref_slice %arg10[%dma_wait3A_852, %dma_wait3A_860, %dma_wait3A_861] : memref<16x32x128xf32, #tpu.memory_space<vmem>> -> memref<1x32x128xf32, #tpu.memory_space<vmem>>
      %dma_wait3A_863 = tpu.memref_squeeze %dma_wait3A_862 : memref<1x32x128xf32, #tpu.memory_space<vmem>> -> memref<32x128xf32, #tpu.memory_space<vmem>>
      %dma_wait3A_864 = arith.constant 0 : i32
      %dma_wait3A_865 = arith.constant 0 : i32
      %dma_wait3A_866 = tpu.memref_slice %arg4[%dma_wait3A_864, %dma_wait3A_865] : memref<32x1000000xf32, #tpu.memory_space<hbm>> -> memref<32x128xf32, #tpu.memory_space<hbm>>
      tpu.wait_dma2 semaphore(%arg15 : memref<!tpu.dma_semaphore, #tpu.memory_space<semaphore_mem>>) src(%dma_wait3A_866 : memref<32x128xf32, #tpu.memory_space<hbm>>) dst(%dma_wait3A_863 : memref<32x128xf32, #tpu.memory_space<vmem>>)
      %dma_wait3A_867 = arith.constant 13 : i32
      %dma_wait3A_868 = arith.constant 0 : i32
      %dma_wait3A_869 = arith.constant 0 : i32
      %dma_wait3A_870 = tpu.memref_slice %arg10[%dma_wait3A_867, %dma_wait3A_868, %dma_wait3A_869] : memref<16x32x128xf32, #tpu.memory_space<vmem>> -> memref<1x32x128xf32, #tpu.memory_space<vmem>>
      %dma_wait3A_871 = tpu.memref_squeeze %dma_wait3A_870 : memref<1x32x128xf32, #tpu.memory_space<vmem>> -> memref<32x128xf32, #tpu.memory_space<vmem>>
      %dma_wait3A_872 = arith.constant 0 : i32
      %dma_wait3A_873 = arith.constant 0 : i32
      %dma_wait3A_874 = tpu.memref_slice %arg4[%dma_wait3A_872, %dma_wait3A_873] : memref<32x1000000xf32, #tpu.memory_space<hbm>> -> memref<32x128xf32, #tpu.memory_space<hbm>>
      %dma_wait3A_875 = arith.constant 0 : i32
      %dma_wait3A_876 = arith.constant 0 : i32
      %dma_wait3A_877 = tpu.memref_slice %arg10[%dma_wait3A_867, %dma_wait3A_875, %dma_wait3A_876] : memref<16x32x128xf32, #tpu.memory_space<vmem>> -> memref<1x32x128xf32, #tpu.memory_space<vmem>>
      %dma_wait3A_878 = tpu.memref_squeeze %dma_wait3A_877 : memref<1x32x128xf32, #tpu.memory_space<vmem>> -> memref<32x128xf32, #tpu.memory_space<vmem>>
      %dma_wait3A_879 = arith.constant 0 : i32
      %dma_wait3A_880 = arith.constant 0 : i32
      %dma_wait3A_881 = tpu.memref_slice %arg4[%dma_wait3A_879, %dma_wait3A_880] : memref<32x1000000xf32, #tpu.memory_space<hbm>> -> memref<32x128xf32, #tpu.memory_space<hbm>>
      tpu.wait_dma2 semaphore(%arg15 : memref<!tpu.dma_semaphore, #tpu.memory_space<semaphore_mem>>) src(%dma_wait3A_881 : memref<32x128xf32, #tpu.memory_space<hbm>>) dst(%dma_wait3A_878 : memref<32x128xf32, #tpu.memory_space<vmem>>)
      %dma_wait3A_882 = arith.constant 14 : i32
      %dma_wait3A_883 = arith.constant 0 : i32
      %dma_wait3A_884 = arith.constant 0 : i32
      %dma_wait3A_885 = tpu.memref_slice %arg10[%dma_wait3A_882, %dma_wait3A_883, %dma_wait3A_884] : memref<16x32x128xf32, #tpu.memory_space<vmem>> -> memref<1x32x128xf32, #tpu.memory_space<vmem>>
      %dma_wait3A_886 = tpu.memref_squeeze %dma_wait3A_885 : memref<1x32x128xf32, #tpu.memory_space<vmem>> -> memref<32x128xf32, #tpu.memory_space<vmem>>
      %dma_wait3A_887 = arith.constant 0 : i32
      %dma_wait3A_888 = arith.constant 0 : i32
      %dma_wait3A_889 = tpu.memref_slice %arg4[%dma_wait3A_887, %dma_wait3A_888] : memref<32x1000000xf32, #tpu.memory_space<hbm>> -> memref<32x128xf32, #tpu.memory_space<hbm>>
      %dma_wait3A_890 = arith.constant 0 : i32
      %dma_wait3A_891 = arith.constant 0 : i32
      %dma_wait3A_892 = tpu.memref_slice %arg10[%dma_wait3A_882, %dma_wait3A_890, %dma_wait3A_891] : memref<16x32x128xf32, #tpu.memory_space<vmem>> -> memref<1x32x128xf32, #tpu.memory_space<vmem>>
      %dma_wait3A_893 = tpu.memref_squeeze %dma_wait3A_892 : memref<1x32x128xf32, #tpu.memory_space<vmem>> -> memref<32x128xf32, #tpu.memory_space<vmem>>
      %dma_wait3A_894 = arith.constant 0 : i32
      %dma_wait3A_895 = arith.constant 0 : i32
      %dma_wait3A_896 = tpu.memref_slice %arg4[%dma_wait3A_894, %dma_wait3A_895] : memref<32x1000000xf32, #tpu.memory_space<hbm>> -> memref<32x128xf32, #tpu.memory_space<hbm>>
      tpu.wait_dma2 semaphore(%arg15 : memref<!tpu.dma_semaphore, #tpu.memory_space<semaphore_mem>>) src(%dma_wait3A_896 : memref<32x128xf32, #tpu.memory_space<hbm>>) dst(%dma_wait3A_893 : memref<32x128xf32, #tpu.memory_space<vmem>>)
      %dma_wait3A_897 = arith.constant 15 : i32
      %dma_wait3A_898 = arith.constant 0 : i32
      %dma_wait3A_899 = arith.constant 0 : i32
      %dma_wait3A_900 = tpu.memref_slice %arg10[%dma_wait3A_897, %dma_wait3A_898, %dma_wait3A_899] : memref<16x32x128xf32, #tpu.memory_space<vmem>> -> memref<1x32x128xf32, #tpu.memory_space<vmem>>
      %dma_wait3A_901 = tpu.memref_squeeze %dma_wait3A_900 : memref<1x32x128xf32, #tpu.memory_space<vmem>> -> memref<32x128xf32, #tpu.memory_space<vmem>>
      %dma_wait3A_902 = arith.constant 0 : i32
      %dma_wait3A_903 = arith.constant 0 : i32
      %dma_wait3A_904 = tpu.memref_slice %arg4[%dma_wait3A_902, %dma_wait3A_903] : memref<32x1000000xf32, #tpu.memory_space<hbm>> -> memref<32x128xf32, #tpu.memory_space<hbm>>
      %dma_wait3A_905 = arith.constant 0 : i32
      %dma_wait3A_906 = arith.constant 0 : i32
      %dma_wait3A_907 = tpu.memref_slice %arg10[%dma_wait3A_897, %dma_wait3A_905, %dma_wait3A_906] : memref<16x32x128xf32, #tpu.memory_space<vmem>> -> memref<1x32x128xf32, #tpu.memory_space<vmem>>
      %dma_wait3A_908 = tpu.memref_squeeze %dma_wait3A_907 : memref<1x32x128xf32, #tpu.memory_space<vmem>> -> memref<32x128xf32, #tpu.memory_space<vmem>>
      %dma_wait3A_909 = arith.constant 0 : i32
      %dma_wait3A_910 = arith.constant 0 : i32
      %dma_wait3A_911 = tpu.memref_slice %arg4[%dma_wait3A_909, %dma_wait3A_910] : memref<32x1000000xf32, #tpu.memory_space<hbm>> -> memref<32x128xf32, #tpu.memory_space<hbm>>
      tpu.wait_dma2 semaphore(%arg15 : memref<!tpu.dma_semaphore, #tpu.memory_space<semaphore_mem>>) src(%dma_wait3A_911 : memref<32x128xf32, #tpu.memory_space<hbm>>) dst(%dma_wait3A_908 : memref<32x128xf32, #tpu.memory_space<vmem>>)
      %dma_wait3A_912 = arith.constant 0 : i32
      %dma_wait3A_913 = arith.constant 0 : i32
      %dma_wait3A_914 = tpu.memref_slice %arg5[%dma_wait3A_912, %dma_wait3A_913] : memref<25000x128xf32, #tpu.memory_space<hbm>> -> memref<8x128xf32, #tpu.memory_space<hbm>>
      %dma_wait3A_915 = arith.constant 0 : i32
      %dma_wait3A_916 = arith.constant 0 : i32
      %dma_wait3A_917 = tpu.memref_slice %arg5[%dma_wait3A_915, %dma_wait3A_916] : memref<25000x128xf32, #tpu.memory_space<hbm>> -> memref<8x128xf32, #tpu.memory_space<hbm>>
      tpu.wait_dma2 semaphore(%arg15 : memref<!tpu.dma_semaphore, #tpu.memory_space<semaphore_mem>>) src(%dma_wait3A_917 : memref<8x128xf32, #tpu.memory_space<hbm>>) dst(%arg12 : memref<8x128xf32, #tpu.memory_space<vmem>>)
      %mul3A_918 = arith.constant 2 : i32
      %mul3A_919 = arith.muli %mul3A_918, %scan3A_177 : i32
      %add3A_920 = arith.constant 1 : i32
      %add3A_921 = arith.addi %mul3A_919, %add3A_920 : i32
      %mul3A_922 = arith.constant 8 : i32
      %mul3A_923 = arith.muli %add3A_921, %mul3A_922 : i32
      %get3A_924 = arith.index_cast %mul3A_923 : i32 to index
      %get3A_925 = tpu.vector_load %arg7[%get3A_924] {strides = array<i32>} : memref<528xi32, #tpu.memory_space<vmem>>, vector<16xi32>,
      %mul3A_926 = arith.constant 8 : i32
      %mul3A_927 = arith.muli %add3A_921, %mul3A_926 : i32
      %get3A_928 = arith.index_cast %mul3A_927 : i32 to index
      %get3A_929 = tpu.vector_load %arg8[%get3A_928] {strides = array<i32>} : memref<528xi32, #tpu.memory_space<vmem>>, vector<16xi32>,
      %and3A_930 = arith.constant 127 : i32
      %and3A_931 = vector.broadcast %and3A_930 : i32 to vector<16xi32>
      %and3A_932 = arith.andi %get3A_925, %and3A_931 : vector<16xi32>
      %add3A_933 = arith.constant 8 : i32
      %add3A_934 = vector.broadcast %add3A_933 : i32 to vector<16xi32>
      %add3A_935 = arith.addi %and3A_9, %add3A_934 : vector<16xi32>
      %and3A_936 = arith.constant 3 : i32
      %and3A_937 = vector.broadcast %and3A_936 : i32 to vector<16xi32>
      %and3A_938 = arith.andi %get3A_929, %and3A_937 : vector<16xi32>
      %mul3A_939 = arith.constant 32 : i32
      %mul3A_940 = vector.broadcast %mul3A_939 : i32 to vector<16xi32>
      %mul3A_941 = arith.muli %and3A_938, %mul3A_940 : vector<16xi32>
      %broadcast_in_dim3A_942 = arith.constant 0.000000e+00 : f32
      %broadcast_in_dim3A_943 = vector.broadcast %broadcast_in_dim3A_942 : f32 to vector<16xf32>
      %broadcast_in_dim3A_944 = arith.constant 0 : i32
      %broadcast_in_dim3A_945 = vector.broadcast %broadcast_in_dim3A_944 : i32 to vector<16xi32>
      %gather3A_946 = tpu.vector_load_idx %arg10[%add3A_935, %broadcast_in_dim3A_945, %and3A_932] : memref<16x32x128xf32, #tpu.memory_space<vmem>>[vector<16xi32>, vector<16xi32>, vector<16xi32>], vector<16xf32>,
      %add3A_947 = arith.constant 0 : i32
      %add3A_948 = vector.broadcast %add3A_947 : i32 to vector<16xi32>
      %add3A_949 = arith.addi %mul3A_941, %add3A_948 : vector<16xi32>
      %gather3A_950 = tpu.vector_load_idx %arg12[%and3A_9, %add3A_949] : memref<8x128xf32, #tpu.memory_space<vmem>>[vector<16xi32>, vector<16xi32>], vector<16xf32>,
      %mul3A_951 = arith.mulf %gather3A_946, %gather3A_950 : vector<16xf32>
      %add3A_952 = arith.addf %broadcast_in_dim3A_943, %mul3A_951 : vector<16xf32>
      %broadcast_in_dim3A_953 = arith.constant 1 : i32
      %broadcast_in_dim3A_954 = vector.broadcast %broadcast_in_dim3A_953 : i32 to vector<16xi32>
      %gather3A_955 = tpu.vector_load_idx %arg10[%add3A_935, %broadcast_in_dim3A_954, %and3A_932] : memref<16x32x128xf32, #tpu.memory_space<vmem>>[vector<16xi32>, vector<16xi32>, vector<16xi32>], vector<16xf32>,
      %add3A_956 = arith.constant 1 : i32
      %add3A_957 = vector.broadcast %add3A_956 : i32 to vector<16xi32>
      %add3A_958 = arith.addi %mul3A_941, %add3A_957 : vector<16xi32>
      %gather3A_959 = tpu.vector_load_idx %arg12[%and3A_9, %add3A_958] : memref<8x128xf32, #tpu.memory_space<vmem>>[vector<16xi32>, vector<16xi32>], vector<16xf32>,
      %mul3A_960 = arith.mulf %gather3A_955, %gather3A_959 : vector<16xf32>
      %add3A_961 = arith.addf %add3A_952, %mul3A_960 : vector<16xf32>
      %broadcast_in_dim3A_962 = arith.constant 2 : i32
      %broadcast_in_dim3A_963 = vector.broadcast %broadcast_in_dim3A_962 : i32 to vector<16xi32>
      %gather3A_964 = tpu.vector_load_idx %arg10[%add3A_935, %broadcast_in_dim3A_963, %and3A_932] : memref<16x32x128xf32, #tpu.memory_space<vmem>>[vector<16xi32>, vector<16xi32>, vector<16xi32>], vector<16xf32>,
      %add3A_965 = arith.constant 2 : i32
      %add3A_966 = vector.broadcast %add3A_965 : i32 to vector<16xi32>
      %add3A_967 = arith.addi %mul3A_941, %add3A_966 : vector<16xi32>
      %gather3A_968 = tpu.vector_load_idx %arg12[%and3A_9, %add3A_967] : memref<8x128xf32, #tpu.memory_space<vmem>>[vector<16xi32>, vector<16xi32>], vector<16xf32>,
      %mul3A_969 = arith.mulf %gather3A_964, %gather3A_968 : vector<16xf32>
      %add3A_970 = arith.addf %add3A_961, %mul3A_969 : vector<16xf32>
      %broadcast_in_dim3A_971 = arith.constant 3 : i32
      %broadcast_in_dim3A_972 = vector.broadcast %broadcast_in_dim3A_971 : i32 to vector<16xi32>
      %gather3A_973 = tpu.vector_load_idx %arg10[%add3A_935, %broadcast_in_dim3A_972, %and3A_932] : memref<16x32x128xf32, #tpu.memory_space<vmem>>[vector<16xi32>, vector<16xi32>, vector<16xi32>], vector<16xf32>,
      %add3A_974 = arith.constant 3 : i32
      %add3A_975 = vector.broadcast %add3A_974 : i32 to vector<16xi32>
      %add3A_976 = arith.addi %mul3A_941, %add3A_975 : vector<16xi32>
      %gather3A_977 = tpu.vector_load_idx %arg12[%and3A_9, %add3A_976] : memref<8x128xf32, #tpu.memory_space<vmem>>[vector<16xi32>, vector<16xi32>], vector<16xf32>,
      %mul3A_978 = arith.mulf %gather3A_973, %gather3A_977 : vector<16xf32>
      %add3A_979 = arith.addf %add3A_970, %mul3A_978 : vector<16xf32>
      %broadcast_in_dim3A_980 = arith.constant 4 : i32
      %broadcast_in_dim3A_981 = vector.broadcast %broadcast_in_dim3A_980 : i32 to vector<16xi32>
      %gather3A_982 = tpu.vector_load_idx %arg10[%add3A_935, %broadcast_in_dim3A_981, %and3A_932] : memref<16x32x128xf32, #tpu.memory_space<vmem>>[vector<16xi32>, vector<16xi32>, vector<16xi32>], vector<16xf32>,
      %add3A_983 = arith.constant 4 : i32
      %add3A_984 = vector.broadcast %add3A_983 : i32 to vector<16xi32>
      %add3A_985 = arith.addi %mul3A_941, %add3A_984 : vector<16xi32>
      %gather3A_986 = tpu.vector_load_idx %arg12[%and3A_9, %add3A_985] : memref<8x128xf32, #tpu.memory_space<vmem>>[vector<16xi32>, vector<16xi32>], vector<16xf32>,
      %mul3A_987 = arith.mulf %gather3A_982, %gather3A_986 : vector<16xf32>
      %add3A_988 = arith.addf %add3A_979, %mul3A_987 : vector<16xf32>
      %broadcast_in_dim3A_989 = arith.constant 5 : i32
      %broadcast_in_dim3A_990 = vector.broadcast %broadcast_in_dim3A_989 : i32 to vector<16xi32>
      %gather3A_991 = tpu.vector_load_idx %arg10[%add3A_935, %broadcast_in_dim3A_990, %and3A_932] : memref<16x32x128xf32, #tpu.memory_space<vmem>>[vector<16xi32>, vector<16xi32>, vector<16xi32>], vector<16xf32>,
      %add3A_992 = arith.constant 5 : i32
      %add3A_993 = vector.broadcast %add3A_992 : i32 to vector<16xi32>
      %add3A_994 = arith.addi %mul3A_941, %add3A_993 : vector<16xi32>
      %gather3A_995 = tpu.vector_load_idx %arg12[%and3A_9, %add3A_994] : memref<8x128xf32, #tpu.memory_space<vmem>>[vector<16xi32>, vector<16xi32>], vector<16xf32>,
      %mul3A_996 = arith.mulf %gather3A_991, %gather3A_995 : vector<16xf32>
      %add3A_997 = arith.addf %add3A_988, %mul3A_996 : vector<16xf32>
      %broadcast_in_dim3A_998 = arith.constant 6 : i32
      %broadcast_in_dim3A_999 = vector.broadcast %broadcast_in_dim3A_998 : i32 to vector<16xi32>
      %gather3A_1000 = tpu.vector_load_idx %arg10[%add3A_935, %broadcast_in_dim3A_999, %and3A_932] : memref<16x32x128xf32, #tpu.memory_space<vmem>>[vector<16xi32>, vector<16xi32>, vector<16xi32>], vector<16xf32>,
      %add3A_1001 = arith.constant 6 : i32
      %add3A_1002 = vector.broadcast %add3A_1001 : i32 to vector<16xi32>
      %add3A_1003 = arith.addi %mul3A_941, %add3A_1002 : vector<16xi32>
      %gather3A_1004 = tpu.vector_load_idx %arg12[%and3A_9, %add3A_1003] : memref<8x128xf32, #tpu.memory_space<vmem>>[vector<16xi32>, vector<16xi32>], vector<16xf32>,
      %mul3A_1005 = arith.mulf %gather3A_1000, %gather3A_1004 : vector<16xf32>
      %add3A_1006 = arith.addf %add3A_997, %mul3A_1005 : vector<16xf32>
      %broadcast_in_dim3A_1007 = arith.constant 7 : i32
      %broadcast_in_dim3A_1008 = vector.broadcast %broadcast_in_dim3A_1007 : i32 to vector<16xi32>
      %gather3A_1009 = tpu.vector_load_idx %arg10[%add3A_935, %broadcast_in_dim3A_1008, %and3A_932] : memref<16x32x128xf32, #tpu.memory_space<vmem>>[vector<16xi32>, vector<16xi32>, vector<16xi32>], vector<16xf32>,
      %add3A_1010 = arith.constant 7 : i32
      %add3A_1011 = vector.broadcast %add3A_1010 : i32 to vector<16xi32>
      %add3A_1012 = arith.addi %mul3A_941, %add3A_1011 : vector<16xi32>
      %gather3A_1013 = tpu.vector_load_idx %arg12[%and3A_9, %add3A_1012] : memref<8x128xf32, #tpu.memory_space<vmem>>[vector<16xi32>, vector<16xi32>], vector<16xf32>,
      %mul3A_1014 = arith.mulf %gather3A_1009, %gather3A_1013 : vector<16xf32>
      %add3A_1015 = arith.addf %add3A_1006, %mul3A_1014 : vector<16xf32>
      %broadcast_in_dim3A_1016 = arith.constant 8 : i32
      %broadcast_in_dim3A_1017 = vector.broadcast %broadcast_in_dim3A_1016 : i32 to vector<16xi32>
      %gather3A_1018 = tpu.vector_load_idx %arg10[%add3A_935, %broadcast_in_dim3A_1017, %and3A_932] : memref<16x32x128xf32, #tpu.memory_space<vmem>>[vector<16xi32>, vector<16xi32>, vector<16xi32>], vector<16xf32>,
      %add3A_1019 = arith.constant 8 : i32
      %add3A_1020 = vector.broadcast %add3A_1019 : i32 to vector<16xi32>
      %add3A_1021 = arith.addi %mul3A_941, %add3A_1020 : vector<16xi32>
      %gather3A_1022 = tpu.vector_load_idx %arg12[%and3A_9, %add3A_1021] : memref<8x128xf32, #tpu.memory_space<vmem>>[vector<16xi32>, vector<16xi32>], vector<16xf32>,
      %mul3A_1023 = arith.mulf %gather3A_1018, %gather3A_1022 : vector<16xf32>
      %add3A_1024 = arith.addf %add3A_1015, %mul3A_1023 : vector<16xf32>
      %broadcast_in_dim3A_1025 = arith.constant 9 : i32
      %broadcast_in_dim3A_1026 = vector.broadcast %broadcast_in_dim3A_1025 : i32 to vector<16xi32>
      %gather3A_1027 = tpu.vector_load_idx %arg10[%add3A_935, %broadcast_in_dim3A_1026, %and3A_932] : memref<16x32x128xf32, #tpu.memory_space<vmem>>[vector<16xi32>, vector<16xi32>, vector<16xi32>], vector<16xf32>,
      %add3A_1028 = arith.constant 9 : i32
      %add3A_1029 = vector.broadcast %add3A_1028 : i32 to vector<16xi32>
      %add3A_1030 = arith.addi %mul3A_941, %add3A_1029 : vector<16xi32>
      %gather3A_1031 = tpu.vector_load_idx %arg12[%and3A_9, %add3A_1030] : memref<8x128xf32, #tpu.memory_space<vmem>>[vector<16xi32>, vector<16xi32>], vector<16xf32>,
      %mul3A_1032 = arith.mulf %gather3A_1027, %gather3A_1031 : vector<16xf32>
      %add3A_1033 = arith.addf %add3A_1024, %mul3A_1032 : vector<16xf32>
      %broadcast_in_dim3A_1034 = arith.constant 10 : i32
      %broadcast_in_dim3A_1035 = vector.broadcast %broadcast_in_dim3A_1034 : i32 to vector<16xi32>
      %gather3A_1036 = tpu.vector_load_idx %arg10[%add3A_935, %broadcast_in_dim3A_1035, %and3A_932] : memref<16x32x128xf32, #tpu.memory_space<vmem>>[vector<16xi32>, vector<16xi32>, vector<16xi32>], vector<16xf32>,
      %add3A_1037 = arith.constant 10 : i32
      %add3A_1038 = vector.broadcast %add3A_1037 : i32 to vector<16xi32>
      %add3A_1039 = arith.addi %mul3A_941, %add3A_1038 : vector<16xi32>
      %gather3A_1040 = tpu.vector_load_idx %arg12[%and3A_9, %add3A_1039] : memref<8x128xf32, #tpu.memory_space<vmem>>[vector<16xi32>, vector<16xi32>], vector<16xf32>,
      %mul3A_1041 = arith.mulf %gather3A_1036, %gather3A_1040 : vector<16xf32>
      %add3A_1042 = arith.addf %add3A_1033, %mul3A_1041 : vector<16xf32>
      %broadcast_in_dim3A_1043 = arith.constant 11 : i32
      %broadcast_in_dim3A_1044 = vector.broadcast %broadcast_in_dim3A_1043 : i32 to vector<16xi32>
      %gather3A_1045 = tpu.vector_load_idx %arg10[%add3A_935, %broadcast_in_dim3A_1044, %and3A_932] : memref<16x32x128xf32, #tpu.memory_space<vmem>>[vector<16xi32>, vector<16xi32>, vector<16xi32>], vector<16xf32>,
      %add3A_1046 = arith.constant 11 : i32
      %add3A_1047 = vector.broadcast %add3A_1046 : i32 to vector<16xi32>
      %add3A_1048 = arith.addi %mul3A_941, %add3A_1047 : vector<16xi32>
      %gather3A_1049 = tpu.vector_load_idx %arg12[%and3A_9, %add3A_1048] : memref<8x128xf32, #tpu.memory_space<vmem>>[vector<16xi32>, vector<16xi32>], vector<16xf32>,
      %mul3A_1050 = arith.mulf %gather3A_1045, %gather3A_1049 : vector<16xf32>
      %add3A_1051 = arith.addf %add3A_1042, %mul3A_1050 : vector<16xf32>
      %broadcast_in_dim3A_1052 = arith.constant 12 : i32
      %broadcast_in_dim3A_1053 = vector.broadcast %broadcast_in_dim3A_1052 : i32 to vector<16xi32>
      %gather3A_1054 = tpu.vector_load_idx %arg10[%add3A_935, %broadcast_in_dim3A_1053, %and3A_932] : memref<16x32x128xf32, #tpu.memory_space<vmem>>[vector<16xi32>, vector<16xi32>, vector<16xi32>], vector<16xf32>,
      %add3A_1055 = arith.constant 12 : i32
      %add3A_1056 = vector.broadcast %add3A_1055 : i32 to vector<16xi32>
      %add3A_1057 = arith.addi %mul3A_941, %add3A_1056 : vector<16xi32>
      %gather3A_1058 = tpu.vector_load_idx %arg12[%and3A_9, %add3A_1057] : memref<8x128xf32, #tpu.memory_space<vmem>>[vector<16xi32>, vector<16xi32>], vector<16xf32>,
      %mul3A_1059 = arith.mulf %gather3A_1054, %gather3A_1058 : vector<16xf32>
      %add3A_1060 = arith.addf %add3A_1051, %mul3A_1059 : vector<16xf32>
      %broadcast_in_dim3A_1061 = arith.constant 13 : i32
      %broadcast_in_dim3A_1062 = vector.broadcast %broadcast_in_dim3A_1061 : i32 to vector<16xi32>
      %gather3A_1063 = tpu.vector_load_idx %arg10[%add3A_935, %broadcast_in_dim3A_1062, %and3A_932] : memref<16x32x128xf32, #tpu.memory_space<vmem>>[vector<16xi32>, vector<16xi32>, vector<16xi32>], vector<16xf32>,
      %add3A_1064 = arith.constant 13 : i32
      %add3A_1065 = vector.broadcast %add3A_1064 : i32 to vector<16xi32>
      %add3A_1066 = arith.addi %mul3A_941, %add3A_1065 : vector<16xi32>
      %gather3A_1067 = tpu.vector_load_idx %arg12[%and3A_9, %add3A_1066] : memref<8x128xf32, #tpu.memory_space<vmem>>[vector<16xi32>, vector<16xi32>], vector<16xf32>,
      %mul3A_1068 = arith.mulf %gather3A_1063, %gather3A_1067 : vector<16xf32>
      %add3A_1069 = arith.addf %add3A_1060, %mul3A_1068 : vector<16xf32>
      %broadcast_in_dim3A_1070 = arith.constant 14 : i32
      %broadcast_in_dim3A_1071 = vector.broadcast %broadcast_in_dim3A_1070 : i32 to vector<16xi32>
      %gather3A_1072 = tpu.vector_load_idx %arg10[%add3A_935, %broadcast_in_dim3A_1071, %and3A_932] : memref<16x32x128xf32, #tpu.memory_space<vmem>>[vector<16xi32>, vector<16xi32>, vector<16xi32>], vector<16xf32>,
      %add3A_1073 = arith.constant 14 : i32
      %add3A_1074 = vector.broadcast %add3A_1073 : i32 to vector<16xi32>
      %add3A_1075 = arith.addi %mul3A_941, %add3A_1074 : vector<16xi32>
      %gather3A_1076 = tpu.vector_load_idx %arg12[%and3A_9, %add3A_1075] : memref<8x128xf32, #tpu.memory_space<vmem>>[vector<16xi32>, vector<16xi32>], vector<16xf32>,
      %mul3A_1077 = arith.mulf %gather3A_1072, %gather3A_1076 : vector<16xf32>
      %add3A_1078 = arith.addf %add3A_1069, %mul3A_1077 : vector<16xf32>
      %broadcast_in_dim3A_1079 = arith.constant 15 : i32
      %broadcast_in_dim3A_1080 = vector.broadcast %broadcast_in_dim3A_1079 : i32 to vector<16xi32>
      %gather3A_1081 = tpu.vector_load_idx %arg10[%add3A_935, %broadcast_in_dim3A_1080, %and3A_932] : memref<16x32x128xf32, #tpu.memory_space<vmem>>[vector<16xi32>, vector<16xi32>, vector<16xi32>], vector<16xf32>,
      %add3A_1082 = arith.constant 15 : i32
      %add3A_1083 = vector.broadcast %add3A_1082 : i32 to vector<16xi32>
      %add3A_1084 = arith.addi %mul3A_941, %add3A_1083 : vector<16xi32>
      %gather3A_1085 = tpu.vector_load_idx %arg12[%and3A_9, %add3A_1084] : memref<8x128xf32, #tpu.memory_space<vmem>>[vector<16xi32>, vector<16xi32>], vector<16xf32>,
      %mul3A_1086 = arith.mulf %gather3A_1081, %gather3A_1085 : vector<16xf32>
      %add3A_1087 = arith.addf %add3A_1078, %mul3A_1086 : vector<16xf32>
      %broadcast_in_dim3A_1088 = arith.constant 16 : i32
      %broadcast_in_dim3A_1089 = vector.broadcast %broadcast_in_dim3A_1088 : i32 to vector<16xi32>
      %gather3A_1090 = tpu.vector_load_idx %arg10[%add3A_935, %broadcast_in_dim3A_1089, %and3A_932] : memref<16x32x128xf32, #tpu.memory_space<vmem>>[vector<16xi32>, vector<16xi32>, vector<16xi32>], vector<16xf32>,
      %add3A_1091 = arith.constant 16 : i32
      %add3A_1092 = vector.broadcast %add3A_1091 : i32 to vector<16xi32>
      %add3A_1093 = arith.addi %mul3A_941, %add3A_1092 : vector<16xi32>
      %gather3A_1094 = tpu.vector_load_idx %arg12[%and3A_9, %add3A_1093] : memref<8x128xf32, #tpu.memory_space<vmem>>[vector<16xi32>, vector<16xi32>], vector<16xf32>,
      %mul3A_1095 = arith.mulf %gather3A_1090, %gather3A_1094 : vector<16xf32>
      %add3A_1096 = arith.addf %add3A_1087, %mul3A_1095 : vector<16xf32>
      %broadcast_in_dim3A_1097 = arith.constant 17 : i32
      %broadcast_in_dim3A_1098 = vector.broadcast %broadcast_in_dim3A_1097 : i32 to vector<16xi32>
      %gather3A_1099 = tpu.vector_load_idx %arg10[%add3A_935, %broadcast_in_dim3A_1098, %and3A_932] : memref<16x32x128xf32, #tpu.memory_space<vmem>>[vector<16xi32>, vector<16xi32>, vector<16xi32>], vector<16xf32>,
      %add3A_1100 = arith.constant 17 : i32
      %add3A_1101 = vector.broadcast %add3A_1100 : i32 to vector<16xi32>
      %add3A_1102 = arith.addi %mul3A_941, %add3A_1101 : vector<16xi32>
      %gather3A_1103 = tpu.vector_load_idx %arg12[%and3A_9, %add3A_1102] : memref<8x128xf32, #tpu.memory_space<vmem>>[vector<16xi32>, vector<16xi32>], vector<16xf32>,
      %mul3A_1104 = arith.mulf %gather3A_1099, %gather3A_1103 : vector<16xf32>
      %add3A_1105 = arith.addf %add3A_1096, %mul3A_1104 : vector<16xf32>
      %broadcast_in_dim3A_1106 = arith.constant 18 : i32
      %broadcast_in_dim3A_1107 = vector.broadcast %broadcast_in_dim3A_1106 : i32 to vector<16xi32>
      %gather3A_1108 = tpu.vector_load_idx %arg10[%add3A_935, %broadcast_in_dim3A_1107, %and3A_932] : memref<16x32x128xf32, #tpu.memory_space<vmem>>[vector<16xi32>, vector<16xi32>, vector<16xi32>], vector<16xf32>,
      %add3A_1109 = arith.constant 18 : i32
      %add3A_1110 = vector.broadcast %add3A_1109 : i32 to vector<16xi32>
      %add3A_1111 = arith.addi %mul3A_941, %add3A_1110 : vector<16xi32>
      %gather3A_1112 = tpu.vector_load_idx %arg12[%and3A_9, %add3A_1111] : memref<8x128xf32, #tpu.memory_space<vmem>>[vector<16xi32>, vector<16xi32>], vector<16xf32>,
      %mul3A_1113 = arith.mulf %gather3A_1108, %gather3A_1112 : vector<16xf32>
      %add3A_1114 = arith.addf %add3A_1105, %mul3A_1113 : vector<16xf32>
      %broadcast_in_dim3A_1115 = arith.constant 19 : i32
      %broadcast_in_dim3A_1116 = vector.broadcast %broadcast_in_dim3A_1115 : i32 to vector<16xi32>
      %gather3A_1117 = tpu.vector_load_idx %arg10[%add3A_935, %broadcast_in_dim3A_1116, %and3A_932] : memref<16x32x128xf32, #tpu.memory_space<vmem>>[vector<16xi32>, vector<16xi32>, vector<16xi32>], vector<16xf32>,
      %add3A_1118 = arith.constant 19 : i32
      %add3A_1119 = vector.broadcast %add3A_1118 : i32 to vector<16xi32>
      %add3A_1120 = arith.addi %mul3A_941, %add3A_1119 : vector<16xi32>
      %gather3A_1121 = tpu.vector_load_idx %arg12[%and3A_9, %add3A_1120] : memref<8x128xf32, #tpu.memory_space<vmem>>[vector<16xi32>, vector<16xi32>], vector<16xf32>,
      %mul3A_1122 = arith.mulf %gather3A_1117, %gather3A_1121 : vector<16xf32>
      %add3A_1123 = arith.addf %add3A_1114, %mul3A_1122 : vector<16xf32>
      %broadcast_in_dim3A_1124 = arith.constant 20 : i32
      %broadcast_in_dim3A_1125 = vector.broadcast %broadcast_in_dim3A_1124 : i32 to vector<16xi32>
      %gather3A_1126 = tpu.vector_load_idx %arg10[%add3A_935, %broadcast_in_dim3A_1125, %and3A_932] : memref<16x32x128xf32, #tpu.memory_space<vmem>>[vector<16xi32>, vector<16xi32>, vector<16xi32>], vector<16xf32>,
      %add3A_1127 = arith.constant 20 : i32
      %add3A_1128 = vector.broadcast %add3A_1127 : i32 to vector<16xi32>
      %add3A_1129 = arith.addi %mul3A_941, %add3A_1128 : vector<16xi32>
      %gather3A_1130 = tpu.vector_load_idx %arg12[%and3A_9, %add3A_1129] : memref<8x128xf32, #tpu.memory_space<vmem>>[vector<16xi32>, vector<16xi32>], vector<16xf32>,
      %mul3A_1131 = arith.mulf %gather3A_1126, %gather3A_1130 : vector<16xf32>
      %add3A_1132 = arith.addf %add3A_1123, %mul3A_1131 : vector<16xf32>
      %broadcast_in_dim3A_1133 = arith.constant 21 : i32
      %broadcast_in_dim3A_1134 = vector.broadcast %broadcast_in_dim3A_1133 : i32 to vector<16xi32>
      %gather3A_1135 = tpu.vector_load_idx %arg10[%add3A_935, %broadcast_in_dim3A_1134, %and3A_932] : memref<16x32x128xf32, #tpu.memory_space<vmem>>[vector<16xi32>, vector<16xi32>, vector<16xi32>], vector<16xf32>,
      %add3A_1136 = arith.constant 21 : i32
      %add3A_1137 = vector.broadcast %add3A_1136 : i32 to vector<16xi32>
      %add3A_1138 = arith.addi %mul3A_941, %add3A_1137 : vector<16xi32>
      %gather3A_1139 = tpu.vector_load_idx %arg12[%and3A_9, %add3A_1138] : memref<8x128xf32, #tpu.memory_space<vmem>>[vector<16xi32>, vector<16xi32>], vector<16xf32>,
      %mul3A_1140 = arith.mulf %gather3A_1135, %gather3A_1139 : vector<16xf32>
      %add3A_1141 = arith.addf %add3A_1132, %mul3A_1140 : vector<16xf32>
      %broadcast_in_dim3A_1142 = arith.constant 22 : i32
      %broadcast_in_dim3A_1143 = vector.broadcast %broadcast_in_dim3A_1142 : i32 to vector<16xi32>
      %gather3A_1144 = tpu.vector_load_idx %arg10[%add3A_935, %broadcast_in_dim3A_1143, %and3A_932] : memref<16x32x128xf32, #tpu.memory_space<vmem>>[vector<16xi32>, vector<16xi32>, vector<16xi32>], vector<16xf32>,
      %add3A_1145 = arith.constant 22 : i32
      %add3A_1146 = vector.broadcast %add3A_1145 : i32 to vector<16xi32>
      %add3A_1147 = arith.addi %mul3A_941, %add3A_1146 : vector<16xi32>
      %gather3A_1148 = tpu.vector_load_idx %arg12[%and3A_9, %add3A_1147] : memref<8x128xf32, #tpu.memory_space<vmem>>[vector<16xi32>, vector<16xi32>], vector<16xf32>,
      %mul3A_1149 = arith.mulf %gather3A_1144, %gather3A_1148 : vector<16xf32>
      %add3A_1150 = arith.addf %add3A_1141, %mul3A_1149 : vector<16xf32>
      %broadcast_in_dim3A_1151 = arith.constant 23 : i32
      %broadcast_in_dim3A_1152 = vector.broadcast %broadcast_in_dim3A_1151 : i32 to vector<16xi32>
      %gather3A_1153 = tpu.vector_load_idx %arg10[%add3A_935, %broadcast_in_dim3A_1152, %and3A_932] : memref<16x32x128xf32, #tpu.memory_space<vmem>>[vector<16xi32>, vector<16xi32>, vector<16xi32>], vector<16xf32>,
      %add3A_1154 = arith.constant 23 : i32
      %add3A_1155 = vector.broadcast %add3A_1154 : i32 to vector<16xi32>
      %add3A_1156 = arith.addi %mul3A_941, %add3A_1155 : vector<16xi32>
      %gather3A_1157 = tpu.vector_load_idx %arg12[%and3A_9, %add3A_1156] : memref<8x128xf32, #tpu.memory_space<vmem>>[vector<16xi32>, vector<16xi32>], vector<16xf32>,
      %mul3A_1158 = arith.mulf %gather3A_1153, %gather3A_1157 : vector<16xf32>
      %add3A_1159 = arith.addf %add3A_1150, %mul3A_1158 : vector<16xf32>
      %broadcast_in_dim3A_1160 = arith.constant 24 : i32
      %broadcast_in_dim3A_1161 = vector.broadcast %broadcast_in_dim3A_1160 : i32 to vector<16xi32>
      %gather3A_1162 = tpu.vector_load_idx %arg10[%add3A_935, %broadcast_in_dim3A_1161, %and3A_932] : memref<16x32x128xf32, #tpu.memory_space<vmem>>[vector<16xi32>, vector<16xi32>, vector<16xi32>], vector<16xf32>,
      %add3A_1163 = arith.constant 24 : i32
      %add3A_1164 = vector.broadcast %add3A_1163 : i32 to vector<16xi32>
      %add3A_1165 = arith.addi %mul3A_941, %add3A_1164 : vector<16xi32>
      %gather3A_1166 = tpu.vector_load_idx %arg12[%and3A_9, %add3A_1165] : memref<8x128xf32, #tpu.memory_space<vmem>>[vector<16xi32>, vector<16xi32>], vector<16xf32>,
      %mul3A_1167 = arith.mulf %gather3A_1162, %gather3A_1166 : vector<16xf32>
      %add3A_1168 = arith.addf %add3A_1159, %mul3A_1167 : vector<16xf32>
      %broadcast_in_dim3A_1169 = arith.constant 25 : i32
      %broadcast_in_dim3A_1170 = vector.broadcast %broadcast_in_dim3A_1169 : i32 to vector<16xi32>
      %gather3A_1171 = tpu.vector_load_idx %arg10[%add3A_935, %broadcast_in_dim3A_1170, %and3A_932] : memref<16x32x128xf32, #tpu.memory_space<vmem>>[vector<16xi32>, vector<16xi32>, vector<16xi32>], vector<16xf32>,
      %add3A_1172 = arith.constant 25 : i32
      %add3A_1173 = vector.broadcast %add3A_1172 : i32 to vector<16xi32>
      %add3A_1174 = arith.addi %mul3A_941, %add3A_1173 : vector<16xi32>
      %gather3A_1175 = tpu.vector_load_idx %arg12[%and3A_9, %add3A_1174] : memref<8x128xf32, #tpu.memory_space<vmem>>[vector<16xi32>, vector<16xi32>], vector<16xf32>,
      %mul3A_1176 = arith.mulf %gather3A_1171, %gather3A_1175 : vector<16xf32>
      %add3A_1177 = arith.addf %add3A_1168, %mul3A_1176 : vector<16xf32>
      %broadcast_in_dim3A_1178 = arith.constant 26 : i32
      %broadcast_in_dim3A_1179 = vector.broadcast %broadcast_in_dim3A_1178 : i32 to vector<16xi32>
      %gather3A_1180 = tpu.vector_load_idx %arg10[%add3A_935, %broadcast_in_dim3A_1179, %and3A_932] : memref<16x32x128xf32, #tpu.memory_space<vmem>>[vector<16xi32>, vector<16xi32>, vector<16xi32>], vector<16xf32>,
      %add3A_1181 = arith.constant 26 : i32
      %add3A_1182 = vector.broadcast %add3A_1181 : i32 to vector<16xi32>
      %add3A_1183 = arith.addi %mul3A_941, %add3A_1182 : vector<16xi32>
      %gather3A_1184 = tpu.vector_load_idx %arg12[%and3A_9, %add3A_1183] : memref<8x128xf32, #tpu.memory_space<vmem>>[vector<16xi32>, vector<16xi32>], vector<16xf32>,
      %mul3A_1185 = arith.mulf %gather3A_1180, %gather3A_1184 : vector<16xf32>
      %add3A_1186 = arith.addf %add3A_1177, %mul3A_1185 : vector<16xf32>
      %broadcast_in_dim3A_1187 = arith.constant 27 : i32
      %broadcast_in_dim3A_1188 = vector.broadcast %broadcast_in_dim3A_1187 : i32 to vector<16xi32>
      %gather3A_1189 = tpu.vector_load_idx %arg10[%add3A_935, %broadcast_in_dim3A_1188, %and3A_932] : memref<16x32x128xf32, #tpu.memory_space<vmem>>[vector<16xi32>, vector<16xi32>, vector<16xi32>], vector<16xf32>,
      %add3A_1190 = arith.constant 27 : i32
      %add3A_1191 = vector.broadcast %add3A_1190 : i32 to vector<16xi32>
      %add3A_1192 = arith.addi %mul3A_941, %add3A_1191 : vector<16xi32>
      %gather3A_1193 = tpu.vector_load_idx %arg12[%and3A_9, %add3A_1192] : memref<8x128xf32, #tpu.memory_space<vmem>>[vector<16xi32>, vector<16xi32>], vector<16xf32>,
      %mul3A_1194 = arith.mulf %gather3A_1189, %gather3A_1193 : vector<16xf32>
      %add3A_1195 = arith.addf %add3A_1186, %mul3A_1194 : vector<16xf32>
      %broadcast_in_dim3A_1196 = arith.constant 28 : i32
      %broadcast_in_dim3A_1197 = vector.broadcast %broadcast_in_dim3A_1196 : i32 to vector<16xi32>
      %gather3A_1198 = tpu.vector_load_idx %arg10[%add3A_935, %broadcast_in_dim3A_1197, %and3A_932] : memref<16x32x128xf32, #tpu.memory_space<vmem>>[vector<16xi32>, vector<16xi32>, vector<16xi32>], vector<16xf32>,
      %add3A_1199 = arith.constant 28 : i32
      %add3A_1200 = vector.broadcast %add3A_1199 : i32 to vector<16xi32>
      %add3A_1201 = arith.addi %mul3A_941, %add3A_1200 : vector<16xi32>
      %gather3A_1202 = tpu.vector_load_idx %arg12[%and3A_9, %add3A_1201] : memref<8x128xf32, #tpu.memory_space<vmem>>[vector<16xi32>, vector<16xi32>], vector<16xf32>,
      %mul3A_1203 = arith.mulf %gather3A_1198, %gather3A_1202 : vector<16xf32>
      %add3A_1204 = arith.addf %add3A_1195, %mul3A_1203 : vector<16xf32>
      %broadcast_in_dim3A_1205 = arith.constant 29 : i32
      %broadcast_in_dim3A_1206 = vector.broadcast %broadcast_in_dim3A_1205 : i32 to vector<16xi32>
      %gather3A_1207 = tpu.vector_load_idx %arg10[%add3A_935, %broadcast_in_dim3A_1206, %and3A_932] : memref<16x32x128xf32, #tpu.memory_space<vmem>>[vector<16xi32>, vector<16xi32>, vector<16xi32>], vector<16xf32>,
      %add3A_1208 = arith.constant 29 : i32
      %add3A_1209 = vector.broadcast %add3A_1208 : i32 to vector<16xi32>
      %add3A_1210 = arith.addi %mul3A_941, %add3A_1209 : vector<16xi32>
      %gather3A_1211 = tpu.vector_load_idx %arg12[%and3A_9, %add3A_1210] : memref<8x128xf32, #tpu.memory_space<vmem>>[vector<16xi32>, vector<16xi32>], vector<16xf32>,
      %mul3A_1212 = arith.mulf %gather3A_1207, %gather3A_1211 : vector<16xf32>
      %add3A_1213 = arith.addf %add3A_1204, %mul3A_1212 : vector<16xf32>
      %broadcast_in_dim3A_1214 = arith.constant 30 : i32
      %broadcast_in_dim3A_1215 = vector.broadcast %broadcast_in_dim3A_1214 : i32 to vector<16xi32>
      %gather3A_1216 = tpu.vector_load_idx %arg10[%add3A_935, %broadcast_in_dim3A_1215, %and3A_932] : memref<16x32x128xf32, #tpu.memory_space<vmem>>[vector<16xi32>, vector<16xi32>, vector<16xi32>], vector<16xf32>,
      %add3A_1217 = arith.constant 30 : i32
      %add3A_1218 = vector.broadcast %add3A_1217 : i32 to vector<16xi32>
      %add3A_1219 = arith.addi %mul3A_941, %add3A_1218 : vector<16xi32>
      %gather3A_1220 = tpu.vector_load_idx %arg12[%and3A_9, %add3A_1219] : memref<8x128xf32, #tpu.memory_space<vmem>>[vector<16xi32>, vector<16xi32>], vector<16xf32>,
      %mul3A_1221 = arith.mulf %gather3A_1216, %gather3A_1220 : vector<16xf32>
      %add3A_1222 = arith.addf %add3A_1213, %mul3A_1221 : vector<16xf32>
      %broadcast_in_dim3A_1223 = arith.constant 31 : i32
      %broadcast_in_dim3A_1224 = vector.broadcast %broadcast_in_dim3A_1223 : i32 to vector<16xi32>
      %gather3A_1225 = tpu.vector_load_idx %arg10[%add3A_935, %broadcast_in_dim3A_1224, %and3A_932] : memref<16x32x128xf32, #tpu.memory_space<vmem>>[vector<16xi32>, vector<16xi32>, vector<16xi32>], vector<16xf32>,
      %add3A_1226 = arith.constant 31 : i32
      %add3A_1227 = vector.broadcast %add3A_1226 : i32 to vector<16xi32>
      %add3A_1228 = arith.addi %mul3A_941, %add3A_1227 : vector<16xi32>
      %gather3A_1229 = tpu.vector_load_idx %arg12[%and3A_9, %add3A_1228] : memref<8x128xf32, #tpu.memory_space<vmem>>[vector<16xi32>, vector<16xi32>], vector<16xf32>,
      %mul3A_1230 = arith.mulf %gather3A_1225, %gather3A_1229 : vector<16xf32>
      %add3A_1231 = arith.addf %add3A_1222, %mul3A_1230 : vector<16xf32>
      %mul3A_1232 = arith.constant 8 : i32
      %mul3A_1233 = arith.muli %add3A_921, %mul3A_1232 : i32
      %swap3A_1234 = arith.index_cast %mul3A_1233 : i32 to index
      %swap3A_1235 = tpu.vector_load %arg13[%swap3A_1234] {strides = array<i32>} : memref<528xf32, #tpu.memory_space<vmem>>, vector<16xf32>,
      tpu.vector_store %arg13[%swap3A_1234], %add3A_1231 {strides = array<i32>} : memref<528xf32, #tpu.memory_space<vmem>>, vector<16xf32>,
    }
    %scan3A_176 = arith.constant 32 : i32
    "tpu.region"() ({
      %run_scoped3A = tpu.sem_alloc : memref<!tpu.dma_semaphore, #tpu.memory_space<semaphore_mem>>
      %dma_start3A_177 = arith.constant 0 : i32
      %dma_start3A_178 = tpu.memref_slice %arg13[%dma_start3A_177] : memref<528xf32, #tpu.memory_space<vmem>> -> memref<512xf32, #tpu.memory_space<vmem>>
      %dma_start3A_179 = tpu.memref_slice %arg6[%mul3A_2] : memref<16384xf32, #tpu.memory_space<hbm>> -> memref<512xf32, #tpu.memory_space<hbm>>
      %dma_start3A_180 = tpu.memref_slice %arg6[%mul3A_2] : memref<16384xf32, #tpu.memory_space<hbm>> -> memref<512xf32, #tpu.memory_space<hbm>>
      %dma_start3A_181 = arith.constant 0 : i32
      %dma_start3A_182 = tpu.memref_slice %arg13[%dma_start3A_181] : memref<528xf32, #tpu.memory_space<vmem>> -> memref<512xf32, #tpu.memory_space<vmem>>
      tpu.enqueue_dma source(%dma_start3A_182 : memref<512xf32, #tpu.memory_space<vmem>>) target(%dma_start3A_180 : memref<512xf32, #tpu.memory_space<hbm>>) target_semaphore(%run_scoped3A : memref<!tpu.dma_semaphore, #tpu.memory_space<semaphore_mem>>)
      %dma_wait3A = arith.constant 0 : i32
      %dma_wait3A_183 = tpu.memref_slice %arg13[%dma_wait3A] : memref<528xf32, #tpu.memory_space<vmem>> -> memref<512xf32, #tpu.memory_space<vmem>>
      %dma_wait3A_184 = tpu.memref_slice %arg6[%mul3A_2] : memref<16384xf32, #tpu.memory_space<hbm>> -> memref<512xf32, #tpu.memory_space<hbm>>
      %dma_wait3A_185 = tpu.memref_slice %arg6[%mul3A_2] : memref<16384xf32, #tpu.memory_space<hbm>> -> memref<512xf32, #tpu.memory_space<hbm>>
      %dma_wait3A_186 = arith.constant 0 : i32
      %dma_wait3A_187 = tpu.memref_slice %arg13[%dma_wait3A_186] : memref<528xf32, #tpu.memory_space<vmem>> -> memref<512xf32, #tpu.memory_space<vmem>>
      tpu.wait_dma2 semaphore(%run_scoped3A : memref<!tpu.dma_semaphore, #tpu.memory_space<semaphore_mem>>) src(%dma_wait3A_187 : memref<512xf32, #tpu.memory_space<vmem>>) dst(%dma_wait3A_185 : memref<512xf32, #tpu.memory_space<hbm>>)
      tpu.yield
    }) : () -> ()
    return
  }
}

</mosaic_0001>

<sc_bundles>
// kernel: kernel.3.cloned.1.call-start
scs
__scs_entry_jumppad:
0x0: {  	(pc) =	sbr.rel $0x88, $3  }
0x1: {  	(tag) =	ssettag $0x0;
	lr =	simm.s32 $0x1  }
0x2: {  	[smem:$0x3F9D] =	sst lr;
	_ =	strace $0xD0000000  }
0x3: {  	_ = 	snop  }
0x4: {  	_ = 	snop  }
0x5: {  	_ = 	snop  }
0x6: {  	_ = 	snop  }
0x7: {  	_ = 	snop  }
__scs_overlays_trampoline_lowered:
0x8: {  	[smem:$0x3FAC] =	sst s0  }
0x9: {  	[smem:$0x3FAD] =	sst s1  }
0xa: {  	[smem:$0x3FAE] =	sst s2  }
0xb: {  	[smem:$0x3FAF] =	sst s3  }
0xc: {  	[smem:$0x3FB0] =	sst s4  }
0xd: {  	[smem:$0x3FB1] =	sst s5  }
0xe: {  	[smem:$0x3FB2] =	sst s6  }
0xf: {  	[smem:$0x3FB3] =	sst s7  }
0x10: {  	[smem:$0x3FB4] =	sst s8  }
0x11: {  	[smem:$0x3FB5] =	sst s9;
	s0 =	simm.s32 @!p0 $0x0  }
0x12: {  	s1 =	sld [smem:$0x3F9B];
	s0 =	simm.s32 @p0 $0x1  }
0x13: {  	[smem:$0x3FB6] =	sst s0;
	s0 =	simm.s32 @!p1 $0x0  }
0x14: {  	s2 =	sld [smem:$0x3F9A];
	s0 =	simm.s32 @p1 $0x1  }
0x15: {  	[smem:$0x3FB7] =	sst s0;
	s0 =	simm.s32 @!p2 $0x0  }
0x16: {  	s3 =	sld [smem:$0x3FDB];
	s0 =	simm.s32 @p2 $0x1  }
0x17: {  	s4 =	simm.s32 $0x1BF5;
	[smem:$0x3FB9] =	sst s0  }
0x18: {  	s0 =	sld [smem:$0x3F9C];
	_ =	swait.ge [sflag:s4], $0x0  }
0x19: {  	s7 =	sld [smem:$0x3F9D]  }
0x1a: {  	s8 =	sadd.s32 $0xFFFFE003, lr  }
0x1b: {  	s9 =	sadd.s32 $0xFFFFFEF7, lr;
	s5 =	simm.s32 $0xFFFFFFFF;
	p2 =	slt.u32 s8, $0xFFFFF086  }
0x1c: {  	p1 =	slt.u32 s9, $0xF7A;
	s5 =	simm.s32 @!p2 $0x0  }
0x1d: {  	s5 =	simm.s32 @p1 $0x1;
	p0 =	seq.s32 s7, s2  }
0x1e: {  	s7 =	smul.u32 @!p0 $0xF7A, s2;
	p2 =	seq.s32 @!p0 s5, $0x0  }
0x1f: {  	s9 =	smul.u32 $0xF7A, s1;
	s8 =	simm.s32 @!p0 $0x1BF5;
	p2 =	por !p2, p0  }
0x20: {  	[sflag:s8] =	ssyncset.s32 @!p0 $0xFFFFF086;
	s6 =	sadd.s32 @!p0 s3, s7;
	s7 =	simm.s32 @!p0 $0x108  }
0x21: {  	s3 =	sadd.s32 s3, s9;
	s6 =	sadd.s32 @!p0 $0x88, s6;
	s7 =	simm.s32 @p2 $0x1082  }
0x22: {  	[simem:s7], [sflag:s8] =	dma.local @!p0 [hbm:s6], $0xF7A  }
0x23: {  	s9 =	sor.u32 $0xD0000000, s2;
	s6 =	simm.s32 $0x108;
	_ =	swait.ge @!p0 [sflag:s8], $0x0  }
0x24: {  	s3 =	sadd.s32 $0x88, s3;
	s6 =	simm.s32 @!p1 $0x1082;
	[sflag:s4] =	ssyncset.s32 $0xFFFFF086  }
0x25: {  	[simem:s6], [sflag:s4] =	dma.local [hbm:s3], $0xF7A  }
0x26: {  	[smem:$0x3F9D] =	sst s1;
	(tag) =	ssettag s2;
	_ =	strace s9  }
0x27: {  	s1 =	sld [smem:$0x3FAD]  }
0x28: {  	s2 =	sld [smem:$0x3FAE]  }
0x29: {  	s4 =	sld [smem:$0x3FB0]  }
0x2a: {  	p0 =	seq.s32 s5, $0x0;
	s5 =	sld [smem:$0x3FB1]  }
0x2b: {  	s6 =	sld [smem:$0x3FB2]  }
0x2c: {  	s7 =	sld [smem:$0x3FB3]  }
0x2d: {  	s3 =	simm.s32 $0x108;
	s8 =	sld [smem:$0x3FB4]  }
0x2e: {  	s3 =	simm.s32 @!p0 $0x1082;
	s9 =	sld [smem:$0x3FB5]  }
0x2f: {  	lr =	sadd.s32 s0, s3;
	s0 =	sld [smem:$0x3FAC]  }
0x30: {  	s3 =	sld [smem:$0x3FAF]  }
0x31: {  	[smem:$0x3FB8] =	sst s10  }
0x32: {  	s10 =	sld [smem:$0x3FB6];
	_ =	sdelay $0x3  }
0x33: {  	p0 =	seq.s32 s10, $0x1;
	s10 =	sld [smem:$0x3FB8];
	_ =	sdelay $0x3  }
0x34: {  	[smem:$0x3FB8] =	sst s10  }
0x35: {  	s10 =	sld [smem:$0x3FB7];
	_ =	sdelay $0x3  }
0x36: {  	p1 =	seq.s32 s10, $0x1;
	s10 =	sld [smem:$0x3FB8];
	_ =	sdelay $0x3  }
0x37: {  	[smem:$0x3FB8] =	sst s10  }
0x38: {  	s10 =	sld [smem:$0x3FB9]  }
0x39: {  	_ = 	snop;
	(pc) =	sbr.ind lr, $3  }
0x3a: {  	_ = 	snop  }
0x3b: {  	_ = 	snop  }
0x3c: {  	p2 =	seq.s32 s10, $0x1;
	s10 =	sld [smem:$0x3FB8]  }
0x3d: {  	_ =	shalt  }
0x3e: {  	_ =	shalt  }
0x3f: {  	_ =	shalt  }
0x40: {  	_ =	shalt  }
0x41: {  	_ =	shalt  }
0x42: {  	_ =	shalt  }
0x43: {  	_ =	shalt  }
0x44: {  	_ =	shalt  }
0x45: {  	_ =	shalt  }
0x46: {  	_ =	shalt  }
0x47: {  	_ =	shalt  }
0x48: {  	_ =	shalt  }
0x49: {  	_ =	shalt  }
0x4a: {  	_ =	shalt  }
0x4b: {  	_ =	shalt  }
0x4c: {  	_ =	shalt  }
0x4d: {  	_ =	shalt  }
0x4e: {  	_ =	shalt  }
0x4f: {  	_ =	shalt  }
0x50: {  	_ =	shalt  }
0x51: {  	_ =	shalt  }
0x52: {  	_ =	shalt  }
0x53: {  	_ =	shalt  }
0x54: {  	_ =	shalt  }
0x55: {  	_ =	shalt  }
0x56: {  	_ =	shalt  }
0x57: {  	_ =	shalt  }
0x58: {  	_ =	shalt  }
0x59: {  	_ =	shalt  }
0x5a: {  	_ =	shalt  }
0x5b: {  	_ =	shalt  }
0x5c: {  	_ =	shalt  }
0x5d: {  	_ =	shalt  }
0x5e: {  	_ =	shalt  }
0x5f: {  	_ =	shalt  }
0x60: {  	_ =	shalt  }
0x61: {  	_ =	shalt  }
0x62: {  	_ =	shalt  }
0x63: {  	_ =	shalt  }
0x64: {  	_ =	shalt  }
0x65: {  	_ =	shalt  }
0x66: {  	_ =	shalt  }
0x67: {  	_ =	shalt  }
0x68: {  	_ =	shalt  }
0x69: {  	_ =	shalt  }
0x6a: {  	_ =	shalt  }
0x6b: {  	_ =	shalt  }
0x6c: {  	_ =	shalt  }
0x6d: {  	_ =	shalt  }
0x6e: {  	_ =	shalt  }
0x6f: {  	_ =	shalt  }
0x70: {  	_ =	shalt  }
0x71: {  	_ =	shalt  }
0x72: {  	_ =	shalt  }
0x73: {  	_ =	shalt  }
0x74: {  	_ =	shalt  }
0x75: {  	_ =	shalt  }
0x76: {  	_ =	shalt  }
0x77: {  	_ =	shalt  }
0x78: {  	_ =	shalt  }
0x79: {  	_ =	shalt  }
0x7a: {  	_ =	shalt  }
0x7b: {  	_ =	shalt  }
0x7c: {  	_ =	shalt  }
0x7d: {  	_ =	shalt  }
0x7e: {  	_ =	shalt  }
0x7f: {  	_ =	shalt  }
0x80: {  	_ =	shalt  }
0x81: {  	_ =	shalt  }
0x82: {  	_ =	shalt  }
0x83: {  	_ =	shalt  }
0x84: {  	_ =	shalt  }
0x85: {  	_ =	shalt  }
0x86: {  	_ =	shalt  }
0x87: {  	_ =	shalt  }
.Lfunc_end0:
.L_simem_size_0:
called_computation_lowered:
.L_overlay_start_0:
0x88: {  	s2 =	sld [smem:$0x3FD9]  }
0x89: {  	s3 =	sld [smem:$0x3FFE];
	_ =	sdelay $0x1  }
0x8a: {  	s1 =	srdreg.scid  }
0x8b: {  	s0 =	sand.u32 $0x1, s1  }
0x8c: {  	s17 =	sshll.u32 s0, $0xA;
	s2 =	sadd.s32 s3, s2  }
0x8d: {  	s2 =	sadd.s32 s2, s17  }
0x8e: {  	[smem:$0x3FC4] =	sst s2  }
0x8f: {  	_ = 	snop  }
0x90: {  	s2 =	sld [smem:$0x3FC9]  }
0x91: {  	s18 =	sld [smem:$0x3FC8]  }
0x92: {  	s4 =	sld [smem:$0x3FC7]  }
0x93: {  	s5 =	sld [smem:$0x3FD0];
	(tm) =	ssettm $0x1  }
0x94: {  	s6 =	sld [smem:$0x3FFB];
	_ =	sdelay $0x3  }
0x95: {  	_ =	strace s6  }
0x96: {  	s6 =	sld [smem:$0x3FFC];
	_ =	sdelay $0x3  }
0x97: {  	_ =	strace s6  }
0x98: {  	s6 =	sld [smem:$0x3FFD];
	_ =	sdelay $0x3  }
0x99: {  	_ =	strace s6  }
0x9a: {  	_ =	strace $0x8FFFFFFF  }
0x9b: {  	s19 =	sld [smem:$0x3FDB];
	_ =	sdelay $0x1  }
0x9c: {  	s7 =	simm.s32 $_scs_section_size  }
0x9d: {  	s8 =	simm.s32 $_size__tile_overlayer_lowered;
	s9 =	simm.s32 $_tile_overlayer_lowered  }
0x9e: {  	s22 =	simm.s32 $0x1BFF;
	s21 =	sshll.u32 s9, $0x1;
	s6 =	sadd.s32 s7, s19  }
0x9f: {  	s10 =	simm.s32 $0x0;
	s20 =	sshll.u32 s8, $0x1;
	s8 =	sadd.s32 s21, s6  }
0xa0: {  	[timem:s10], [sflag:s22] =	dma.local [hbm:s8], s20  }
0xa1: {  	_ =	swait.ge [sflag:s22], s20  }
0xa2: {  	s7 =	ssub.s32 $0x0, s20;
	[sflag:s22] =	ssyncset.done $0x0  }
0xa3: {  	[sflag:s22] =	ssyncadd.s32 s7;
	_ =	sdelay $0x1  }
0xa4: {  	s23 =	simm.s32 $0x1B8B  }
0xa5: {  	_ =	swait.ge [sflag:s23], $0x1  }
0xa6: {  	[sflag:s23] =	ssyncset.done $0x0  }
0xa7: {  	s25 =	simm.s32 $0x1B8E;
	s24 =	sld [smem:$0x3FFE];
	[sflag:s23] =	ssyncadd.s32 $0xFFFFFFFF  }
0xa8: {  	s26 =	simm.s32 $execute0_lowered;
	[smem:$0x3FD2] =	sst s25  }
0xa9: {  	s8 =	sshll.u32 s26, $0x1;
	_ =	strace $0x80000046;
	[dreg:$0x1] =	wrdreg $0xFFFFFFFF  }
0xaa: {  	s28 =	simm.s32 $_size_execute0_lowered;
	s6 =	sadd.s32 s6, s8;
	[dreg:$0x0] =	wrdreg $0x0  }
0xab: {  	s8 =	sshll.u32 s28, $0x1;
	[dreg:$0x2] =	wrdreg s6  }
0xac: {  	[dreg:$0x3] =	wrdreg s8  }
0xad: {  	[dreg:$0x4] =	wrdreg $0xC0  }
0xae: {  	_ =	task [dreg:s10], $0x5FFFF  }
0xaf: {  	[dreg:$0x1] =	wrdreg $0xFFFFFFFF  }
0xb0: {  	[dreg:$0x0] =	wrdreg $0x60  }
0xb1: {  	[dreg:$0x2] =	wrdreg s2  }
0xb2: {  	[dreg:$0x3] =	wrdreg s18  }
0xb3: {  	[dreg:$0x4] =	wrdreg s4  }
0xb4: {  	[dreg:$0x5] =	wrdreg s24  }
0xb5: {  	[dreg:$0x6] =	wrdreg s5  }
0xb6: {  	[dreg:$0x7] =	wrdreg $0x9  }
0xb7: {  	_ =	task.clear_ibuf [dreg:s10], $0x8FFFF;
	_ =	strace $0x90000046  }
0xb8: {  	s29 =	simm.s32 $0x9;
	_ =	strace $0x80000048  }
0xb9: {  	_ =	swait.ge [sflag:s29], $0x1  }
0xba: {  	[sflag:s29] =	ssyncadd.s32 $0xFFFFFFFF  }
0xbb: {  	_ =	strace $0x90000048  }
0xbc: {  	_ =	sfence  }
0xbd: {  	s30 =	sld [smem:$0x0];
	_ =	sdelay $0x2  }
0xbe: {  	s31 =	sshll.u32 s1, $0xD;
	s1 =	sshrl.u32 s1, $0x2  }
0xbf: {  	s3 =	sand.u32 $0x4000, s31;
	s1 =	sadd.s32 s1, s30  }
0xc0: {  	s0 =	sor.u32 s3, s0;
	s1 =	sshll.u32 s1, $0x11  }
0xc1: {  	s0 =	sor.u32 s1, s0  }
0xc2: {  	s0 =	sadd.s32 $0x8F2B, s0  }
0xc3: {  	[sflag:s0] =	ssyncadd.remote.s32 $0x1  }
0xc4: {  	_ =	sfence.sel $0xFFFF  }
0xc5: {  	[dreg:$0x0] =	wrdreg $0xFFFFFFFF;
	(pc) =	sbr.abs _section_cstart, $3  }
0xc6: {  	[dreg:$0x1] =	wrdreg $0xFFFFFFFF  }
0xc7: {  	_ =	task.clear_ibuf [dreg:s10], $0x2FFFF;
	_ =	strace $0x9FFFFFFF  }
0xc8: {  	(tm) =	ssettm $0x7FFFFFFF  }
0xc9: {  	_ =	shalt  }
tec
execute0_lowered:
.L_overlay_start_1:
0x0: {  	(tag) =	ssettag $0x1  }
0x1: {  	s1 =	rddreg [dreg:$0x0]  }
0x2: {  	v0 =	vlaneseq.u32;
	s3 =	rddreg [dreg:$0x1]  }
0x3: {  	s0 =	rddreg [dreg:$0x2];
	v0 =	vand.u32 $0x7, v0  }
0x4: {  	s4 =	rddreg [dreg:$0x3];
	s2 =	simm.s32 $0x0;
	v15 =	vmul.u32 $0x1000, v0  }
0x5: {  	[smem:$0x7FF] =	sst s2  }
0x6: {  	s7 =	rddreg [dreg:$0x4];
	v60 =	vmul.u32 $0x80, v0;
	_ =	strace $0x80000047;
	v0 =	vor.u32 $0xB00, v15;
	[tilespmem:$0x1FCC0] =	vst v15  }
0x7: {  	v17 =	vor.u32 $0x80, v15;
	[tilespmem:$0x1FC90] =	vst v0  }
0x8: {  	v19 =	vor.u32 $0x100, v15;
	[tilespmem:$0x1FCB0] =	vst v17  }
0x9: {  	v21 =	vor.u32 $0x200, v15;
	[tilespmem:$0x1FCD0] =	vst v19  }
0xa: {  	v27 =	vor.u32 $0x180, v15;
	[tilespmem:$0x1FCE0] =	vst v21  }
0xb: {  	v23 =	vor.u32 $0x280, v15;
	[tilespmem:$0x1FCF0] =	vst v27  }
0xc: {  	v29 =	vor.u32 $0x380, v15;
	[tilespmem:$0x1FD00] =	vst v23  }
0xd: {  	v25 =	vor.u32 $0x300, v15;
	[tilespmem:$0x1FD10] =	vst v29  }
0xe: {  	v31 =	vor.u32 $0x400, v15;
	[tilespmem:$0x1FD20] =	vst v25  }
0xf: {  	v33 =	vor.u32 $0x480, v15;
	[tilespmem:$0x1FD30] =	vst v31  }
0x10: {  	v35 =	vor.u32 $0x500, v15;
	[tilespmem:$0x1FD40] =	vst v33  }
0x11: {  	v37 =	vor.u32 $0x580, v15;
	[tilespmem:$0x1FD50] =	vst v35  }
0x12: {  	v39 =	vor.u32 $0x600, v15;
	[tilespmem:$0x1FD60] =	vst v37  }
0x13: {  	v41 =	vor.u32 $0x680, v15;
	[tilespmem:$0x1FD70] =	vst v39  }
0x14: {  	v43 =	vor.u32 $0x700, v15;
	[tilespmem:$0x1FD80] =	vst v41  }
0x15: {  	v45 =	vor.u32 $0x780, v15;
	[tilespmem:$0x1FD90] =	vst v43  }
0x16: {  	v47 =	vor.u32 $0x800, v15;
	[tilespmem:$0x1FDA0] =	vst v45  }
0x17: {  	v49 =	vor.u32 $0x880, v15;
	[tilespmem:$0x1FDB0] =	vst v47  }
0x18: {  	v51 =	vor.u32 $0x900, v15;
	[tilespmem:$0x1FDC0] =	vst v49  }
0x19: {  	v28 =	vor.u32 $0x18, v60;
	[tilespmem:$0x1FDD0] =	vst v51  }
0x1a: {  	v4 =	vor.u32 $0xC80, v15;
	[tilespmem:$0x1FDF0] =	vst v28  }
0x1b: {  	v6 =	vor.u32 $0x19, v60;
	[tilespmem:$0x1FE00] =	vst v4  }
0x1c: {  	v8 =	vor.u32 $0xD00, v15;
	[tilespmem:$0x1FE10] =	vst v6  }
0x1d: {  	v10 =	vor.u32 $0x1A, v60;
	[tilespmem:$0x1FE20] =	vst v8  }
0x1e: {  	v12 =	vor.u32 $0xD80, v15;
	[tilespmem:$0x1FE30] =	vst v10  }
0x1f: {  	v14 =	vor.u32 $0x1B, v60;
	[tilespmem:$0x1FE40] =	vst v12  }
0x20: {  	v16 =	vor.u32 $0xE00, v15;
	[tilespmem:$0x1FE50] =	vst v14  }
0x21: {  	v18 =	vor.u32 $0x1C, v60;
	[tilespmem:$0x1FE60] =	vst v16  }
0x22: {  	v20 =	vor.u32 $0xE80, v15;
	[tilespmem:$0x1FE70] =	vst v18  }
0x23: {  	v22 =	vor.u32 $0x1D, v60;
	[tilespmem:$0x1FE80] =	vst v20  }
0x24: {  	v24 =	vor.u32 $0xF00, v15;
	[tilespmem:$0x1FE90] =	vst v22  }
0x25: {  	v26 =	vor.u32 $0x1E, v60;
	[tilespmem:$0x1FEA0] =	vst v24  }
0x26: {  	v1 =	vor.u32 $0x4, v60;
	[tilespmem:$0x1FEB0] =	vst v26  }
0x27: {  	v3 =	vor.u32 $0x5, v60;
	[tilespmem:$0x1FEC0] =	vst v1  }
0x28: {  	v32 =	vor.u32 $0x17, v60;
	[tilespmem:$0x1FED0] =	vst v3  }
0x29: {  	v54 =	vor.u32 $0x980, v15;
	[tilespmem:$0x1FEE0] =	vst v32  }
0x2a: {  	v7 =	vor.u32 $0x9, v60;
	[tilespmem:$0x1FEF0] =	vst v54  }
0x2b: {  	v46 =	vor.u32 $0xA, v60;
	[tilespmem:$0x1FF00] =	vst v7  }
0x2c: {  	v11 =	vor.u32 $0xB, v60;
	[tilespmem:$0x1FF10] =	vst v46  }
0x2d: {  	v13 =	vor.u32 $0xC, v60;
	[tilespmem:$0x1FF20] =	vst v11  }
0x2e: {  	v58 =	vor.u32 $0xD, v60;
	[tilespmem:$0x1FF30] =	vst v13  }
0x2f: {  	s5 =	srdreg.scid;
	s8 =	stileid.u32;
	v42 =	vor.u32 $0xE, v60;
	[tilespmem:$0x1FF40] =	vst v58  }
0x30: {  	s11 =	simm.s32 $0x7A1400;
	s12 =	simm.s32 $0x400;
	s22 =	simm.s32 $0x8700;
	v30 =	vor.u32 $0xA00, v15;
	[tilespmem:$0x1FF50] =	vst v42  }
0x31: {  	s13 =	simm.s32 $0x700;
	s23 =	simm.s32 $0x9700;
	[dreg:$0x6] =	wrdreg s22;
	v50 =	vor.u32 $0xA80, v15;
	[tilespmem:$0x1FF60] =	vst v30  }
0x32: {  	s24 =	simm.s32 $0xA700;
	s25 =	simm.s32 $0xB700;
	[dreg:$0x7] =	wrdreg s23;
	v44 =	vor.u32 $0x13, v60;
	[tilespmem:$0x1FF70] =	vst v50  }
0x33: {  	s26 =	simm.s32 $0xC700;
	s21 =	simm.s32 $0x8;
	[dreg:$0x8] =	wrdreg s24;
	v48 =	vor.u32 $0x14, v60;
	[tilespmem:$0x1FF80] =	vst v44  }
0x34: {  	s28 =	simm.s32 $0xD700;
	s30 =	simm.s32 $0xE700;
	[dreg:$0x9] =	wrdreg s25;
	v52 =	vor.u32 $0x15, v60;
	[tilespmem:$0x1FF90] =	vst v48  }
0x35: {  	s31 =	simm.s32 $0xF700;
	s29 =	simm.s32 $0x0;
	[dreg:$0xa] =	wrdreg s26;
	v56 =	vor.u32 $0x16, v60;
	[tilespmem:$0x1FFA0] =	vst v52  }
0x36: {  	s5 =	sand.u32 $0x1, s5;
	s8 =	sshll.u32 s8, $0x7;
	[dreg:$0xb] =	wrdreg s28;
	v36 =	vor.u32 $0xF, v60;
	[tilespmem:$0x1FFB0] =	vst v56  }
0x37: {  	s4 =	sadd.s32 $0x186E00, s4;
	s6 =	ssub.s32 $0x2, s5;
	[dreg:$0xc] =	wrdreg s30;
	v38 =	vor.u32 $0x10, v60;
	[tilespmem:$0x1FFC0] =	vst v36  }
0x38: {  	s5 =	sshll.u32 s5, $0x6;
	s23 =	simm.s32 $0x10700;
	[dreg:$0xd] =	wrdreg s31;
	v40 =	vor.u32 $0x11, v60;
	[tilespmem:$0x1FFD0] =	vst v38  }
0x39: {  	s24 =	simm.s32 $0x10B00;
	s25 =	simm.s32 $0x1;
	s9 =	sshrl.u32 s6, $0x1;
	v9 =	vor.u32 $0x12, v60;
	[tilespmem:$0x1FFE0] =	vst v40  }
0x3a: {  	s26 =	simm.s32 $0x2;
	s8 =	sor.u32 s5, s8;
	v55 =	vor.u32 $0x1, v60;
	s9 =	ssub.s32 s6, s9;
	v0 =	vor.u32 $0xB80, v15;
	[tilespmem:$0x1FFF0] =	vst v9  }
0x3b: {  	v59 =	vor.u32 $0x2, v60;
	v62 =	vor.u32 $0x3, v60;
	s1 =	sadd.s32 s1, s8;
	s6 =	sadd.s32 s3, s8;
	s7 =	sadd.s32 s7, s8;
	[tilespmem:$0x1FCA0] =	vst v0;
	v0 =	vor.u32 $0xC00, v15  }
0x3c: {  	v53 =	vor.u32 $0x6, v60;
	v57 =	vor.u32 $0x7, v60;
	v61 =	vor.u32 $0x8, v60;
	[dreg:$0xe] =	wrdreg s1;
	s8 =	smax.u32 s9, $0x1;
	s9 =	simm.s32 $0x3;
	[tilespmem:$0x1FDE0] =	vst v0  }
.LBB2_1:
0x3d: {  	s1 =	rddreg [dreg:$0xe]  }
0x3e: {  	[tilespmem:s2], [sflag:$0x3] =	stream.linear.gather [hbm4b:s1+s2], $0x200, $0x38;
	[tilespmem:$0x11180] =	vst v63  }
0x3f: {  	_ =	swait.ge [sflag:s9], $0x200  }
0x40: {  	[sflag:s9] =	ssyncset.done $0x0  }
0x41: {  	s31 =	simm.s32 $0x280;
	[sflag:s9] =	ssyncadd.s32 $0xFFFFFE00  }
0x42: {  	[tilespmem:s31], [sflag:$0x3] =	stream.linear.gather [hbm4b:s6+s2], $0x200, $0x38;
	[tilespmem:$0x11180] =	vst v63  }
0x43: {  	_ =	swait.ge [sflag:s9], $0x200  }
0x44: {  	[sflag:s9] =	ssyncset.done $0x0  }
0x45: {  	s1 =	simm.s32 $0x0;
	[sflag:s9] =	ssyncadd.s32 $0xFFFFFE00  }
0x46: {  	v34 =	vmov v13;
	v13 =	vmov v11;
	v63 =	vmov v32;
	s3 =	simm.s32 $0x40;
	v0 =	vld [tilespmem:s1+$0x280]  }
.LBB2_2:
0x47: {  	p0 =	sne.s32 s3, $0x7C0  }
.Ltmp0:
0x48: {  	_ = 	snop;
	(pc) =	sbr.rel @p0 .LBB2_2-.Ltmp0, $3  }
0x49: {  	_ =	sdelay $0x1  }
0x4a: {  	s10 =	sshra.s32 s3, $0x2;
	s3 =	sadd.s32 $0x40, s3;
	v2 =	vshra.s32 v0, $0x2  }
0x4b: {  	v0 =	vld [tilespmem:s10+$0x280];
	[tilespmem:s1+$0x500] =	vst v2;
	s1 =	smov.u32 s10  }
0x4c: {  	_ =	sdelay $0x3  }
0x4d: {  	v0 =	vshra.s32 v0, $0x2  }
0x4e: {  	[tilespmem:s1+$0x500] =	vst v0  }
0x4f: {  	v0 =	vld [tilespmem:$0x0];
	_ =	sdelay $0x4  }
0x50: {  	(v2sf) =	vpush v0, $0x0;
	_ =	sdelay $0x3  }
0x51: {  	(v2sf) =	vpush v0, $0x1;
	_ =	sdelay $0x2  }
0x52: {  	(v2sf) =	vpush v0, $0x2;
	_ =	sdelay $0x2  }
0x53: {  	(v2sf) =	vpush v0, $0x3;
	_ =	sdelay $0x4  }
0x54: {  	s10 =	spop (v2sf);
	(v2sf) =	vpush v0, $0x4;
	_ =	sdelay $0x1  }
0x55: {  	(v2sf) =	vpush v0, $0x5  }
0x56: {  	s1 =	sand.u32 $0xFFFFF80, s10  }
0x57: {  	s14 =	spop (v2sf);
	s1 =	sadd.s32 s0, s1  }
0x58: {  	(v2sf) =	vpush v0, $0x6;
	[tilespmem:s13], [sflag:$0x1] =	stream.strided.gather [hbm4b:s1+s12], $0x1000, s11, s12, $0x38;
	[tilespmem:$0x11180] =	vst v63  }
0x59: {  	s1 =	sand.u32 $0xFFFFF80, s14  }
0x5a: {  	s3 =	simm.s32 $0x1700;
	s15 =	spop (v2sf);
	s1 =	sadd.s32 s0, s1  }
0x5b: {  	(v2sf) =	vpush v0, $0x7;
	[tilespmem:s3], [sflag:$0x1] =	stream.strided.gather [hbm4b:s1+s12], $0x1000, s11, s12, $0x38;
	[tilespmem:$0x11180] =	vst v63  }
0x5c: {  	s1 =	sand.u32 $0xFFFFF80, s15  }
0x5d: {  	s16 =	simm.s32 $0x2700;
	s17 =	spop (v2sf);
	s1 =	sadd.s32 s0, s1  }
0x5e: {  	[tilespmem:s16], [sflag:$0x1] =	stream.strided.gather [hbm4b:s1+s12], $0x1000, s11, s12, $0x38;
	[tilespmem:$0x11180] =	vst v63  }
0x5f: {  	s1 =	sand.u32 $0xFFFFF80, s17  }
0x60: {  	s18 =	simm.s32 $0x3700;
	s1 =	sadd.s32 s0, s1  }
0x61: {  	[tilespmem:s18], [sflag:$0x1] =	stream.strided.gather [hbm4b:s1+s12], $0x1000, s11, s12, $0x38;
	[tilespmem:$0x11180] =	vst v63  }
0x62: {  	s19 =	spop (v2sf)  }
0x63: {  	s1 =	sand.u32 $0xFFFFF80, s19  }
0x64: {  	s20 =	simm.s32 $0x4700;
	s22 =	spop (v2sf);
	s1 =	sadd.s32 s0, s1  }
0x65: {  	[tilespmem:s20], [sflag:$0x1] =	stream.strided.gather [hbm4b:s1+s12], $0x1000, s11, s12, $0x38;
	[tilespmem:$0x11180] =	vst v63  }
0x66: {  	s1 =	sand.u32 $0xFFFFF80, s22  }
0x67: {  	s28 =	simm.s32 $0x5700;
	s3 =	spop (v2sf);
	s1 =	sadd.s32 s0, s1  }
0x68: {  	[tilespmem:s28], [sflag:$0x1] =	stream.strided.gather [hbm4b:s1+s12], $0x1000, s11, s12, $0x38;
	[tilespmem:$0x11180] =	vst v63  }
0x69: {  	s1 =	sand.u32 $0xFFFFF80, s3  }
0x6a: {  	s5 =	simm.s32 $0x6700;
	s10 =	spop (v2sf);
	s1 =	sadd.s32 s0, s1  }
0x6b: {  	[tilespmem:s5], [sflag:$0x1] =	stream.strided.gather [hbm4b:s1+s12], $0x1000, s11, s12, $0x38;
	[tilespmem:$0x11180] =	vst v63  }
0x6c: {  	s1 =	sand.u32 $0xFFFFF80, s10  }
0x6d: {  	s14 =	simm.s32 $0x7700;
	s1 =	sadd.s32 s0, s1  }
0x6e: {  	[tilespmem:s14], [sflag:$0x1] =	stream.strided.gather [hbm4b:s1+s12], $0x1000, s11, s12, $0x38;
	[tilespmem:$0x11180] =	vst v63  }
0x6f: {  	s30 =	simm.s32 $0x0;
	s15 =	simm.s32 $0x500  }
0x70: {  	[tilespmem:s23], [sflag:$0x1] =	stream.indirect.gather [hbm4b:s4+s21], $0x80, s15, s21, $0xb8;
	[tilespmem:$0x11180] =	vst v63  }
0x71: {  	v32 =	vld [tilespmem:s30+$0x8];
	_ =	sdelay $0x4  }
0x72: {  	(v2sf) =	vpush v32, $0x0;
	_ =	sdelay $0x1  }
0x73: {  	(v2sf) =	vpush v32, $0x1  }
0x74: {  	(v2sf) =	vpush v32, $0x2;
	_ =	sdelay $0x1  }
0x75: {  	(v2sf) =	vpush v32, $0x3;
	_ =	sdelay $0x1  }
0x76: {  	(v2sf) =	vpush v32, $0x4;
	_ =	sdelay $0x1  }
0x77: {  	(v2sf) =	vpush v32, $0x5;
	_ =	sdelay $0x1  }
0x78: {  	(v2sf) =	vpush v32, $0x6;
	_ =	sdelay $0x1  }
0x79: {  	s16 =	rddreg [dreg:$0x6]  }
0x7a: {  	s18 =	rddreg [dreg:$0x8]  }
0x7b: {  	s22 =	rddreg [dreg:$0x9];
	s17 =	spop (v2sf);
	(v2sf) =	vpush v32, $0x7  }
0x7c: {  	s28 =	rddreg [dreg:$0xa]  }
0x7d: {  	s14 =	rddreg [dreg:$0x7];
	s3 =	sand.u32 $0xFFFFF80, s17;
	s10 =	spop (v2sf)  }
0x7e: {  	s3 =	sadd.s32 s0, s3;
	s10 =	sand.u32 $0xFFFFF80, s10;
	s19 =	spop (v2sf)  }
0x7f: {  	[tilespmem:s16], [sflag:$0x2] =	stream.strided.gather [hbm4b:s3+s12], $0x1000, s11, s12, $0x38;
	[tilespmem:$0x11180] =	vst v63  }
0x80: {  	s10 =	sadd.s32 s0, s10;
	s3 =	sand.u32 $0xFFFFF80, s19;
	s20 =	spop (v2sf)  }
0x81: {  	[tilespmem:s14], [sflag:$0x2] =	stream.strided.gather [hbm4b:s10+s12], $0x1000, s11, s12, $0x38;
	[tilespmem:$0x11180] =	vst v63  }
0x82: {  	s3 =	sadd.s32 s0, s3;
	s5 =	spop (v2sf);
	s10 =	sand.u32 $0xFFFFF80, s20  }
0x83: {  	[tilespmem:s18], [sflag:$0x2] =	stream.strided.gather [hbm4b:s3+s12], $0x1000, s11, s12, $0x38;
	[tilespmem:$0x11180] =	vst v63  }
0x84: {  	s15 =	spop (v2sf);
	s10 =	sadd.s32 s0, s10;
	s3 =	sand.u32 $0xFFFFF80, s5  }
0x85: {  	[tilespmem:s22], [sflag:$0x2] =	stream.strided.gather [hbm4b:s10+s12], $0x1000, s11, s12, $0x38;
	[tilespmem:$0x11180] =	vst v63  }
0x86: {  	s18 =	spop (v2sf);
	s3 =	sadd.s32 s0, s3;
	s10 =	sand.u32 $0xFFFFF80, s15  }
0x87: {  	[tilespmem:s28], [sflag:$0x2] =	stream.strided.gather [hbm4b:s3+s12], $0x1000, s11, s12, $0x38;
	[tilespmem:$0x11180] =	vst v63  }
0x88: {  	s16 =	rddreg [dreg:$0xb];
	s10 =	sadd.s32 s0, s10;
	s3 =	sand.u32 $0xFFFFF80, s18  }
0x89: {  	[tilespmem:s16], [sflag:$0x2] =	stream.strided.gather [hbm4b:s10+s12], $0x1000, s11, s12, $0x38;
	[tilespmem:$0x11180] =	vst v63  }
0x8a: {  	s17 =	rddreg [dreg:$0xc];
	s3 =	sadd.s32 s0, s3;
	s19 =	spop (v2sf)  }
0x8b: {  	[tilespmem:s17], [sflag:$0x2] =	stream.strided.gather [hbm4b:s3+s12], $0x1000, s11, s12, $0x38;
	[tilespmem:$0x11180] =	vst v63  }
0x8c: {  	s10 =	sand.u32 $0xFFFFF80, s19  }
0x8d: {  	s20 =	rddreg [dreg:$0xd];
	s22 =	sadd.s32 s0, s10  }
0x8e: {  	[tilespmem:s20], [sflag:$0x2] =	stream.strided.gather [hbm4b:s22+s12], $0x1000, s11, s12, $0x38;
	[tilespmem:$0x11180] =	vst v63  }
0x8f: {  	s28 =	simm.s32 $0x508  }
0x90: {  	[tilespmem:s24], [sflag:$0x2] =	stream.indirect.gather [hbm4b:s4+s21], $0x80, s28, s21, $0xb8;
	[tilespmem:$0x11180] =	vst v63  }
0x91: {  	_ =	swait.ge [sflag:s25], $0x1000  }
0x92: {  	[sflag:s25] =	ssyncset.done $0x0  }
0x93: {  	[sflag:s25] =	ssyncadd.s32 $0xFFFFF000  }
0x94: {  	_ =	swait.ge [sflag:s25], $0x1000  }
0x95: {  	[sflag:s25] =	ssyncset.done $0x0  }
0x96: {  	[sflag:s25] =	ssyncadd.s32 $0xFFFFF000  }
0x97: {  	_ =	swait.ge [sflag:s25], $0x1000  }
0x98: {  	[sflag:s25] =	ssyncset.done $0x0  }
0x99: {  	[sflag:s25] =	ssyncadd.s32 $0xFFFFF000  }
0x9a: {  	_ =	swait.ge [sflag:s25], $0x1000  }
0x9b: {  	[sflag:s25] =	ssyncset.done $0x0  }
0x9c: {  	[sflag:s25] =	ssyncadd.s32 $0xFFFFF000  }
0x9d: {  	_ =	swait.ge [sflag:s25], $0x1000  }
0x9e: {  	[sflag:s25] =	ssyncset.done $0x0  }
0x9f: {  	[sflag:s25] =	ssyncadd.s32 $0xFFFFF000  }
0xa0: {  	_ =	swait.ge [sflag:s25], $0x1000  }
0xa1: {  	[sflag:s25] =	ssyncset.done $0x0  }
0xa2: {  	[sflag:s25] =	ssyncadd.s32 $0xFFFFF000  }
0xa3: {  	_ =	swait.ge [sflag:s25], $0x1000  }
0xa4: {  	[sflag:s25] =	ssyncset.done $0x0  }
0xa5: {  	[sflag:s25] =	ssyncadd.s32 $0xFFFFF000  }
0xa6: {  	_ =	swait.ge [sflag:s25], $0x1000  }
0xa7: {  	[sflag:s25] =	ssyncset.done $0x0  }
0xa8: {  	[sflag:s25] =	ssyncadd.s32 $0xFFFFF000  }
0xa9: {  	_ =	swait.ge [sflag:s25], $0x400  }
0xaa: {  	[sflag:s25] =	ssyncset.done $0x0  }
0xab: {  	[sflag:s25] =	ssyncadd.s32 $0xFFFFFC00  }
0xac: {  	v32 =	vld [tilespmem:s30+$0x280];
	_ =	sdelay $0x1  }
0xad: {  	v4 =	vld [tilespmem:s30+$0x0];
	_ =	sdelay $0x2  }
0xae: {  	v0 =	vshll.u32 v32, $0x5  }
0xaf: {  	v2 =	vand.u32 $0x60, v0  }
0xb0: {  	v0 =	vand.u32 $0x7F, v4;
	v4 =	vor.u32 v60, v2  }
0xb1: {  	v6 =	vor.u32 v15, v0  }
0xb2: {  	v8 =	vor.u32 v17, v0  }
0xb3: {  	v10 =	vor.u32 v55, v2  }
0xb4: {  	v5 =	vld [tilespmem:$0x1FCA0];
	v12 =	vor.u32 v59, v2  }
0xb5: {  	v14 =	vor.u32 v19, v0;
	v4 =	vld.idx.msk [tilespmem:v4+s23+$0x0], $0xffff  }
0xb6: {  	v16 =	vor.u32 v62, v2;
	v6 =	vld.idx.msk [tilespmem:v6+s13+$0x0], $0xffff  }
0xb7: {  	v18 =	vor.u32 v27, v0;
	v8 =	vld.idx.msk [tilespmem:v8+s13+$0x0], $0xffff  }
0xb8: {  	v20 =	vor.u32 v1, v2;
	v10 =	vld.idx.msk [tilespmem:v10+s23+$0x0], $0xffff  }
0xb9: {  	v22 =	vor.u32 v21, v0;
	v12 =	vld.idx.msk [tilespmem:v12+s23+$0x0], $0xffff  }
0xba: {  	v24 =	vor.u32 v3, v2;
	v14 =	vld.idx.msk [tilespmem:v14+s13+$0x0], $0xffff  }
0xbb: {  	v26 =	vor.u32 v23, v0;
	v16 =	vld.idx.msk [tilespmem:v16+s23+$0x0], $0xffff  }
0xbc: {  	v18 =	vld.idx.msk [tilespmem:v18+s13+$0x0], $0xffff;
	v4 =	vmul.f32 v4, v6;
	v6 =	vor.u32 v53, v2  }
0xbd: {  	v8 =	vmul.f32 v10, v8;
	v10 =	vld.idx.msk [tilespmem:v20+s23+$0x0], $0xffff;
	v20 =	vor.u32 v57, v2  }
0xbe: {  	v28 =	vor.u32 v25, v0;
	v22 =	vld.idx.msk [tilespmem:v22+s13+$0x0], $0xffff;
	v4 =	vadd.f32 $0.0e+00, v4  }
0xbf: {  	v30 =	vor.u32 v29, v0;
	v24 =	vld.idx.msk [tilespmem:v24+s23+$0x0], $0xffff  }
0xc0: {  	v4 =	vadd.f32 v8, v4;
	v8 =	vmul.f32 v12, v14;
	v14 =	vld.idx.msk [tilespmem:v26+s13+$0x0], $0xffff  }
0xc1: {  	v12 =	vor.u32 v61, v2;
	v6 =	vld.idx.msk [tilespmem:v6+s23+$0x0], $0xffff  }
0xc2: {  	v26 =	vor.u32 v31, v0;
	v20 =	vld.idx.msk [tilespmem:v20+s23+$0x0], $0xffff;
	v4 =	vadd.f32 v8, v4;
	v8 =	vmul.f32 v16, v18  }
0xc3: {  	v16 =	vor.u32 v7, v2;
	v18 =	vld.idx.msk [tilespmem:v28+s13+$0x0], $0xffff  }
0xc4: {  	v28 =	vor.u32 v33, v0;
	v4 =	vadd.f32 v8, v4;
	v8 =	vmul.f32 v10, v22;
	v22 =	vld.idx.msk [tilespmem:v30+s13+$0x0], $0xffff  }
0xc5: {  	v10 =	vor.u32 v46, v2;
	v46 =	vld [tilespmem:$0x1FDF0]  }
0xc6: {  	v30 =	vor.u32 v35, v0;
	v12 =	vld.idx.msk [tilespmem:v12+s23+$0x0], $0xffff  }
0xc7: {  	v4 =	vadd.f32 v8, v4;
	v8 =	vmul.f32 v24, v14;
	v24 =	vld.idx.msk [tilespmem:v26+s13+$0x0], $0xffff  }
0xc8: {  	v14 =	vor.u32 v13, v2;
	v16 =	vld.idx.msk [tilespmem:v16+s23+$0x0], $0xffff  }
0xc9: {  	v26 =	vor.u32 v37, v0;
	v6 =	vmul.f32 v6, v18;
	v18 =	vld.idx.msk [tilespmem:v28+s13+$0x0], $0xffff;
	v4 =	vadd.f32 v8, v4  }
0xca: {  	v10 =	vld.idx.msk [tilespmem:v10+s23+$0x0], $0xffff  }
0xcb: {  	v8 =	vor.u32 v34, v2;
	v4 =	vadd.f32 v6, v4;
	v6 =	vmul.f32 v20, v22;
	v22 =	vld.idx.msk [tilespmem:v30+s13+$0x0], $0xffff  }
0xcc: {  	v28 =	vor.u32 v39, v0;
	v20 =	vor.u32 v58, v2;
	v58 =	vld [tilespmem:$0x1FC90]  }
0xcd: {  	v14 =	vld.idx.msk [tilespmem:v14+s23+$0x0], $0xffff  }
0xce: {  	v30 =	vor.u32 v41, v0;
	v4 =	vadd.f32 v6, v4;
	v6 =	vmul.f32 v12, v24;
	v24 =	vld.idx.msk [tilespmem:v26+s13+$0x0], $0xffff  }
0xcf: {  	v34 =	vmov v42;
	v12 =	vor.u32 v42, v2;
	v42 =	vld [tilespmem:$0x1FE70]  }
0xd0: {  	v26 =	vor.u32 v43, v0;
	v8 =	vld.idx.msk [tilespmem:v8+s23+$0x0], $0xffff  }
0xd1: {  	v4 =	vadd.f32 v6, v4;
	v6 =	vmul.f32 v16, v18;
	v16 =	vor.u32 v36, v2;
	v18 =	vld.idx.msk [tilespmem:v28+s13+$0x0], $0xffff  }
0xd2: {  	v28 =	vor.u32 v45, v0;
	v20 =	vld.idx.msk [tilespmem:v20+s23+$0x0], $0xffff  }
0xd3: {  	v4 =	vadd.f32 v6, v4;
	v6 =	vmul.f32 v10, v22;
	v10 =	vor.u32 v38, v2;
	v22 =	vld.idx.msk [tilespmem:v30+s13+$0x0], $0xffff  }
0xd4: {  	v30 =	vor.u32 v47, v0;
	v12 =	vld.idx.msk [tilespmem:v12+s23+$0x0], $0xffff  }
0xd5: {  	v4 =	vadd.f32 v6, v4;
	v6 =	vmul.f32 v14, v24;
	v14 =	vor.u32 v40, v2;
	v24 =	vld.idx.msk [tilespmem:v26+s13+$0x0], $0xffff  }
0xd6: {  	v26 =	vor.u32 v49, v0;
	v16 =	vld.idx.msk [tilespmem:v16+s23+$0x0], $0xffff  }
0xd7: {  	v4 =	vadd.f32 v6, v4;
	v6 =	vmul.f32 v8, v18;
	v18 =	vld.idx.msk [tilespmem:v28+s13+$0x0], $0xffff  }
0xd8: {  	v8 =	vor.u32 v9, v2;
	v10 =	vld.idx.msk [tilespmem:v10+s23+$0x0], $0xffff  }
0xd9: {  	v28 =	vor.u32 v51, v0;
	v4 =	vadd.f32 v6, v4;
	v6 =	vmul.f32 v20, v22;
	v22 =	vld.idx.msk [tilespmem:v30+s13+$0x0], $0xffff  }
0xda: {  	v14 =	vld.idx.msk [tilespmem:v14+s23+$0x0], $0xffff  }
0xdb: {  	v4 =	vadd.f32 v6, v4;
	v6 =	vmul.f32 v12, v24;
	v24 =	vld.idx.msk [tilespmem:v26+s13+$0x0], $0xffff  }
0xdc: {  	v26 =	vld [tilespmem:$0x1FF60]  }
0xdd: {  	v20 =	vor.u32 v44, v2;
	v8 =	vld.idx.msk [tilespmem:v8+s23+$0x0], $0xffff;
	v4 =	vadd.f32 v6, v4;
	v6 =	vmul.f32 v16, v18  }
0xde: {  	v18 =	vld.idx.msk [tilespmem:v28+s13+$0x0], $0xffff;
	v28 =	vor.u32 v50, v0  }
0xdf: {  	v30 =	vor.u32 v54, v0;
	v54 =	vld [tilespmem:$0x1FE30];
	v4 =	vadd.f32 v6, v4;
	v6 =	vmul.f32 v10, v22  }
0xe0: {  	v44 =	vld [tilespmem:$0x1FE90]  }
0xe1: {  	v12 =	vor.u32 v48, v2;
	v50 =	vld [tilespmem:$0x1FE10];
	v4 =	vadd.f32 v6, v4;
	v6 =	vmul.f32 v14, v24  }
0xe2: {  	v20 =	vld.idx.msk [tilespmem:v20+s23+$0x0], $0xffff;
	v26 =	vor.u32 v26, v0  }
0xe3: {  	v16 =	vor.u32 v52, v2;
	v4 =	vadd.f32 v6, v4;
	v6 =	vmul.f32 v8, v18;
	v18 =	vld.idx.msk [tilespmem:v28+s13+$0x0], $0xffff  }
0xe4: {  	v10 =	vor.u32 v56, v2;
	v28 =	vld [tilespmem:$0x1FDE0]  }
0xe5: {  	v22 =	vld.idx.msk [tilespmem:v30+s13+$0x0], $0xffff  }
0xe6: {  	v30 =	vor.u32 v58, v0;
	v12 =	vld.idx.msk [tilespmem:v12+s23+$0x0], $0xffff  }
0xe7: {  	v24 =	vld.idx.msk [tilespmem:v26+s13+$0x0], $0xffff;
	v26 =	vor.u32 v5, v0  }
0xe8: {  	v16 =	vld.idx.msk [tilespmem:v16+s23+$0x0], $0xffff  }
0xe9: {  	v10 =	vld.idx.msk [tilespmem:v10+s23+$0x0], $0xffff;
	v28 =	vor.u32 v28, v0  }
0xea: {  	v4 =	vadd.f32 v6, v4;
	v6 =	vmul.f32 v20, v22;
	v20 =	vld [tilespmem:$0x1FE00]  }
0xeb: {  	v22 =	vld.idx.msk [tilespmem:v30+s13+$0x0], $0xffff  }
0xec: {  	v4 =	vadd.f32 v6, v4;
	v6 =	vmul.f32 v12, v24;
	v24 =	vld.idx.msk [tilespmem:v26+s13+$0x0], $0xffff  }
0xed: {  	v14 =	vor.u32 v63, v2;
	v26 =	vld [tilespmem:$0x1FE20]  }
0xee: {  	v8 =	vor.u32 v46, v2;
	v4 =	vadd.f32 v6, v4;
	v6 =	vmul.f32 v16, v18;
	v18 =	vld.idx.msk [tilespmem:v28+s13+$0x0], $0xffff  }
0xef: {  	v30 =	vor.u32 v50, v2;
	v28 =	vld [tilespmem:$0x1FE40]  }
0xf0: {  	v48 =	vld [tilespmem:$0x1FEB0]  }
0xf1: {  	v58 =	vld [tilespmem:$0x1FE50];
	v20 =	vor.u32 v20, v0  }
0xf2: {  	v14 =	vld.idx.msk [tilespmem:v14+s23+$0x0], $0xffff;
	v26 =	vor.u32 v26, v0  }
0xf3: {  	v8 =	vld.idx.msk [tilespmem:v8+s23+$0x0], $0xffff  }
0xf4: {  	v4 =	vadd.f32 v6, v4;
	v6 =	vmul.f32 v10, v22;
	v22 =	vld.idx.msk [tilespmem:v30+s23+$0x0], $0xffff;
	v28 =	vor.u32 v28, v0  }
0xf5: {  	v30 =	vld [tilespmem:$0x1FE60]  }
0xf6: {  	v20 =	vld.idx.msk [tilespmem:v20+s13+$0x0], $0xffff  }
0xf7: {  	v12 =	vor.u32 v54, v2;
	v4 =	vadd.f32 v6, v4;
	v6 =	vmul.f32 v14, v24;
	v24 =	vld.idx.msk [tilespmem:v26+s13+$0x0], $0xffff  }
0xf8: {  	v26 =	vld [tilespmem:$0x1FE80]  }
0xf9: {  	v16 =	vor.u32 v58, v2;
	v4 =	vadd.f32 v6, v4;
	v6 =	vmul.f32 v8, v18;
	v18 =	vld.idx.msk [tilespmem:v28+s13+$0x0], $0xffff  }
0xfa: {  	v10 =	vor.u32 v42, v2;
	v28 =	vld [tilespmem:$0x1FEA0]  }
0xfb: {  	v30 =	vor.u32 v30, v0  }
0xfc: {  	v12 =	vld.idx.msk [tilespmem:v12+s23+$0x0], $0xffff;
	v14 =	vor.u32 v44, v2  }
0xfd: {  	v26 =	vor.u32 v26, v0  }
0xfe: {  	v52 =	vor.u32 $0x1F, v60;
	v16 =	vld.idx.msk [tilespmem:v16+s23+$0x0], $0xffff;
	v8 =	vor.u32 v48, v2  }
0xff: {  	v10 =	vld.idx.msk [tilespmem:v10+s23+$0x0], $0xffff;
	v4 =	vadd.f32 v6, v4;
	v6 =	vmul.f32 v22, v20;
	v28 =	vor.u32 v28, v0  }
0x100: {  	v2 =	vor.u32 v52, v2;
	v22 =	vor.u32 $0xF80, v15;
	v20 =	vld.idx.msk [tilespmem:v30+s13+$0x0], $0xffff  }
0x101: {  	v14 =	vld.idx.msk [tilespmem:v14+s23+$0x0], $0xffff;
	v4 =	vadd.f32 v6, v4;
	v6 =	vmul.f32 v12, v24;
	v0 =	vor.u32 v22, v0  }
0x102: {  	v12 =	vld.idx.msk [tilespmem:v26+s13+$0x0], $0xffff  }
0x103: {  	v8 =	vld.idx.msk [tilespmem:v8+s23+$0x0], $0xffff;
	v4 =	vadd.f32 v6, v4;
	v6 =	vmul.f32 v16, v18  }
0x104: {  	v16 =	vld.idx.msk [tilespmem:v28+s13+$0x0], $0xffff  }
0x105: {  	v2 =	vld.idx.msk [tilespmem:v2+s23+$0x0], $0xffff;
	v4 =	vadd.f32 v6, v4;
	v6 =	vmul.f32 v10, v20  }
0x106: {  	v0 =	vld.idx.msk [tilespmem:v0+s13+$0x0], $0xffff  }
0x107: {  	v4 =	vadd.f32 v6, v4;
	v6 =	vmul.f32 v14, v12;
	_ =	sdelay $0x1  }
0x108: {  	v4 =	vadd.f32 v6, v4;
	v6 =	vmul.f32 v8, v16;
	_ =	sdelay $0x1  }
0x109: {  	v0 =	vmul.f32 v2, v0;
	v4 =	vadd.f32 v6, v4;
	_ =	sdelay $0x1  }
0x10a: {  	v0 =	vadd.f32 v0, v4  }
0x10b: {  	p0 =	por $0x0, $0x0  }
0x10c: {  	s1 =	simm.s32 @!p0 $0x0;
	[tilespmem:s30+$0x10F00] =	vst v0  }
0x10d: {  	v0 =	vld @!p0 [tilespmem:s1+$0x10];
	_ =	sdelay $0x4  }
0x10e: {  	(v2sf) =	vpush @!p0 v0, $0x0;
	_ =	sdelay $0x3  }
0x10f: {  	(v2sf) =	vpush @!p0 v0, $0x1;
	_ =	sdelay $0x3  }
0x110: {  	(v2sf) =	vpush @!p0 v0, $0x2;
	_ =	sdelay $0x3  }
0x111: {  	(v2sf) =	vpush @!p0 v0, $0x3;
	_ =	sdelay $0x2  }
0x112: {  	s1 =	spop @!p0 (v2sf)  }
0x113: {  	s14 =	simm.s32 @!p0 $0x400;
	(v2sf) =	vpush @!p0 v0, $0x4;
	s1 =	sand.u32 @!p0 $0xFFFFF80, s1  }
0x114: {  	s3 =	simm.s32 @!p0 $0x7A1400;
	s10 =	simm.s32 @!p0 $0x700;
	s1 =	sadd.s32 @!p0 s0, s1  }
0x115: {  	[tilespmem:s10], [sflag:$0x1] =	stream.strided.gather @!p0 [hbm4b:s1+s14], $0x1000, s3, s14, $0x38;
	[tilespmem:$0x11180] =	vst v63  }
0x116: {  	s1 =	spop @!p0 (v2sf)  }
0x117: {  	(v2sf) =	vpush @!p0 v0, $0x5;
	s1 =	sand.u32 @!p0 $0xFFFFF80, s1  }
0x118: {  	s10 =	simm.s32 @!p0 $0x1700;
	s1 =	sadd.s32 @!p0 s0, s1  }
0x119: {  	[tilespmem:s10], [sflag:$0x1] =	stream.strided.gather @!p0 [hbm4b:s1+s14], $0x1000, s3, s14, $0x38;
	[tilespmem:$0x11180] =	vst v63  }
0x11a: {  	s1 =	spop @!p0 (v2sf)  }
0x11b: {  	(v2sf) =	vpush @!p0 v0, $0x6;
	s1 =	sand.u32 @!p0 $0xFFFFF80, s1  }
0x11c: {  	s10 =	simm.s32 @!p0 $0x2700;
	s1 =	sadd.s32 @!p0 s0, s1  }
0x11d: {  	[tilespmem:s10], [sflag:$0x1] =	stream.strided.gather @!p0 [hbm4b:s1+s14], $0x1000, s3, s14, $0x38;
	[tilespmem:$0x11180] =	vst v63  }
0x11e: {  	s1 =	spop @!p0 (v2sf)  }
0x11f: {  	(v2sf) =	vpush @!p0 v0, $0x7;
	s1 =	sand.u32 @!p0 $0xFFFFF80, s1  }
0x120: {  	s10 =	simm.s32 @!p0 $0x3700;
	s1 =	sadd.s32 @!p0 s0, s1  }
0x121: {  	[tilespmem:s10], [sflag:$0x1] =	stream.strided.gather @!p0 [hbm4b:s1+s14], $0x1000, s3, s14, $0x38;
	[tilespmem:$0x11180] =	vst v63  }
0x122: {  	s1 =	spop @!p0 (v2sf)  }
0x123: {  	s1 =	sand.u32 @!p0 $0xFFFFF80, s1  }
0x124: {  	s10 =	simm.s32 @!p0 $0x4700;
	s1 =	sadd.s32 @!p0 s0, s1  }
0x125: {  	[tilespmem:s10], [sflag:$0x1] =	stream.strided.gather @!p0 [hbm4b:s1+s14], $0x1000, s3, s14, $0x38;
	[tilespmem:$0x11180] =	vst v63  }
0x126: {  	s1 =	spop @!p0 (v2sf)  }
0x127: {  	s1 =	sand.u32 @!p0 $0xFFFFF80, s1  }
0x128: {  	s10 =	simm.s32 @!p0 $0x5700;
	s1 =	sadd.s32 @!p0 s0, s1  }
0x129: {  	[tilespmem:s10], [sflag:$0x1] =	stream.strided.gather @!p0 [hbm4b:s1+s14], $0x1000, s3, s14, $0x38;
	[tilespmem:$0x11180] =	vst v63  }
0x12a: {  	s1 =	spop @!p0 (v2sf)  }
0x12b: {  	s1 =	sand.u32 @!p0 $0xFFFFF80, s1  }
0x12c: {  	s10 =	simm.s32 @!p0 $0x6700;
	s1 =	sadd.s32 @!p0 s0, s1  }
0x12d: {  	[tilespmem:s10], [sflag:$0x1] =	stream.strided.gather @!p0 [hbm4b:s1+s14], $0x1000, s3, s14, $0x38;
	[tilespmem:$0x11180] =	vst v63  }
0x12e: {  	s1 =	spop @!p0 (v2sf)  }
0x12f: {  	s1 =	sand.u32 @!p0 $0xFFFFF80, s1  }
0x130: {  	s10 =	simm.s32 @!p0 $0x7700;
	s1 =	sadd.s32 @!p0 s0, s1  }
0x131: {  	[tilespmem:s10], [sflag:$0x1] =	stream.strided.gather @!p0 [hbm4b:s1+s14], $0x1000, s3, s14, $0x38;
	[tilespmem:$0x11180] =	vst v63  }
0x132: {  	[tilespmem:$0x1FA70] =	vst v22;
	s1 =	simm.s32 @!p0 $0x510;
	s3 =	simm.s32 @!p0 $0x8;
	s10 =	simm.s32 @!p0 $0x10700  }
0x133: {  	[tilespmem:s10], [sflag:$0x1] =	stream.indirect.gather @!p0 [hbm4b:s4+s3], $0x80, s1, s3, $0xb8;
	[tilespmem:$0x11180] =	vst v63  }
0x134: {  	_ =	swait.ge [sflag:s26], $0x1000  }
0x135: {  	[sflag:s26] =	ssyncset.done $0x0  }
0x136: {  	[sflag:s26] =	ssyncadd.s32 $0xFFFFF000  }
0x137: {  	_ =	swait.ge [sflag:s26], $0x1000  }
0x138: {  	[sflag:s26] =	ssyncset.done $0x0  }
0x139: {  	[sflag:s26] =	ssyncadd.s32 $0xFFFFF000  }
0x13a: {  	_ =	swait.ge [sflag:s26], $0x1000  }
0x13b: {  	[sflag:s26] =	ssyncset.done $0x0  }
0x13c: {  	[sflag:s26] =	ssyncadd.s32 $0xFFFFF000  }
0x13d: {  	_ =	swait.ge [sflag:s26], $0x1000  }
0x13e: {  	[sflag:s26] =	ssyncset.done $0x0  }
0x13f: {  	[sflag:s26] =	ssyncadd.s32 $0xFFFFF000  }
0x140: {  	_ =	swait.ge [sflag:s26], $0x1000  }
0x141: {  	[sflag:s26] =	ssyncset.done $0x0  }
0x142: {  	[sflag:s26] =	ssyncadd.s32 $0xFFFFF000  }
0x143: {  	_ =	swait.ge [sflag:s26], $0x1000  }
0x144: {  	[sflag:s26] =	ssyncset.done $0x0  }
0x145: {  	[sflag:s26] =	ssyncadd.s32 $0xFFFFF000  }
0x146: {  	_ =	swait.ge [sflag:s26], $0x1000  }
0x147: {  	[sflag:s26] =	ssyncset.done $0x0  }
0x148: {  	[sflag:s26] =	ssyncadd.s32 $0xFFFFF000  }
0x149: {  	_ =	swait.ge [sflag:s26], $0x1000  }
0x14a: {  	[sflag:s26] =	ssyncset.done $0x0  }
0x14b: {  	[sflag:s26] =	ssyncadd.s32 $0xFFFFF000  }
0x14c: {  	_ =	swait.ge [sflag:s26], $0x400  }
0x14d: {  	[sflag:s26] =	ssyncset.done $0x0  }
0x14e: {  	[sflag:s26] =	ssyncadd.s32 $0xFFFFFC00  }
0x14f: {  	v36 =	vld [tilespmem:s30+$0x8];
	_ =	sdelay $0x2  }
0x150: {  	v32 =	vld [tilespmem:s30+$0x288];
	_ =	sdelay $0x1  }
0x151: {  	v11 =	vmov v3;
	v4 =	vor.u32 $0x8080, v15;
	v3 =	vand.u32 $0x7F, v36  }
0x152: {  	v6 =	vor.u32 $0x8000, v15;
	v2 =	vor.u32 v4, v3  }
0x153: {  	v8 =	vor.u32 $0x8100, v15;
	[tilespmem:$0x1FA90] =	vst v6;
	v6 =	vor.u32 v6, v3  }
0x154: {  	v7 =	vmovc v13;
	v12 =	vor.u32 $0x8180, v15;
	[tilespmem:$0x1FAA0] =	vst v8;
	v13 =	vld [tilespmem:$0x1FF00];
	v0 =	vshll.u32 v32, $0x5;
	v8 =	vor.u32 v8, v3  }
0x155: {  	v16 =	vor.u32 $0x8200, v15;
	[tilespmem:$0x1FAB0] =	vst v12;
	v9 =	vld [tilespmem:$0x1FF90];
	v5 =	vand.u32 $0x60, v0;
	v12 =	vor.u32 v12, v3  }
0x156: {  	v20 =	vor.u32 $0x8280, v15;
	[tilespmem:$0x1FAC0] =	vst v16;
	v16 =	vor.u32 v16, v3;
	v22 =	vor.u32 v11, v5;
	v11 =	vld [tilespmem:$0x1FF10]  }
0x157: {  	[tilespmem:$0x1FAD0] =	vst v20;
	v20 =	vor.u32 v20, v3;
	v2 =	vld.idx.msk [tilespmem:v2+s13+$0x0], $0xffff  }
0x158: {  	v0 =	vor.u32 v60, v5;
	v6 =	vld.idx.msk [tilespmem:v6+s13+$0x0], $0xffff  }
0x159: {  	[tilespmem:$0x1FA80] =	vst v4;
	v4 =	vor.u32 v55, v5;
	v8 =	vld.idx.msk [tilespmem:v8+s13+$0x0], $0xffff  }
0x15a: {  	v14 =	vor.u32 v62, v5;
	v12 =	vld.idx.msk [tilespmem:v12+s13+$0x0], $0xffff  }
0x15b: {  	v38 =	vor.u32 $0x8300, v15;
	v10 =	vor.u32 v59, v5;
	v16 =	vld.idx.msk [tilespmem:v16+s13+$0x0], $0xffff  }
0x15c: {  	v24 =	vor.u32 v38, v3;
	v20 =	vld.idx.msk [tilespmem:v20+s13+$0x0], $0xffff  }
0x15d: {  	v18 =	vor.u32 v1, v5;
	v0 =	vld.idx.msk [tilespmem:v0+s24+$0x0], $0xffff  }
0x15e: {  	v4 =	vld.idx.msk [tilespmem:v4+s24+$0x0], $0xffff  }
0x15f: {  	v14 =	vld.idx.msk [tilespmem:v14+s24+$0x0], $0xffff  }
0x160: {  	v10 =	vld.idx.msk [tilespmem:v10+s24+$0x0], $0xffff  }
0x161: {  	v40 =	vor.u32 $0x8380, v15;
	v26 =	vor.u32 v53, v5;
	v24 =	vld.idx.msk [tilespmem:v24+s13+$0x0], $0xffff  }
0x162: {  	v32 =	vor.u32 $0x8400, v15;
	v28 =	vor.u32 v40, v3;
	v0 =	vmul.f32 v0, v6;
	v6 =	vld.idx.msk [tilespmem:v18+s24+$0x0], $0xffff  }
0x163: {  	v30 =	vor.u32 v32, v3;
	v2 =	vmul.f32 v4, v2;
	v4 =	vld.idx.msk [tilespmem:v22+s24+$0x0], $0xffff  }
0x164: {  	v12 =	vmul.f32 v14, v12;
	v14 =	vor.u32 v11, v5;
	v11 =	vld [tilespmem:$0x1FFE0];
	v0 =	vadd.f32 $0.0e+00, v0  }
0x165: {  	[tilespmem:$0x1FAE0] =	vst v38;
	v18 =	vor.u32 v57, v5;
	v8 =	vmul.f32 v10, v8;
	v10 =	vor.u32 v13, v5;
	v13 =	vld [tilespmem:$0x1FF80]  }
0x166: {  	[tilespmem:$0x1FAF0] =	vst v40;
	v36 =	vor.u32 $0x8480, v15;
	v22 =	vor.u32 v61, v5;
	v0 =	vadd.f32 v2, v0;
	v2 =	vld.idx.msk [tilespmem:v26+s24+$0x0], $0xffff  }
0x167: {  	[tilespmem:$0x1FB00] =	vst v32;
	v32 =	vor.u32 v36, v3;
	v38 =	vor.u32 $0x8500, v15;
	v26 =	vld.idx.msk [tilespmem:v28+s13+$0x0], $0xffff  }
0x168: {  	v40 =	vor.u32 $0x8580, v15;
	[tilespmem:$0x1FB20] =	vst v38;
	v28 =	vor.u32 v38, v3;
	v38 =	vld.idx.msk [tilespmem:v30+s13+$0x0], $0xffff  }
0x169: {  	v6 =	vmul.f32 v6, v16;
	v16 =	vor.u32 v7, v5;
	v7 =	vld [tilespmem:$0x1FF30];
	v0 =	vadd.f32 v8, v0  }
0x16a: {  	v30 =	vor.u32 v40, v3;
	v8 =	vld.idx.msk [tilespmem:v18+s24+$0x0], $0xffff  }
0x16b: {  	v0 =	vadd.f32 v12, v0;
	v12 =	vld.idx.msk [tilespmem:v22+s24+$0x0], $0xffff  }
0x16c: {  	[tilespmem:$0x1FB30] =	vst v40;
	v40 =	vor.u32 $0x8600, v15;
	v22 =	vld.idx.msk [tilespmem:v32+s13+$0x0], $0xffff  }
0x16d: {  	[tilespmem:$0x1FB40] =	vst v40;
	v32 =	vor.u32 v40, v3;
	v40 =	vld [tilespmem:$0x1FF40]  }
0x16e: {  	[tilespmem:$0x1FB10] =	vst v36;
	v36 =	vor.u32 $0x8680, v15;
	v4 =	vmul.f32 v4, v20;
	v20 =	vld.idx.msk [tilespmem:v28+s13+$0x0], $0xffff  }
0x16f: {  	[tilespmem:$0x1FB50] =	vst v36;
	v28 =	vor.u32 v36, v3;
	v36 =	vmul.f32 v2, v24;
	v24 =	vld.idx.msk [tilespmem:v30+s13+$0x0], $0xffff  }
0x170: {  	v0 =	vadd.f32 v6, v0;
	v6 =	vld.idx.msk [tilespmem:v10+s24+$0x0], $0xffff  }
0x171: {  	v1 =	vor.u32 $0x8700, v15;
	v18 =	vld.idx.msk [tilespmem:v16+s24+$0x0], $0xffff  }
0x172: {  	v30 =	vor.u32 v1, v3;
	v0 =	vadd.f32 v4, v0;
	v4 =	vld.idx.msk [tilespmem:v14+s24+$0x0], $0xffff  }
0x173: {  	v10 =	vor.u32 v7, v5;
	v16 =	vor.u32 v34, v5;
	v8 =	vmul.f32 v8, v26;
	v26 =	vld.idx.msk [tilespmem:v32+s13+$0x0], $0xffff  }
0x174: {  	v14 =	vor.u32 v40, v5;
	v40 =	vor.u32 $0x8780, v15;
	v12 =	vmul.f32 v12, v38;
	v38 =	vld [tilespmem:$0x1FFC0]  }
0x175: {  	v34 =	vor.u32 $0x8800, v15;
	v0 =	vadd.f32 v36, v0;
	v32 =	vor.u32 v40, v3;
	v36 =	vld.idx.msk [tilespmem:v28+s13+$0x0], $0xffff  }
0x176: {  	[tilespmem:$0x1FB80] =	vst v34;
	v28 =	vor.u32 v34, v3;
	v34 =	vld [tilespmem:$0x1FFD0]  }
0x177: {  	v7 =	vld [tilespmem:$0x1FFF0]  }
0x178: {  	[tilespmem:$0x1FB70] =	vst v40;
	v40 =	vor.u32 $0x8880, v15;
	v30 =	vld.idx.msk [tilespmem:v30+s13+$0x0], $0xffff;
	v0 =	vadd.f32 v8, v0  }
0x179: {  	v6 =	vmul.f32 v6, v22;
	v8 =	vld.idx.msk [tilespmem:v10+s24+$0x0], $0xffff;
	v10 =	vor.u32 v38, v5;
	v38 =	vor.u32 $0x8900, v15  }
0x17a: {  	v4 =	vmul.f32 v4, v20;
	v12 =	vadd.f32 v12, v0;
	v20 =	vld.idx.msk [tilespmem:v32+s13+$0x0], $0xffff;
	v32 =	vor.u32 v38, v3  }
0x17b: {  	[tilespmem:$0x1FB90] =	vst v40;
	v14 =	vld.idx.msk [tilespmem:v14+s24+$0x0], $0xffff;
	v22 =	vor.u32 v34, v5  }
0x17c: {  	v34 =	vor.u32 v40, v3;
	v40 =	vmul.f32 v18, v24;
	v24 =	vld.idx.msk [tilespmem:v28+s13+$0x0], $0xffff;
	v6 =	vadd.f32 v6, v12  }
0x17d: {  	v12 =	vld.idx.msk [tilespmem:v16+s24+$0x0], $0xffff  }
0x17e: {  	[tilespmem:$0x1FBA0] =	vst v38;
	v38 =	vor.u32 $0x8980, v15;
	v16 =	vor.u32 v11, v5;
	v4 =	vadd.f32 v4, v6;
	v6 =	vld.idx.msk [tilespmem:v10+s24+$0x0], $0xffff  }
0x17f: {  	v28 =	vor.u32 v38, v3;
	v18 =	vld.idx.msk [tilespmem:v32+s13+$0x0], $0xffff  }
0x180: {  	v8 =	vmul.f32 v8, v26;
	v10 =	vor.u32 v7, v5;
	v2 =	vadd.f32 v40, v4;
	v32 =	vld [tilespmem:$0x1FFA0]  }
0x181: {  	v14 =	vmul.f32 v14, v36;
	v4 =	vld.idx.msk [tilespmem:v22+s24+$0x0], $0xffff;
	v40 =	vor.u32 $0x8A00, v15;
	v22 =	vor.u32 v13, v5  }
0x182: {  	v26 =	vld.idx.msk [tilespmem:v34+s13+$0x0], $0xffff;
	[tilespmem:$0x1FBC0] =	vst v40;
	v34 =	vor.u32 v40, v3;
	v40 =	vor.u32 $0x8B00, v15;
	v2 =	vadd.f32 v8, v2  }
0x183: {  	v12 =	vmul.f32 v12, v30;
	v8 =	vld.idx.msk [tilespmem:v16+s24+$0x0], $0xffff;
	v30 =	vor.u32 v40, v3  }
0x184: {  	v28 =	vld.idx.msk [tilespmem:v28+s13+$0x0], $0xffff;
	v16 =	vor.u32 v9, v5;
	v2 =	vadd.f32 v14, v2  }
0x185: {  	v0 =	vor.u32 $0x8A80, v15;
	[tilespmem:$0x1FBE0] =	vst v40;
	v40 =	vor.u32 $0x8C00, v15;
	v10 =	vld.idx.msk [tilespmem:v10+s24+$0x0], $0xffff;
	v32 =	vor.u32 v32, v5  }
0x186: {  	v14 =	vor.u32 v0, v3;
	v6 =	vmul.f32 v6, v20;
	v2 =	vadd.f32 v12, v2;
	v12 =	vld.idx.msk [tilespmem:v22+s24+$0x0], $0xffff  }
0x187: {  	v36 =	vor.u32 $0x8B80, v15;
	v20 =	vor.u32 v56, v5;
	v56 =	vor.u32 v40, v3;
	v22 =	vld.idx.msk [tilespmem:v34+s13+$0x0], $0xffff  }
0x188: {  	v4 =	vmul.f32 v4, v24;
	v8 =	vmul.f32 v8, v26;
	v26 =	vld.idx.msk [tilespmem:v30+s13+$0x0], $0xffff;
	v2 =	vadd.f32 v6, v2  }
0x189: {  	[tilespmem:$0x1FBB0] =	vst v38;
	v38 =	vor.u32 v36, v3;
	v6 =	vld.idx.msk [tilespmem:v16+s24+$0x0], $0xffff  }
0x18a: {  	v16 =	vor.u32 v63, v5;
	v63 =	vor.u32 $0x8C80, v15;
	v24 =	vld.idx.msk [tilespmem:v32+s24+$0x0], $0xffff;
	v2 =	vadd.f32 v4, v2  }
0x18b: {  	v30 =	vor.u32 v63, v3;
	v4 =	vld.idx.msk [tilespmem:v14+s13+$0x0], $0xffff  }
0x18c: {  	v10 =	vmul.f32 v10, v18;
	v12 =	vmul.f32 v12, v28;
	v28 =	vld.idx.msk [tilespmem:v56+s13+$0x0], $0xffff;
	v2 =	vadd.f32 v8, v2  }
0x18d: {  	[tilespmem:$0x1FBF0] =	vst v36;
	v36 =	vor.u32 $0x8D00, v15;
	v14 =	vor.u32 v46, v5;
	v8 =	vld.idx.msk [tilespmem:v20+s24+$0x0], $0xffff  }
0x18e: {  	v20 =	vld.idx.msk [tilespmem:v38+s13+$0x0], $0xffff;
	v38 =	vor.u32 v36, v3;
	v2 =	vadd.f32 v10, v2  }
0x18f: {  	v18 =	vor.u32 v50, v5;
	v10 =	vld.idx.msk [tilespmem:v16+s24+$0x0], $0xffff  }
0x190: {  	s3 =	simm.s32 $0x10;
	v6 =	vmul.f32 v6, v22;
	v22 =	vld.idx.msk [tilespmem:v30+s13+$0x0], $0xffff;
	v30 =	vor.u32 v58, v5;
	v2 =	vadd.f32 v12, v2  }
0x191: {  	[tilespmem:$0x1FC00] =	vst v40;
	v40 =	vor.u32 $0x8D80, v15;
	v16 =	vor.u32 v54, v5;
	v4 =	vmul.f32 v24, v4;
	v24 =	vld [tilespmem:s3+$0x8]  }
0x192: {  	v12 =	vld.idx.msk [tilespmem:v14+s24+$0x0], $0xffff;
	v14 =	vor.u32 v40, v3;
	v2 =	vadd.f32 v6, v2  }
0x193: {  	v46 =	vor.u32 $0x8E00, v15;
	v56 =	vor.u32 v42, v5;
	v54 =	vld.idx.msk [tilespmem:v38+s13+$0x0], $0xffff  }
0x194: {  	v8 =	vmul.f32 v8, v26;
	v6 =	vld.idx.msk [tilespmem:v18+s24+$0x0], $0xffff;
	v18 =	vor.u32 v46, v3;
	v2 =	vadd.f32 v4, v2  }
0x195: {  	v50 =	vor.u32 $0x8E80, v15;
	v10 =	vmul.f32 v10, v20;
	v20 =	vor.u32 v44, v5;
	v26 =	vld.idx.msk [tilespmem:v30+s24+$0x0], $0xffff  }
0x196: {  	[tilespmem:$0x1FC80] =	vst v52;
	v58 =	vor.u32 $0x8F00, v15;
	v4 =	vld.idx.msk [tilespmem:v16+s24+$0x0], $0xffff;
	v16 =	vor.u32 v50, v3;
	v2 =	vadd.f32 v8, v2  }
0x197: {  	[tilespmem:$0x1FB60] =	vst v1;
	v8 =	vld.idx.msk [tilespmem:v14+s13+$0x0], $0xffff;
	v14 =	vor.u32 v58, v3  }
0x198: {  	v12 =	vmul.f32 v12, v28;
	v28 =	vld.idx.msk [tilespmem:v56+s24+$0x0], $0xffff;
	v2 =	vadd.f32 v10, v2;
	v10 =	vor.u32 v48, v5  }
0x199: {  	[tilespmem:$0x1FBD0] =	vst v0;
	v18 =	vld.idx.msk [tilespmem:v18+s13+$0x0], $0xffff  }
0x19a: {  	[tilespmem:$0x1FC20] =	vst v36;
	v6 =	vmul.f32 v6, v22;
	v20 =	vld.idx.msk [tilespmem:v20+s24+$0x0], $0xffff;
	v12 =	vadd.f32 v12, v2  }
0x19b: {  	[tilespmem:$0x1FC10] =	vst v63;
	v63 =	vor.u32 $0x8F80, v15;
	(v2sf) =	vpush v24, $0x0;
	v16 =	vld.idx.msk [tilespmem:v16+s13+$0x0], $0xffff  }
0x19c: {  	v4 =	vmul.f32 v4, v54;
	v14 =	vld.idx.msk [tilespmem:v14+s13+$0x0], $0xffff;
	v6 =	vadd.f32 v6, v12;
	v12 =	vor.u32 v63, v3  }
0x19d: {  	[tilespmem:$0x1FC30] =	vst v40;
	(v2sf) =	vpush v24, $0x1;
	v22 =	vor.u32 v52, v5;
	v30 =	vld.idx.msk [tilespmem:v10+s24+$0x0], $0xffff  }
0x19e: {  	[tilespmem:$0x1FC50] =	vst v50;
	(v2sf) =	vpush v24, $0x2;
	v8 =	vmul.f32 v26, v8;
	v4 =	vadd.f32 v4, v6  }
0x19f: {  	[tilespmem:$0x1FC70] =	vst v63;
	(v2sf) =	vpush v24, $0x3  }
0x1a0: {  	[tilespmem:$0x1FC40] =	vst v46;
	(v2sf) =	vpush v24, $0x4;
	v6 =	vmul.f32 v28, v18;
	v8 =	vadd.f32 v8, v4  }
0x1a1: {  	[tilespmem:$0x1FC60] =	vst v58;
	(v2sf) =	vpush v24, $0x5;
	v4 =	vld.idx.msk [tilespmem:v12+s13+$0x0], $0xffff  }
0x1a2: {  	s31 =	simm.s32 $0x40;
	s1 =	simm.s32 $0x80;
	v10 =	vmul.f32 v20, v16;
	v12 =	vadd.f32 v6, v8;
	v8 =	vmul.f32 v30, v14;
	v6 =	vld.idx.msk [tilespmem:v22+s24+$0x0], $0xffff  }
.LBB2_4:
0x1a3: {  	_ =	sdelay $0x2  }
0x1a4: {  	(v2sf) =	vpush v24, $0x6  }
0x1a5: {  	s15 =	rddreg [dreg:$0xb];
	v10 =	vadd.f32 v10, v12  }
0x1a6: {  	s16 =	rddreg [dreg:$0xa];
	(v2sf) =	vpush v24, $0x7  }
0x1a7: {  	s17 =	rddreg [dreg:$0x9];
	v4 =	vmul.f32 v6, v4;
	v6 =	vadd.f32 v8, v10  }
0x1a8: {  	s18 =	rddreg [dreg:$0x8]  }
0x1a9: {  	s19 =	rddreg [dreg:$0x6];
	v4 =	vadd.f32 v4, v6;
	s20 =	spop (v2sf)  }
0x1aa: {  	s22 =	rddreg [dreg:$0x7];
	s20 =	sand.u32 $0xFFFFF80, s20;
	s28 =	spop (v2sf)  }
0x1ab: {  	[tilespmem:s30+$0x10F08] =	vst v4;
	s20 =	sadd.s32 s0, s20;
	s28 =	sand.u32 $0xFFFFF80, s28;
	s30 =	spop (v2sf)  }
0x1ac: {  	[tilespmem:s19], [sflag:$0x2] =	stream.strided.gather [hbm4b:s20+s12], $0x1000, s11, s12, $0x38;
	[tilespmem:$0x11180] =	vst v63  }
0x1ad: {  	s19 =	sadd.s32 s0, s28;
	s20 =	sand.u32 $0xFFFFF80, s30;
	s5 =	spop (v2sf)  }
0x1ae: {  	[tilespmem:s22], [sflag:$0x2] =	stream.strided.gather [hbm4b:s19+s12], $0x1000, s11, s12, $0x38;
	[tilespmem:$0x11180] =	vst v63  }
0x1af: {  	s28 =	sand.u32 $0xFFFFF80, s5;
	s5 =	spop (v2sf);
	s22 =	sadd.s32 s0, s20  }
0x1b0: {  	[tilespmem:s18], [sflag:$0x2] =	stream.strided.gather [hbm4b:s22+s12], $0x1000, s11, s12, $0x38;
	[tilespmem:$0x11180] =	vst v63  }
0x1b1: {  	s20 =	sadd.s32 s0, s28;
	s28 =	sand.u32 $0xFFFFF80, s5;
	s5 =	spop (v2sf)  }
0x1b2: {  	[tilespmem:s17], [sflag:$0x2] =	stream.strided.gather [hbm4b:s20+s12], $0x1000, s11, s12, $0x38;
	[tilespmem:$0x11180] =	vst v63  }
0x1b3: {  	s19 =	sand.u32 $0xFFFFF80, s5;
	s18 =	sadd.s32 s0, s28;
	s20 =	spop (v2sf)  }
0x1b4: {  	[tilespmem:s16], [sflag:$0x2] =	stream.strided.gather [hbm4b:s18+s12], $0x1000, s11, s12, $0x38;
	[tilespmem:$0x11180] =	vst v63  }
0x1b5: {  	s22 =	sadd.s32 s0, s19;
	s28 =	sand.u32 $0xFFFFF80, s20;
	s5 =	spop (v2sf)  }
0x1b6: {  	[tilespmem:s15], [sflag:$0x2] =	stream.strided.gather [hbm4b:s22+s12], $0x1000, s11, s12, $0x38;
	[tilespmem:$0x11180] =	vst v63  }
0x1b7: {  	s14 =	rddreg [dreg:$0xc];
	s19 =	sadd.s32 s0, s28;
	s20 =	sand.u32 $0xFFFFF80, s5  }
0x1b8: {  	[tilespmem:s14], [sflag:$0x2] =	stream.strided.gather [hbm4b:s19+s12], $0x1000, s11, s12, $0x38;
	[tilespmem:$0x11180] =	vst v63  }
0x1b9: {  	s30 =	smov.u32 s3;
	s28 =	sadd.s32 s0, s20;
	s22 =	rddreg [dreg:$0xd]  }
0x1ba: {  	[tilespmem:s22], [sflag:$0x2] =	stream.strided.gather [hbm4b:s28+s12], $0x1000, s11, s12, $0x38;
	[tilespmem:$0x11180] =	vst v63  }
0x1bb: {  	s3 =	sadd.s32 $0x508, s30  }
0x1bc: {  	[tilespmem:s24], [sflag:$0x2] =	stream.indirect.gather [hbm4b:s4+s21], $0x80, s3, s21, $0xb8;
	[tilespmem:$0x11180] =	vst v63  }
0x1bd: {  	_ =	swait.ge [sflag:s25], $0x1000  }
0x1be: {  	[sflag:s25] =	ssyncset.done $0x0  }
0x1bf: {  	[sflag:s25] =	ssyncadd.s32 $0xFFFFF000  }
0x1c0: {  	_ =	swait.ge [sflag:s25], $0x1000  }
0x1c1: {  	[sflag:s25] =	ssyncset.done $0x0  }
0x1c2: {  	[sflag:s25] =	ssyncadd.s32 $0xFFFFF000  }
0x1c3: {  	_ =	swait.ge [sflag:s25], $0x1000  }
0x1c4: {  	[sflag:s25] =	ssyncset.done $0x0  }
0x1c5: {  	[sflag:s25] =	ssyncadd.s32 $0xFFFFF000  }
0x1c6: {  	_ =	swait.ge [sflag:s25], $0x1000  }
0x1c7: {  	[sflag:s25] =	ssyncset.done $0x0  }
0x1c8: {  	[sflag:s25] =	ssyncadd.s32 $0xFFFFF000  }
0x1c9: {  	_ =	swait.ge [sflag:s25], $0x1000  }
0x1ca: {  	[sflag:s25] =	ssyncset.done $0x0  }
0x1cb: {  	[sflag:s25] =	ssyncadd.s32 $0xFFFFF000  }
0x1cc: {  	_ =	swait.ge [sflag:s25], $0x1000  }
0x1cd: {  	[sflag:s25] =	ssyncset.done $0x0  }
0x1ce: {  	[sflag:s25] =	ssyncadd.s32 $0xFFFFF000  }
0x1cf: {  	_ =	swait.ge [sflag:s25], $0x1000  }
0x1d0: {  	[sflag:s25] =	ssyncset.done $0x0  }
0x1d1: {  	[sflag:s25] =	ssyncadd.s32 $0xFFFFF000  }
0x1d2: {  	_ =	swait.ge [sflag:s25], $0x1000  }
0x1d3: {  	[sflag:s25] =	ssyncset.done $0x0  }
0x1d4: {  	[sflag:s25] =	ssyncadd.s32 $0xFFFFF000  }
0x1d5: {  	_ =	swait.ge [sflag:s25], $0x400  }
0x1d6: {  	[sflag:s25] =	ssyncset.done $0x0  }
0x1d7: {  	[sflag:s25] =	ssyncadd.s32 $0xFFFFFC00  }
0x1d8: {  	v4 =	vld [tilespmem:s30+$0x280]  }
0x1d9: {  	v6 =	vld [tilespmem:s30+$0x0];
	_ =	sdelay $0x4  }
0x1da: {  	v4 =	vshll.u32 v4, $0x5;
	v16 =	vand.u32 $0x7F, v6  }
0x1db: {  	v0 =	vand.u32 $0x60, v4;
	v4 =	vor.u32 v15, v16  }
0x1dc: {  	v6 =	vor.u32 v60, v0;
	_ =	sdelay $0x3  }
0x1dd: {  	v4 =	vld.idx.msk [tilespmem:v4+s13+$0x0], $0xffff  }
0x1de: {  	v6 =	vld.idx.msk [tilespmem:v6+s23+$0x0], $0xffff;
	_ =	sdelay $0x1  }
0x1df: {  	v1 =	vld [tilespmem:$0x1FEC0]  }
0x1e0: {  	v32 =	vld [tilespmem:$0x1FED0]  }
0x1e1: {  	v2 =	vld [tilespmem:$0x1FF40]  }
0x1e2: {  	v4 =	vmul.f32 v6, v4;
	v6 =	vld [tilespmem:$0x1FF90]  }
0x1e3: {  	v3 =	vld [tilespmem:$0x1FF50]  }
0x1e4: {  	v7 =	vld [tilespmem:$0x1FFC0]  }
0x1e5: {  	v11 =	vld [tilespmem:$0x1FFD0]  }
0x1e6: {  	v44 =	vor.u32 v33, v16;
	v33 =	vld [tilespmem:$0x1FF00]  }
0x1e7: {  	v36 =	vor.u32 v29, v16;
	v29 =	vor.u32 v6, v0;
	v6 =	vld [tilespmem:$0x1FF70]  }
0x1e8: {  	v48 =	vor.u32 v35, v16;
	v35 =	vld [tilespmem:$0x1FF10]  }
0x1e9: {  	v52 =	vor.u32 v37, v16;
	v37 =	vld [tilespmem:$0x1FF20]  }
0x1ea: {  	v8 =	vor.u32 v17, v16;
	v56 =	vor.u32 v39, v16;
	v39 =	vld [tilespmem:$0x1FF30]  }
0x1eb: {  	v12 =	vor.u32 v19, v16;
	v15 =	vld [tilespmem:$0x1FFE0]  }
0x1ec: {  	v40 =	vor.u32 v31, v16;
	v31 =	vor.u32 v6, v16;
	v6 =	vld [tilespmem:$0x1FFA0]  }
0x1ed: {  	v19 =	vld [tilespmem:$0x1FFF0];
	v10 =	vor.u32 v55, v0  }
0x1ee: {  	v18 =	vor.u32 v27, v16;
	v26 =	vor.u32 v23, v16;
	v23 =	vld [tilespmem:$0x1FEF0]  }
0x1ef: {  	v14 =	vor.u32 v59, v0;
	v8 =	vld.idx.msk [tilespmem:v8+s13+$0x0], $0xffff  }
0x1f0: {  	v22 =	vor.u32 v21, v16;
	v12 =	vld.idx.msk [tilespmem:v12+s13+$0x0], $0xffff  }
0x1f1: {  	v50 =	vor.u32 v35, v0;
	v35 =	vor.u32 v6, v0;
	v6 =	vld [tilespmem:$0x1FC90]  }
0x1f2: {  	v10 =	vld.idx.msk [tilespmem:v10+s23+$0x0], $0xffff  }
0x1f3: {  	v24 =	vor.u32 v1, v0;
	v27 =	vld.idx.msk [tilespmem:v18+s13+$0x0], $0xffff  }
0x1f4: {  	v14 =	vld.idx.msk [tilespmem:v14+s23+$0x0], $0xffff  }
0x1f5: {  	v32 =	vor.u32 v32, v0;
	v58 =	vor.u32 v39, v0;
	v39 =	vld.idx.msk [tilespmem:v22+s13+$0x0], $0xffff  }
0x1f6: {  	v13 =	vor.u32 v47, v16;
	v30 =	vor.u32 v6, v16;
	v6 =	vld [tilespmem:$0x1FFB0]  }
0x1f7: {  	v63 =	vor.u32 v53, v0;
	v47 =	vld.idx.msk [tilespmem:v26+s13+$0x0], $0xffff;
	v8 =	vmul.f32 v10, v8;
	v4 =	vadd.f32 $0.0e+00, v4  }
0x1f8: {  	v20 =	vor.u32 v62, v0;
	v46 =	vor.u32 v33, v0;
	v33 =	vld.idx.msk [tilespmem:v24+s23+$0x0], $0xffff  }
0x1f9: {  	v4 =	vadd.f32 v8, v4;
	v8 =	vmul.f32 v14, v12;
	v14 =	vld [tilespmem:$0x1FE30]  }
0x1fa: {  	v5 =	vor.u32 v43, v16;
	v43 =	vld.idx.msk [tilespmem:v32+s23+$0x0], $0xffff  }
0x1fb: {  	v54 =	vor.u32 v37, v0;
	v37 =	vor.u32 v6, v0;
	v6 =	vld [tilespmem:$0x1FCA0]  }
0x1fc: {  	v17 =	vor.u32 v49, v16;
	v49 =	vld.idx.msk [tilespmem:v63+s23+$0x0], $0xffff  }
0x1fd: {  	v42 =	vor.u32 v61, v0;
	v10 =	vld.idx.msk [tilespmem:v20+s23+$0x0], $0xffff  }
0x1fe: {  	v34 =	vor.u32 v25, v16;
	v32 =	vor.u32 v14, v0;
	v14 =	vld [tilespmem:$0x1FE40]  }
0x1ff: {  	v8 =	vadd.f32 v8, v4;
	v4 =	vld [tilespmem:$0x1FE50]  }
0x200: {  	v28 =	vor.u32 v6, v16;
	v6 =	vld [tilespmem:$0x1FEE0]  }
0x201: {  	v20 =	vld [tilespmem:$0x1FF80]  }
0x202: {  	v33 =	vmul.f32 v33, v39;
	v39 =	vld.idx.msk [tilespmem:v42+s23+$0x0], $0xffff  }
0x203: {  	v63 =	vor.u32 v14, v16;
	v14 =	vmul.f32 v10, v27;
	v27 =	vld.idx.msk [tilespmem:v34+s13+$0x0], $0xffff  }
0x204: {  	v34 =	vor.u32 v4, v0;
	v4 =	vld [tilespmem:$0x1FE60]  }
0x205: {  	v1 =	vor.u32 v41, v16;
	v41 =	vor.u32 v6, v0;
	v6 =	vld [tilespmem:$0x1FDE0]  }
0x206: {  	v42 =	vld [tilespmem:$0x1FA70]  }
0x207: {  	v12 =	vld [tilespmem:$0x1FE10]  }
0x208: {  	v21 =	vor.u32 v51, v16;
	v51 =	vadd.f32 v14, v8;
	v8 =	vld [tilespmem:$0x1FE90]  }
0x209: {  	v10 =	vor.u32 v4, v16;
	v4 =	vld [tilespmem:$0x1FE70]  }
0x20a: {  	v18 =	vor.u32 v6, v16;
	v6 =	vld [tilespmem:$0x1FDF0]  }
0x20b: {  	v25 =	vor.u32 v23, v16;
	v23 =	vor.u32 v20, v0;
	v20 =	vld [tilespmem:$0x1FF60]  }
0x20c: {  	v22 =	vor.u32 v12, v0;
	v12 =	vld [tilespmem:$0x1FE20]  }
0x20d: {  	v38 =	vor.u32 v57, v0;
	v26 =	vor.u32 v8, v0;
	v8 =	vld [tilespmem:$0x1FEA0]  }
0x20e: {  	v2 =	vor.u32 v2, v0;
	v24 =	vor.u32 v4, v0;
	v4 =	vld [tilespmem:$0x1FE80]  }
0x20f: {  	v9 =	vor.u32 v45, v16;
	v45 =	vor.u32 v6, v0;
	v6 =	vld [tilespmem:$0x1FE00]  }
0x210: {  	v36 =	vld.idx.msk [tilespmem:v36+s13+$0x0], $0xffff  }
0x211: {  	v3 =	vor.u32 v3, v0;
	v40 =	vld.idx.msk [tilespmem:v40+s13+$0x0], $0xffff  }
0x212: {  	v7 =	vor.u32 v7, v0;
	v11 =	vor.u32 v11, v0;
	v38 =	vld.idx.msk [tilespmem:v38+s23+$0x0], $0xffff  }
0x213: {  	v2 =	vld.idx.msk [tilespmem:v2+s23+$0x0], $0xffff;
	v20 =	vor.u32 v20, v16;
	v12 =	vor.u32 v12, v16;
	v8 =	vor.u32 v8, v16  }
0x214: {  	v14 =	vld [tilespmem:$0x1FEB0];
	v4 =	vor.u32 v4, v16;
	v6 =	vor.u32 v6, v16;
	v16 =	vor.u32 v42, v16  }
0x215: {  	[tilespmem:$0x1FA60] =	vst v16;
	v16 =	vld [tilespmem:$0x1FC80]  }
0x216: {  	v3 =	vld.idx.msk [tilespmem:v3+s23+$0x0], $0xffff  }
0x217: {  	v7 =	vld.idx.msk [tilespmem:v7+s23+$0x0], $0xffff;
	v47 =	vmul.f32 v43, v47;
	v33 =	vadd.f32 v33, v51  }
0x218: {  	v11 =	vld.idx.msk [tilespmem:v11+s23+$0x0], $0xffff  }
0x219: {  	v15 =	vor.u32 v15, v0;
	v27 =	vmul.f32 v49, v27;
	v49 =	vld.idx.msk [tilespmem:v44+s13+$0x0], $0xffff;
	v33 =	vadd.f32 v47, v33  }
0x21a: {  	v19 =	vor.u32 v19, v0;
	v14 =	vor.u32 v14, v0;
	v16 =	vor.u32 v16, v0;
	v0 =	vld.idx.msk [tilespmem:v46+s23+$0x0], $0xffff  }
0x21b: {  	v43 =	vld.idx.msk [tilespmem:v50+s23+$0x0], $0xffff;
	v50 =	vmul.f32 v38, v36;
	v27 =	vadd.f32 v27, v33  }
0x21c: {  	v51 =	vld.idx.msk [tilespmem:v48+s13+$0x0], $0xffff  }
0x21d: {  	v44 =	vld.idx.msk [tilespmem:v54+s23+$0x0], $0xffff;
	v27 =	vadd.f32 v50, v27;
	v46 =	vmul.f32 v39, v40  }
0x21e: {  	v47 =	vld.idx.msk [tilespmem:v52+s13+$0x0], $0xffff  }
0x21f: {  	v48 =	vld.idx.msk [tilespmem:v58+s23+$0x0], $0xffff;
	v27 =	vadd.f32 v46, v27;
	v0 =	vmul.f32 v0, v49  }
0x220: {  	v49 =	vld.idx.msk [tilespmem:v56+s13+$0x0], $0xffff  }
0x221: {  	v50 =	vld.idx.msk [tilespmem:v1+s13+$0x0], $0xffff;
	v0 =	vadd.f32 v0, v27;
	v27 =	vmul.f32 v43, v51  }
0x222: {  	v51 =	vld.idx.msk [tilespmem:v5+s13+$0x0], $0xffff  }
0x223: {  	v5 =	vld.idx.msk [tilespmem:v9+s13+$0x0], $0xffff;
	v0 =	vadd.f32 v27, v0;
	v27 =	vmul.f32 v44, v47  }
0x224: {  	v15 =	vld.idx.msk [tilespmem:v15+s23+$0x0], $0xffff  }
0x225: {  	v9 =	vld.idx.msk [tilespmem:v13+s13+$0x0], $0xffff;
	v0 =	vadd.f32 v27, v0;
	v27 =	vmul.f32 v48, v49  }
0x226: {  	v52 =	vld.idx.msk [tilespmem:v17+s13+$0x0], $0xffff  }
0x227: {  	v2 =	vmul.f32 v2, v50;
	v1 =	vmul.f32 v3, v51;
	v3 =	vld.idx.msk [tilespmem:v19+s23+$0x0], $0xffff;
	v0 =	vadd.f32 v27, v0  }
0x228: {  	v54 =	vmul.f32 v7, v5;
	v5 =	vld.idx.msk [tilespmem:v21+s13+$0x0], $0xffff  }
0x229: {  	v7 =	vld.idx.msk [tilespmem:v23+s23+$0x0], $0xffff;
	v0 =	vadd.f32 v2, v0  }
0x22a: {  	v56 =	vmul.f32 v11, v9;
	v9 =	vld.idx.msk [tilespmem:v25+s13+$0x0], $0xffff  }
0x22b: {  	v33 =	vld.idx.msk [tilespmem:v20+s13+$0x0], $0xffff;
	v0 =	vadd.f32 v1, v0  }
0x22c: {  	v13 =	vld.idx.msk [tilespmem:v35+s23+$0x0], $0xffff  }
0x22d: {  	v36 =	vmul.f32 v3, v5;
	v3 =	vld.idx.msk [tilespmem:v31+s13+$0x0], $0xffff;
	v0 =	vadd.f32 v54, v0  }
0x22e: {  	v5 =	vld.idx.msk [tilespmem:v37+s23+$0x0], $0xffff  }
0x22f: {  	v58 =	vmul.f32 v15, v52;
	v37 =	vmul.f32 v7, v9;
	v7 =	vld.idx.msk [tilespmem:v30+s13+$0x0], $0xffff;
	v0 =	vadd.f32 v56, v0  }
0x230: {  	v11 =	vld.idx.msk [tilespmem:v29+s23+$0x0], $0xffff  }
0x231: {  	v0 =	vadd.f32 v58, v0  }
0x232: {  	v9 =	vld.idx.msk [tilespmem:v41+s23+$0x0], $0xffff  }
0x233: {  	v40 =	vmul.f32 v13, v3;
	v13 =	vld.idx.msk [tilespmem:v6+s13+$0x0], $0xffff;
	v0 =	vadd.f32 v36, v0  }
0x234: {  	v41 =	vmul.f32 v5, v7;
	v5 =	vld.idx.msk [tilespmem:v22+s23+$0x0], $0xffff  }
0x235: {  	v39 =	vld.idx.msk [tilespmem:v28+s13+$0x0], $0xffff;
	v38 =	vmul.f32 v11, v33;
	v0 =	vadd.f32 v37, v0  }
0x236: {  	v11 =	vld.idx.msk [tilespmem:v45+s23+$0x0], $0xffff  }
0x237: {  	v3 =	vld.idx.msk [tilespmem:v18+s13+$0x0], $0xffff;
	v0 =	vadd.f32 v38, v0  }
0x238: {  	v6 =	vld.idx.msk [tilespmem:v24+s23+$0x0], $0xffff  }
0x239: {  	v45 =	vmul.f32 v5, v13;
	v5 =	vld.idx.msk [tilespmem:v10+s13+$0x0], $0xffff;
	v0 =	vadd.f32 v40, v0  }
0x23a: {  	v43 =	vld.idx.msk [tilespmem:v12+s13+$0x0], $0xffff  }
0x23b: {  	v7 =	vld.idx.msk [tilespmem:v32+s23+$0x0], $0xffff;
	v42 =	vmul.f32 v9, v39;
	v0 =	vadd.f32 v41, v0  }
0x23c: {  	v9 =	vld.idx.msk [tilespmem:v34+s23+$0x0], $0xffff  }
0x23d: {  	v44 =	vmul.f32 v11, v3;
	v3 =	vld.idx.msk [tilespmem:v63+s13+$0x0], $0xffff;
	v0 =	vadd.f32 v42, v0  }
0x23e: {  	v49 =	vmul.f32 v6, v5;
	v5 =	vld [tilespmem:$0x1FA60]  }
0x23f: {  	v0 =	vadd.f32 v44, v0;
	_ =	sdelay $0x1  }
0x240: {  	v47 =	vld.idx.msk [tilespmem:v4+s13+$0x0], $0xffff;
	v46 =	vmul.f32 v7, v43;
	v0 =	vadd.f32 v45, v0  }
0x241: {  	v10 =	vld.idx.msk [tilespmem:v26+s23+$0x0], $0xffff  }
0x242: {  	v4 =	vld.idx.msk [tilespmem:v14+s23+$0x0], $0xffff;
	v48 =	vmul.f32 v9, v3;
	v0 =	vadd.f32 v46, v0  }
0x243: {  	v3 =	vld.idx.msk [tilespmem:v8+s13+$0x0], $0xffff  }
0x244: {  	v7 =	vld.idx.msk [tilespmem:v16+s23+$0x0], $0xffff;
	v0 =	vadd.f32 v48, v0  }
0x245: {  	v5 =	vld.idx.msk [tilespmem:v5+s13+$0x0], $0xffff  }
0x246: {  	v50 =	vmul.f32 v10, v47;
	v0 =	vadd.f32 v49, v0;
	_ =	sdelay $0x1  }
0x247: {  	v51 =	vmul.f32 v4, v3;
	v0 =	vadd.f32 v50, v0;
	_ =	sdelay $0x1  }
0x248: {  	v52 =	vmul.f32 v7, v5;
	v0 =	vadd.f32 v51, v0;
	_ =	sdelay $0x1  }
0x249: {  	v0 =	vadd.f32 v52, v0  }
0x24a: {  	p1 =	seq.s32 s31, $0x7C0  }
0x24b: {  	s3 =	sshra.s32 @!p1 s31, $0x2;
	[tilespmem:s30+$0x10F00] =	vst v0  }
0x24c: {  	v0 =	vld @!p1 [tilespmem:s3+$0x10];
	_ =	sdelay $0x4  }
0x24d: {  	(v2sf) =	vpush @!p1 v0, $0x0  }
0x24e: {  	(v2sf) =	vpush @!p1 v0, $0x1  }
0x24f: {  	(v2sf) =	vpush @!p1 v0, $0x2;
	_ =	sdelay $0x1  }
0x250: {  	(v2sf) =	vpush @!p1 v0, $0x3;
	_ =	sdelay $0x1  }
0x251: {  	(v2sf) =	vpush @!p1 v0, $0x4;
	_ =	sdelay $0x1  }
0x252: {  	(v2sf) =	vpush @!p1 v0, $0x5;
	_ =	sdelay $0x1  }
0x253: {  	(v2sf) =	vpush @!p1 v0, $0x6;
	_ =	sdelay $0x1  }
0x254: {  	s10 =	smov.u32 s1;
	(v2sf) =	vpush @!p1 v0, $0x7  }
0x255: {  	s17 =	simm.s32 @!p1 $0x3700;
	s16 =	simm.s32 @!p1 $0x2700;
	s18 =	simm.s32 @!p1 $0x7A1400  }
0x256: {  	s15 =	simm.s32 @!p1 $0x1700;
	s14 =	simm.s32 @!p1 $0x5700;
	s19 =	simm.s32 @!p1 $0x700  }
0x257: {  	s22 =	simm.s32 @!p1 $0x400;
	s31 =	smov.u32 s10;
	s20 =	spop @!p1 (v2sf)  }
0x258: {  	s10 =	simm.s32 @!p1 $0x4700;
	s20 =	sand.u32 @!p1 $0xFFFFF80, s20;
	s28 =	spop @!p1 (v2sf)  }
0x259: {  	s20 =	sadd.s32 @!p1 s0, s20;
	s28 =	sand.u32 @!p1 $0xFFFFF80, s28;
	s5 =	spop @!p1 (v2sf)  }
0x25a: {  	[tilespmem:s19], [sflag:$0x1] =	stream.strided.gather @!p1 [hbm4b:s20+s22], $0x1000, s18, s22, $0x38;
	[tilespmem:$0x11180] =	vst v63  }
0x25b: {  	s19 =	sadd.s32 @!p1 s0, s28;
	s5 =	sand.u32 @!p1 $0xFFFFF80, s5;
	s20 =	spop @!p1 (v2sf)  }
0x25c: {  	[tilespmem:s15], [sflag:$0x1] =	stream.strided.gather @!p1 [hbm4b:s19+s22], $0x1000, s18, s22, $0x38;
	[tilespmem:$0x11180] =	vst v63  }
0x25d: {  	s5 =	sadd.s32 @!p1 s0, s5;
	s15 =	sand.u32 @!p1 $0xFFFFF80, s20;
	s19 =	spop @!p1 (v2sf)  }
0x25e: {  	[tilespmem:s16], [sflag:$0x1] =	stream.strided.gather @!p1 [hbm4b:s5+s22], $0x1000, s18, s22, $0x38;
	[tilespmem:$0x11180] =	vst v63  }
0x25f: {  	s5 =	sadd.s32 @!p1 s0, s15;
	s15 =	sand.u32 @!p1 $0xFFFFF80, s19;
	s16 =	spop @!p1 (v2sf)  }
0x260: {  	[tilespmem:s17], [sflag:$0x1] =	stream.strided.gather @!p1 [hbm4b:s5+s22], $0x1000, s18, s22, $0x38;
	[tilespmem:$0x11180] =	vst v63  }
0x261: {  	s5 =	sadd.s32 @!p1 s0, s15;
	s15 =	sand.u32 @!p1 $0xFFFFF80, s16;
	s16 =	spop @!p1 (v2sf)  }
0x262: {  	[tilespmem:s10], [sflag:$0x1] =	stream.strided.gather @!p1 [hbm4b:s5+s22], $0x1000, s18, s22, $0x38;
	[tilespmem:$0x11180] =	vst v63  }
0x263: {  	s5 =	sadd.s32 @!p1 s0, s15;
	s10 =	sand.u32 @!p1 $0xFFFFF80, s16;
	s15 =	spop @!p1 (v2sf)  }
0x264: {  	[tilespmem:s14], [sflag:$0x1] =	stream.strided.gather @!p1 [hbm4b:s5+s22], $0x1000, s18, s22, $0x38;
	[tilespmem:$0x11180] =	vst v63  }
0x265: {  	s5 =	sadd.s32 @!p1 s0, s10;
	s10 =	simm.s32 @!p1 $0x6700;
	s14 =	sand.u32 @!p1 $0xFFFFF80, s15  }
0x266: {  	[tilespmem:s10], [sflag:$0x1] =	stream.strided.gather @!p1 [hbm4b:s5+s22], $0x1000, s18, s22, $0x38;
	[tilespmem:$0x11180] =	vst v63  }
0x267: {  	s5 =	sadd.s32 @!p1 s0, s14;
	s10 =	simm.s32 @!p1 $0x7700  }
0x268: {  	[tilespmem:s10], [sflag:$0x1] =	stream.strided.gather @!p1 [hbm4b:s5+s22], $0x1000, s18, s22, $0x38;
	[tilespmem:$0x11180] =	vst v63  }
0x269: {  	s3 =	sadd.s32 @!p1 $0x510, s3;
	s5 =	simm.s32 @!p1 $0x8;
	s10 =	simm.s32 @!p1 $0x10700  }
0x26a: {  	[tilespmem:s10], [sflag:$0x1] =	stream.indirect.gather @!p1 [hbm4b:s4+s5], $0x80, s3, s5, $0xb8;
	[tilespmem:$0x11180] =	vst v63  }
0x26b: {  	_ =	swait.ge [sflag:s26], $0x1000  }
0x26c: {  	[sflag:s26] =	ssyncset.done $0x0  }
0x26d: {  	[sflag:s26] =	ssyncadd.s32 $0xFFFFF000  }
0x26e: {  	_ =	swait.ge [sflag:s26], $0x1000  }
0x26f: {  	[sflag:s26] =	ssyncset.done $0x0  }
0x270: {  	[sflag:s26] =	ssyncadd.s32 $0xFFFFF000  }
0x271: {  	_ =	swait.ge [sflag:s26], $0x1000  }
0x272: {  	[sflag:s26] =	ssyncset.done $0x0  }
0x273: {  	[sflag:s26] =	ssyncadd.s32 $0xFFFFF000  }
0x274: {  	_ =	swait.ge [sflag:s26], $0x1000  }
0x275: {  	[sflag:s26] =	ssyncset.done $0x0  }
0x276: {  	[sflag:s26] =	ssyncadd.s32 $0xFFFFF000  }
0x277: {  	_ =	swait.ge [sflag:s26], $0x1000  }
0x278: {  	[sflag:s26] =	ssyncset.done $0x0  }
0x279: {  	[sflag:s26] =	ssyncadd.s32 $0xFFFFF000  }
0x27a: {  	_ =	swait.ge [sflag:s26], $0x1000  }
0x27b: {  	[sflag:s26] =	ssyncset.done $0x0  }
0x27c: {  	[sflag:s26] =	ssyncadd.s32 $0xFFFFF000  }
0x27d: {  	_ =	swait.ge [sflag:s26], $0x1000  }
0x27e: {  	[sflag:s26] =	ssyncset.done $0x0  }
0x27f: {  	[sflag:s26] =	ssyncadd.s32 $0xFFFFF000  }
0x280: {  	_ =	swait.ge [sflag:s26], $0x1000  }
0x281: {  	[sflag:s26] =	ssyncset.done $0x0  }
0x282: {  	[sflag:s26] =	ssyncadd.s32 $0xFFFFF000  }
0x283: {  	_ =	swait.ge [sflag:s26], $0x400  }
0x284: {  	[sflag:s26] =	ssyncset.done $0x0  }
0x285: {  	[sflag:s26] =	ssyncadd.s32 $0xFFFFFC00  }
0x286: {  	v56 =	vld [tilespmem:s30+$0x8]  }
0x287: {  	v20 =	vld [tilespmem:$0x1FB10];
	_ =	sdelay $0x2  }
0x288: {  	v54 =	vld [tilespmem:s30+$0x288]  }
0x289: {  	v1 =	vand.u32 $0x7F, v56  }
0x28a: {  	v21 =	vor.u32 v20, v1;
	v20 =	vld [tilespmem:$0x1FF00];
	_ =	sdelay $0x2  }
0x28b: {  	v0 =	vshll.u32 v54, $0x5  }
0x28c: {  	v0 =	vand.u32 $0x60, v0  }
0x28d: {  	v23 =	vor.u32 v20, v0;
	v20 =	vld [tilespmem:$0x1FB20];
	_ =	sdelay $0x4  }
0x28e: {  	v24 =	vor.u32 v20, v1;
	v20 =	vld [tilespmem:$0x1FF10];
	_ =	sdelay $0x4  }
0x28f: {  	v25 =	vor.u32 v20, v0;
	v20 =	vld [tilespmem:$0x1FB30];
	_ =	sdelay $0x4  }
0x290: {  	v26 =	vor.u32 v20, v1;
	v20 =	vld [tilespmem:$0x1FF20];
	_ =	sdelay $0x4  }
0x291: {  	v27 =	vor.u32 v20, v0;
	v20 =	vld [tilespmem:$0x1FB40]  }
0x292: {  	v4 =	vld [tilespmem:$0x1FA80];
	_ =	sdelay $0x3  }
0x293: {  	v28 =	vor.u32 v20, v1;
	v20 =	vld [tilespmem:$0x1FF30]  }
0x294: {  	v4 =	vor.u32 v4, v1  }
0x295: {  	v10 =	vld [tilespmem:$0x1FAC0];
	v5 =	vor.u32 v55, v0;
	_ =	sdelay $0x2  }
0x296: {  	v29 =	vor.u32 v20, v0;
	v20 =	vld [tilespmem:$0x1FB50]  }
0x297: {  	v4 =	vld.idx.msk [tilespmem:v4+s13+$0x0], $0xffff  }
0x298: {  	v10 =	vor.u32 v10, v1;
	v5 =	vld.idx.msk [tilespmem:v5+s24+$0x0], $0xffff;
	_ =	sdelay $0x2  }
0x299: {  	v30 =	vor.u32 v20, v1;
	v20 =	vld [tilespmem:$0x1FF40]  }
0x29a: {  	v58 =	vld [tilespmem:$0x1FA90]  }
0x29b: {  	v4 =	vmul.f32 v5, v4;
	v5 =	vld.idx.msk [tilespmem:v10+s13+$0x0], $0xffff  }
0x29c: {  	v10 =	vld [tilespmem:$0x1FF80];
	_ =	sdelay $0x1  }
0x29d: {  	v31 =	vor.u32 v20, v0;
	v20 =	vld [tilespmem:$0x1FB60]  }
0x29e: {  	v2 =	vor.u32 v58, v1  }
0x29f: {  	v11 =	vld [tilespmem:$0x1FEC0];
	v3 =	vor.u32 v60, v0  }
0x2a0: {  	v43 =	vor.u32 v10, v0;
	v10 =	vld [tilespmem:$0x1FBC0]  }
0x2a1: {  	v12 =	vld [tilespmem:$0x1FAD0]  }
0x2a2: {  	v32 =	vor.u32 v20, v1;
	v20 =	vld [tilespmem:$0x1FF50]  }
0x2a3: {  	v2 =	vld.idx.msk [tilespmem:v2+s13+$0x0], $0xffff  }
0x2a4: {  	v11 =	vor.u32 v11, v0;
	v3 =	vld.idx.msk [tilespmem:v3+s24+$0x0], $0xffff  }
0x2a5: {  	v44 =	vor.u32 v10, v1;
	v10 =	vld [tilespmem:$0x1FF90];
	_ =	sdelay $0x1  }
0x2a6: {  	v33 =	vor.u32 v20, v0;
	v20 =	vld [tilespmem:$0x1FB70];
	_ =	sdelay $0x1  }
0x2a7: {  	v2 =	vmul.f32 v3, v2;
	v3 =	vld.idx.msk [tilespmem:v11+s24+$0x0], $0xffff  }
0x2a8: {  	v12 =	vor.u32 v12, v1;
	v11 =	vor.u32 v10, v0;
	v10 =	vld [tilespmem:$0x1FBD0]  }
0x2a9: {  	v6 =	vld [tilespmem:$0x1FAA0]  }
0x2aa: {  	v34 =	vor.u32 v20, v1;
	v20 =	vld [tilespmem:$0x1FFC0]  }
0x2ab: {  	v8 =	vld [tilespmem:$0x1FAB0]  }
0x2ac: {  	v13 =	vld [tilespmem:$0x1FED0]  }
0x2ad: {  	v45 =	vor.u32 v10, v1;
	v10 =	vld.idx.msk [tilespmem:v12+s13+$0x0], $0xffff  }
0x2ae: {  	v12 =	vld [tilespmem:$0x1FFA0]  }
0x2af: {  	v35 =	vor.u32 v20, v0;
	v20 =	vld [tilespmem:$0x1FB80]  }
0x2b0: {  	v14 =	vld [tilespmem:$0x1FAE0]  }
0x2b1: {  	v16 =	vld [tilespmem:$0x1FAF0];
	v6 =	vor.u32 v6, v1  }
0x2b2: {  	v18 =	vld [tilespmem:$0x1FB00];
	v8 =	vor.u32 v8, v1  }
0x2b3: {  	v46 =	vor.u32 v12, v0;
	v12 =	vld [tilespmem:$0x1FBE0]  }
0x2b4: {  	v36 =	vor.u32 v20, v1;
	v20 =	vld [tilespmem:$0x1FFD0]  }
0x2b5: {  	v49 =	vld [tilespmem:$0x1FDC0];
	v14 =	vor.u32 v14, v1  }
0x2b6: {  	v6 =	vld.idx.msk [tilespmem:v6+s13+$0x0], $0xffff  }
0x2b7: {  	v7 =	vor.u32 v59, v0;
	v8 =	vld.idx.msk [tilespmem:v8+s13+$0x0], $0xffff  }
0x2b8: {  	v47 =	vor.u32 v12, v1;
	v12 =	vld [tilespmem:$0x1FFB0]  }
0x2b9: {  	v37 =	vor.u32 v20, v0;
	v20 =	vld [tilespmem:$0x1FB90]  }
0x2ba: {  	v9 =	vor.u32 v62, v0;
	v63 =	vld.idx.msk [tilespmem:v14+s13+$0x0], $0xffff  }
0x2bb: {  	v19 =	vor.u32 v61, v0;
	v21 =	vld.idx.msk [tilespmem:v21+s13+$0x0], $0xffff  }
0x2bc: {  	v13 =	vor.u32 v13, v0;
	v7 =	vld.idx.msk [tilespmem:v7+s24+$0x0], $0xffff  }
0x2bd: {  	v48 =	vor.u32 v12, v0;
	v12 =	vld [tilespmem:$0x1FBF0]  }
0x2be: {  	v38 =	vor.u32 v20, v1;
	v20 =	vld [tilespmem:$0x1FFE0]  }
0x2bf: {  	v9 =	vld.idx.msk [tilespmem:v9+s24+$0x0], $0xffff  }
0x2c0: {  	v15 =	vor.u32 v53, v0;
	v19 =	vld.idx.msk [tilespmem:v19+s24+$0x0], $0xffff  }
0x2c1: {  	v6 =	vmul.f32 v7, v6;
	v7 =	vld.idx.msk [tilespmem:v13+s24+$0x0], $0xffff  }
0x2c2: {  	v13 =	vor.u32 v12, v1;
	v12 =	vld [tilespmem:$0x1FEE0]  }
0x2c3: {  	v2 =	vadd.f32 $0.0e+00, v2;
	v39 =	vor.u32 v20, v0;
	v20 =	vld [tilespmem:$0x1FBA0]  }
0x2c4: {  	v16 =	vor.u32 v16, v1;
	v23 =	vld.idx.msk [tilespmem:v23+s24+$0x0], $0xffff  }
0x2c5: {  	v2 =	vadd.f32 v4, v2;
	v4 =	vmul.f32 v9, v8;
	v8 =	vld.idx.msk [tilespmem:v15+s24+$0x0], $0xffff  }
0x2c6: {  	v9 =	vld [tilespmem:$0x1FC10]  }
0x2c7: {  	v50 =	vor.u32 v12, v0;
	v12 =	vld [tilespmem:$0x1FC00]  }
0x2c8: {  	v40 =	vor.u32 v20, v1;
	v20 =	vld [tilespmem:$0x1FFF0]  }
0x2c9: {  	v17 =	vor.u32 v57, v0;
	v15 =	vld.idx.msk [tilespmem:v16+s13+$0x0], $0xffff;
	v2 =	vadd.f32 v6, v2  }
0x2ca: {  	v18 =	vor.u32 v18, v1;
	v6 =	vld [tilespmem:$0x1FC30]  }
0x2cb: {  	v2 =	vadd.f32 v4, v2;
	v4 =	vld [tilespmem:$0x1FC50]  }
0x2cc: {  	v51 =	vor.u32 v12, v1;
	v12 =	vld [tilespmem:$0x1FDF0]  }
0x2cd: {  	v41 =	vor.u32 v20, v0;
	v20 =	vld [tilespmem:$0x1FBB0]  }
0x2ce: {  	v3 =	vmul.f32 v3, v5;
	v5 =	vld.idx.msk [tilespmem:v17+s24+$0x0], $0xffff  }
0x2cf: {  	v17 =	vld.idx.msk [tilespmem:v18+s13+$0x0], $0xffff  }
0x2d0: {  	v18 =	vor.u32 v4, v1;
	v4 =	vld [tilespmem:$0x1FE90]  }
0x2d1: {  	v52 =	vor.u32 v12, v0;
	v12 =	vld [tilespmem:$0x1FE10]  }
0x2d2: {  	v42 =	vor.u32 v20, v1;
	v20 =	vor.u32 v6, v1;
	v6 =	vld [tilespmem:$0x1FE50]  }
0x2d3: {  	v2 =	vadd.f32 v3, v2;
	v3 =	vmul.f32 v8, v63;
	v8 =	vld [tilespmem:$0x1FC80]  }
0x2d4: {  	v9 =	vor.u32 v9, v1;
	v63 =	vmul.f32 v5, v15;
	v5 =	vld.idx.msk [tilespmem:v25+s24+$0x0], $0xffff  }
0x2d5: {  	v14 =	vor.u32 v4, v0;
	v4 =	vld [tilespmem:$0x1FC60]  }
0x2d6: {  	v54 =	vor.u32 v12, v0;
	v12 =	vld [tilespmem:$0x1FC20]  }
0x2d7: {  	v22 =	vor.u32 v6, v0;
	v6 =	vld [tilespmem:$0x1FC40]  }
0x2d8: {  	v25 =	vld [tilespmem:$0x1FD20]  }
0x2d9: {  	v9 =	vld.idx.msk [tilespmem:v9+s13+$0x0], $0xffff  }
0x2da: {  	v7 =	vmul.f32 v7, v10;
	v10 =	vor.u32 v4, v1;
	v4 =	vld [tilespmem:$0x1FEB0]  }
0x2db: {  	v56 =	vor.u32 v12, v1;
	v12 =	vld [tilespmem:$0x1FE30]  }
0x2dc: {  	v16 =	vor.u32 v6, v1;
	v6 =	vld [tilespmem:$0x1FE70]  }
0x2dd: {  	v15 =	vld.idx.msk [tilespmem:v27+s24+$0x0], $0xffff  }
0x2de: {  	v27 =	vld [tilespmem:$0x1FCF0]  }
0x2df: {  	v13 =	vld.idx.msk [tilespmem:v13+s13+$0x0], $0xffff  }
0x2e0: {  	v8 =	vor.u32 v8, v0;
	v4 =	vor.u32 v4, v0;
	v52 =	vld.idx.msk [tilespmem:v52+s24+$0x0], $0xffff  }
0x2e1: {  	v58 =	vor.u32 v12, v0;
	v12 =	vor.u32 v6, v0;
	v6 =	vld [tilespmem:$0x1FC70];
	v0 =	vadd.f32 v7, v2  }
0x2e2: {  	v7 =	vld.idx.msk [tilespmem:v26+s13+$0x0], $0xffff  }
0x2e3: {  	v0 =	vadd.f32 v3, v0;
	v3 =	vmul.f32 v19, v17;
	v17 =	vld.idx.msk [tilespmem:v28+s13+$0x0], $0xffff  }
0x2e4: {  	v19 =	vld.idx.msk [tilespmem:v29+s24+$0x0], $0xffff  }
0x2e5: {  	v29 =	vld [tilespmem:$0x1FD10]  }
0x2e6: {  	v0 =	vadd.f32 v63, v0;
	v63 =	vmul.f32 v23, v21;
	v23 =	vld [tilespmem:$0x1FD00]  }
0x2e7: {  	v21 =	vld.idx.msk [tilespmem:v30+s13+$0x0], $0xffff  }
0x2e8: {  	v6 =	vor.u32 v6, v1;
	v1 =	vld.idx.msk [tilespmem:v24+s13+$0x0], $0xffff  }
0x2e9: {  	v2 =	vmul.f32 v15, v7;
	v7 =	vld.idx.msk [tilespmem:v33+s24+$0x0], $0xffff  }
0x2ea: {  	v33 =	vld [tilespmem:$0x1FD40]  }
0x2eb: {  	v15 =	vld.idx.msk [tilespmem:v34+s13+$0x0], $0xffff  }
0x2ec: {  	v34 =	vld.idx.msk [tilespmem:v39+s24+$0x0], $0xffff  }
0x2ed: {  	s3 =	sshra.s32 s31, $0x2;
	v39 =	vld [tilespmem:$0x1FD70]  }
0x2ee: {  	v24 =	vld [tilespmem:s3+$0x8]  }
0x2ef: {  	v0 =	vadd.f32 v3, v0;
	v3 =	vld.idx.msk [tilespmem:v31+s24+$0x0], $0xffff  }
0x2f0: {  	v31 =	vld [tilespmem:$0x1FD30]  }
0x2f1: {  	v0 =	vadd.f32 v63, v0;
	v63 =	vmul.f32 v19, v17;
	v17 =	vld.idx.msk [tilespmem:v35+s24+$0x0], $0xffff  }
0x2f2: {  	v19 =	vld.idx.msk [tilespmem:v36+s13+$0x0], $0xffff  }
0x2f3: {  	v1 =	vmul.f32 v5, v1;
	v5 =	vld.idx.msk [tilespmem:v32+s13+$0x0], $0xffff  }
0x2f4: {  	v32 =	vld.idx.msk [tilespmem:v37+s24+$0x0], $0xffff  }
0x2f5: {  	v3 =	vmul.f32 v3, v21;
	v21 =	vld.idx.msk [tilespmem:v38+s13+$0x0], $0xffff;
	v0 =	vadd.f32 v1, v0  }
0x2f6: {  	v35 =	vld [tilespmem:$0x1FD50]  }
0x2f7: {  	v37 =	vld [tilespmem:$0x1FD60];
	v0 =	vadd.f32 v2, v0  }
0x2f8: {  	v5 =	vmul.f32 v7, v5;
	v7 =	vld.idx.msk [tilespmem:v40+s13+$0x0], $0xffff  }
0x2f9: {  	v2 =	vmul.f32 v32, v19;
	v19 =	vld.idx.msk [tilespmem:v44+s13+$0x0], $0xffff;
	v0 =	vadd.f32 v63, v0  }
0x2fa: {  	v1 =	vmul.f32 v34, v21;
	v21 =	vld [tilespmem:$0x1FCE0]  }
0x2fb: {  	v0 =	vadd.f32 v3, v0;
	v3 =	vmul.f32 v17, v15;
	v15 =	vld.idx.msk [tilespmem:v41+s24+$0x0], $0xffff  }
0x2fc: {  	v41 =	vld [tilespmem:$0x1FD80]  }
0x2fd: {  	v17 =	vld.idx.msk [tilespmem:v42+s13+$0x0], $0xffff;
	v0 =	vadd.f32 v5, v0  }
0x2fe: {  	v42 =	vld.idx.msk [tilespmem:v45+s13+$0x0], $0xffff  }
0x2ff: {  	v45 =	vld [tilespmem:$0x1FDA0];
	v0 =	vadd.f32 v3, v0  }
0x300: {  	v5 =	vld.idx.msk [tilespmem:v43+s24+$0x0], $0xffff  }
0x301: {  	v43 =	vld [tilespmem:$0x1FD90];
	v0 =	vadd.f32 v2, v0  }
0x302: {  	v3 =	vld.idx.msk [tilespmem:v11+s24+$0x0], $0xffff  }
0x303: {  	v11 =	vld.idx.msk [tilespmem:v46+s24+$0x0], $0xffff;
	v7 =	vmul.f32 v15, v7;
	v0 =	vadd.f32 v1, v0  }
0x304: {  	v15 =	vld.idx.msk [tilespmem:v47+s13+$0x0], $0xffff  }
0x305: {  	v47 =	vld [tilespmem:$0x1FDB0];
	v46 =	vmul.f32 v5, v17;
	v0 =	vadd.f32 v7, v0  }
0x306: {  	v5 =	vld.idx.msk [tilespmem:v48+s24+$0x0], $0xffff  }
0x307: {  	v17 =	vld.idx.msk [tilespmem:v51+s13+$0x0], $0xffff;
	v3 =	vmul.f32 v3, v19;
	v0 =	vadd.f32 v46, v0  }
0x308: {  	v7 =	vld.idx.msk [tilespmem:v50+s24+$0x0], $0xffff  }
0x309: {  	v51 =	vld [tilespmem:$0x1FDD0];
	v50 =	vmul.f32 v11, v42;
	v0 =	vadd.f32 v3, v0  }
0x30a: {  	v11 =	vld.idx.msk [tilespmem:v56+s13+$0x0], $0xffff  }
0x30b: {  	v56 =	vld.idx.msk [tilespmem:v58+s24+$0x0], $0xffff;
	v3 =	vmul.f32 v5, v15;
	v0 =	vadd.f32 v50, v0  }
0x30c: {  	v5 =	vld.idx.msk [tilespmem:v54+s24+$0x0], $0xffff  }
0x30d: {  	v7 =	vmul.f32 v7, v13;
	v13 =	vld.idx.msk [tilespmem:v22+s24+$0x0], $0xffff;
	v0 =	vadd.f32 v3, v0  }
0x30e: {  	v3 =	vld.idx.msk [tilespmem:v20+s13+$0x0], $0xffff  }
0x30f: {  	v58 =	vld.idx.msk [tilespmem:v18+s13+$0x0], $0xffff;
	v2 =	vmul.f32 v52, v17;
	v0 =	vadd.f32 v7, v0  }
0x310: {  	v1 =	vmul.f32 v56, v11;
	v11 =	vld.idx.msk [tilespmem:v14+s24+$0x0], $0xffff  }
0x311: {  	v5 =	vmul.f32 v5, v9;
	v9 =	vld.idx.msk [tilespmem:v12+s24+$0x0], $0xffff;
	v0 =	vadd.f32 v2, v0  }
0x312: {  	v7 =	vld.idx.msk [tilespmem:v16+s13+$0x0], $0xffff  }
0x313: {  	s1 =	sadd.s32 $0x40, s1;
	(v2sf) =	vpush v24, $0x0;
	v3 =	vmul.f32 v13, v3;
	v13 =	vld.idx.msk [tilespmem:v4+s24+$0x0], $0xffff;
	v0 =	vadd.f32 v5, v0  }
0x314: {  	p0 =	sne.s32 s1, $0x800;
	(v2sf) =	vpush v24, $0x1;
	v5 =	vld.idx.msk [tilespmem:v10+s13+$0x0], $0xffff  }
.Ltmp1:
0x315: {  	(v2sf) =	vpush v24, $0x2;
	v19 =	vld [tilespmem:$0x1FCD0];
	v0 =	vadd.f32 v1, v0;
	(pc) =	sbr.rel @p0 .LBB2_4-.Ltmp1, $4  }
0x316: {  	(v2sf) =	vpush v24, $0x3;
	v17 =	vld [tilespmem:$0x1FCB0]  }
0x317: {  	(v2sf) =	vpush v24, $0x4;
	v15 =	vld [tilespmem:$0x1FCC0];
	v63 =	vmul.f32 v9, v7;
	v0 =	vadd.f32 v3, v0  }
0x318: {  	(v2sf) =	vpush v24, $0x5;
	v4 =	vld.idx.msk [tilespmem:v6+s13+$0x0], $0xffff  }
0x319: {  	v6 =	vld.idx.msk [tilespmem:v8+s24+$0x0], $0xffff;
	v10 =	vmul.f32 v11, v58;
	v8 =	vmul.f32 v13, v5;
	v12 =	vadd.f32 v63, v0  }
0x31a: {  	_ =	sdelay $0x3  }
0x31b: {  	(v2sf) =	vpush v24, $0x6;
	v0 =	vadd.f32 v10, v12;
	_ =	sdelay $0x1  }
0x31c: {  	s1 =	rddreg [dreg:$0x6];
	v0 =	vadd.f32 v8, v0;
	v1 =	vmul.f32 v6, v4  }
0x31d: {  	s14 =	rddreg [dreg:$0x7]  }
0x31e: {  	s19 =	rddreg [dreg:$0x8];
	v0 =	vadd.f32 v1, v0;
	s5 =	spop (v2sf);
	(v2sf) =	vpush v24, $0x7  }
0x31f: {  	s28 =	rddreg [dreg:$0x9]  }
0x320: {  	[tilespmem:s30+$0x10F08] =	vst v0;
	s30 =	rddreg [dreg:$0xa];
	s5 =	sand.u32 $0xFFFFF80, s5;
	s10 =	spop (v2sf)  }
0x321: {  	s5 =	sadd.s32 s0, s5;
	s10 =	sand.u32 $0xFFFFF80, s10;
	s20 =	spop (v2sf)  }
0x322: {  	[tilespmem:s1], [sflag:$0x2] =	stream.strided.gather [hbm4b:s5+s12], $0x1000, s11, s12, $0x38;
	[tilespmem:$0x11180] =	vst v63  }
0x323: {  	s10 =	sadd.s32 s0, s10;
	s5 =	sand.u32 $0xFFFFF80, s20;
	s22 =	spop (v2sf)  }
0x324: {  	[tilespmem:s14], [sflag:$0x2] =	stream.strided.gather [hbm4b:s10+s12], $0x1000, s11, s12, $0x38;
	[tilespmem:$0x11180] =	vst v63  }
0x325: {  	s5 =	sadd.s32 s0, s5;
	s15 =	spop (v2sf);
	s10 =	sand.u32 $0xFFFFF80, s22  }
0x326: {  	[tilespmem:s19], [sflag:$0x2] =	stream.strided.gather [hbm4b:s5+s12], $0x1000, s11, s12, $0x38;
	[tilespmem:$0x11180] =	vst v63  }
0x327: {  	s16 =	spop (v2sf);
	s10 =	sadd.s32 s0, s10;
	s5 =	sand.u32 $0xFFFFF80, s15  }
0x328: {  	[tilespmem:s28], [sflag:$0x2] =	stream.strided.gather [hbm4b:s10+s12], $0x1000, s11, s12, $0x38;
	[tilespmem:$0x11180] =	vst v63  }
0x329: {  	s19 =	spop (v2sf);
	s5 =	sadd.s32 s0, s5;
	s10 =	sand.u32 $0xFFFFF80, s16  }
0x32a: {  	[tilespmem:s30], [sflag:$0x2] =	stream.strided.gather [hbm4b:s5+s12], $0x1000, s11, s12, $0x38;
	[tilespmem:$0x11180] =	vst v63  }
0x32b: {  	s17 =	rddreg [dreg:$0xb];
	s10 =	sadd.s32 s0, s10;
	s5 =	sand.u32 $0xFFFFF80, s19  }
0x32c: {  	[tilespmem:s17], [sflag:$0x2] =	stream.strided.gather [hbm4b:s10+s12], $0x1000, s11, s12, $0x38;
	[tilespmem:$0x11180] =	vst v63  }
0x32d: {  	s18 =	rddreg [dreg:$0xc];
	s5 =	sadd.s32 s0, s5;
	s20 =	spop (v2sf)  }
0x32e: {  	[tilespmem:s18], [sflag:$0x2] =	stream.strided.gather [hbm4b:s5+s12], $0x1000, s11, s12, $0x38;
	[tilespmem:$0x11180] =	vst v63  }
0x32f: {  	s10 =	sand.u32 $0xFFFFF80, s20  }
0x330: {  	s22 =	rddreg [dreg:$0xd];
	s28 =	sadd.s32 s0, s10  }
0x331: {  	[tilespmem:s22], [sflag:$0x2] =	stream.strided.gather [hbm4b:s28+s12], $0x1000, s11, s12, $0x38;
	[tilespmem:$0x11180] =	vst v63  }
0x332: {  	s30 =	sadd.s32 $0x508, s3  }
0x333: {  	[tilespmem:s24], [sflag:$0x2] =	stream.indirect.gather [hbm4b:s4+s21], $0x80, s30, s21, $0xb8;
	[tilespmem:$0x11180] =	vst v63  }
0x334: {  	_ =	swait.ge [sflag:s25], $0x1000  }
0x335: {  	[sflag:s25] =	ssyncset.done $0x0  }
0x336: {  	[sflag:s25] =	ssyncadd.s32 $0xFFFFF000  }
0x337: {  	_ =	swait.ge [sflag:s25], $0x1000  }
0x338: {  	[sflag:s25] =	ssyncset.done $0x0  }
0x339: {  	[sflag:s25] =	ssyncadd.s32 $0xFFFFF000  }
0x33a: {  	_ =	swait.ge [sflag:s25], $0x1000  }
0x33b: {  	[sflag:s25] =	ssyncset.done $0x0  }
0x33c: {  	[sflag:s25] =	ssyncadd.s32 $0xFFFFF000  }
0x33d: {  	_ =	swait.ge [sflag:s25], $0x1000  }
0x33e: {  	[sflag:s25] =	ssyncset.done $0x0  }
0x33f: {  	[sflag:s25] =	ssyncadd.s32 $0xFFFFF000  }
0x340: {  	_ =	swait.ge [sflag:s25], $0x1000  }
0x341: {  	[sflag:s25] =	ssyncset.done $0x0  }
0x342: {  	[sflag:s25] =	ssyncadd.s32 $0xFFFFF000  }
0x343: {  	_ =	swait.ge [sflag:s25], $0x1000  }
0x344: {  	[sflag:s25] =	ssyncset.done $0x0  }
0x345: {  	[sflag:s25] =	ssyncadd.s32 $0xFFFFF000  }
0x346: {  	_ =	swait.ge [sflag:s25], $0x1000  }
0x347: {  	[sflag:s25] =	ssyncset.done $0x0  }
0x348: {  	[sflag:s25] =	ssyncadd.s32 $0xFFFFF000  }
0x349: {  	_ =	swait.ge [sflag:s25], $0x1000  }
0x34a: {  	[sflag:s25] =	ssyncset.done $0x0  }
0x34b: {  	[sflag:s25] =	ssyncadd.s32 $0xFFFFF000  }
0x34c: {  	_ =	swait.ge [sflag:s25], $0x400  }
0x34d: {  	v14 =	vld [tilespmem:$0x1FEC0]  }
0x34e: {  	v50 =	vld [tilespmem:$0x1FED0]  }
0x34f: {  	v34 =	vld [tilespmem:$0x1FF00]  }
0x350: {  	v24 =	vld [tilespmem:$0x1FF10]  }
0x351: {  	v30 =	vld [tilespmem:$0x1FF20]  }
0x352: {  	[sflag:s25] =	ssyncset.done $0x0;
	v58 =	vld [tilespmem:$0x1FF30]  }
0x353: {  	v54 =	vld [tilespmem:$0x1FF40];
	[sflag:s25] =	ssyncadd.s32 $0xFFFFFC00  }
0x354: {  	v0 =	vld [tilespmem:s3+$0x280]  }
0x355: {  	v1 =	vld [tilespmem:s3+$0x0]  }
0x356: {  	v42 =	vld [tilespmem:$0x1FF50]  }
0x357: {  	v36 =	vld [tilespmem:$0x1FFC0]  }
0x358: {  	v38 =	vld [tilespmem:$0x1FFD0]  }
0x359: {  	v40 =	vld [tilespmem:$0x1FFE0]  }
0x35a: {  	v44 =	vld [tilespmem:$0x1FFF0];
	v0 =	vshll.u32 v0, $0x5;
	v46 =	vand.u32 $0x7F, v1  }
0x35b: {  	v26 =	vld [tilespmem:$0x1FF80];
	v48 =	vand.u32 $0x60, v0;
	v1 =	vor.u32 v15, v46  }
0x35c: {  	v20 =	vld [tilespmem:$0x1FF90];
	v0 =	vor.u32 v60, v48  }
0x35d: {  	v52 =	vld [tilespmem:$0x1FFA0];
	v2 =	vor.u32 v17, v46  }
0x35e: {  	v56 =	vld [tilespmem:$0x1FFB0];
	v3 =	vor.u32 v55, v48  }
0x35f: {  	v13 =	vld [tilespmem:$0x1FA70];
	v5 =	vor.u32 v19, v46  }
0x360: {  	v4 =	vor.u32 v59, v48;
	v1 =	vld.idx.msk [tilespmem:v1+s13+$0x0], $0xffff  }
0x361: {  	v7 =	vor.u32 v27, v46;
	v0 =	vld.idx.msk [tilespmem:v0+s23+$0x0], $0xffff  }
0x362: {  	v6 =	vor.u32 v62, v48;
	v2 =	vld.idx.msk [tilespmem:v2+s13+$0x0], $0xffff  }
0x363: {  	v9 =	vor.u32 v21, v46;
	v3 =	vld.idx.msk [tilespmem:v3+s23+$0x0], $0xffff  }
0x364: {  	v8 =	vor.u32 v14, v48;
	v5 =	vld.idx.msk [tilespmem:v5+s13+$0x0], $0xffff  }
0x365: {  	v11 =	vor.u32 v23, v46;
	v4 =	vld.idx.msk [tilespmem:v4+s23+$0x0], $0xffff  }
0x366: {  	v10 =	vor.u32 v50, v48;
	v7 =	vld.idx.msk [tilespmem:v7+s13+$0x0], $0xffff;
	v0 =	vmul.f32 v0, v1  }
0x367: {  	v12 =	vor.u32 v25, v46;
	v6 =	vld.idx.msk [tilespmem:v6+s23+$0x0], $0xffff  }
0x368: {  	v9 =	vld.idx.msk [tilespmem:v9+s13+$0x0], $0xffff;
	v1 =	vor.u32 v53, v48;
	v2 =	vmul.f32 v3, v2;
	v0 =	vadd.f32 $0.0e+00, v0  }
0x369: {  	v3 =	vld.idx.msk [tilespmem:v8+s23+$0x0], $0xffff;
	v8 =	vor.u32 v57, v48  }
0x36a: {  	v11 =	vld.idx.msk [tilespmem:v11+s13+$0x0], $0xffff;
	v4 =	vmul.f32 v4, v5;
	v0 =	vadd.f32 v2, v0;
	v2 =	vor.u32 v29, v46  }
0x36b: {  	v10 =	vld.idx.msk [tilespmem:v10+s23+$0x0], $0xffff;
	v5 =	vor.u32 v61, v48  }
0x36c: {  	v12 =	vld.idx.msk [tilespmem:v12+s13+$0x0], $0xffff;
	v6 =	vmul.f32 v6, v7;
	v0 =	vadd.f32 v4, v0;
	v4 =	vor.u32 v31, v46  }
0x36d: {  	v7 =	vor.u32 v34, v48;
	v1 =	vld.idx.msk [tilespmem:v1+s23+$0x0], $0xffff  }
0x36e: {  	v8 =	vld.idx.msk [tilespmem:v8+s23+$0x0], $0xffff;
	v3 =	vmul.f32 v3, v9;
	v0 =	vadd.f32 v6, v0;
	v6 =	vor.u32 v33, v46  }
0x36f: {  	v9 =	vor.u32 v24, v48;
	v2 =	vld.idx.msk [tilespmem:v2+s13+$0x0], $0xffff  }
0x370: {  	v10 =	vmul.f32 v10, v11;
	v5 =	vld.idx.msk [tilespmem:v5+s23+$0x0], $0xffff;
	v0 =	vadd.f32 v3, v0;
	v3 =	vor.u32 v35, v46  }
0x371: {  	v11 =	vor.u32 v30, v48;
	v4 =	vld.idx.msk [tilespmem:v4+s13+$0x0], $0xffff  }
0x372: {  	v7 =	vld.idx.msk [tilespmem:v7+s23+$0x0], $0xffff;
	v1 =	vmul.f32 v1, v12;
	v12 =	vor.u32 v58, v48;
	v0 =	vadd.f32 v10, v0  }
0x373: {  	v10 =	vor.u32 v37, v46;
	v6 =	vld.idx.msk [tilespmem:v6+s13+$0x0], $0xffff  }
0x374: {  	v9 =	vld.idx.msk [tilespmem:v9+s23+$0x0], $0xffff;
	v0 =	vadd.f32 v1, v0;
	v1 =	vor.u32 v39, v46;
	v2 =	vmul.f32 v8, v2  }
0x375: {  	v8 =	vor.u32 v54, v48;
	v3 =	vld.idx.msk [tilespmem:v3+s13+$0x0], $0xffff  }
0x376: {  	v11 =	vld.idx.msk [tilespmem:v11+s23+$0x0], $0xffff;
	v0 =	vadd.f32 v2, v0;
	v2 =	vor.u32 v41, v46;
	v4 =	vmul.f32 v5, v4  }
0x377: {  	v12 =	vld.idx.msk [tilespmem:v12+s23+$0x0], $0xffff;
	v5 =	vor.u32 v42, v48  }
0x378: {  	v10 =	vld.idx.msk [tilespmem:v10+s13+$0x0], $0xffff;
	v0 =	vadd.f32 v4, v0;
	v4 =	vor.u32 v43, v46;
	v6 =	vmul.f32 v7, v6  }
0x379: {  	v7 =	vor.u32 v36, v48;
	v1 =	vld.idx.msk [tilespmem:v1+s13+$0x0], $0xffff  }
0x37a: {  	v8 =	vld.idx.msk [tilespmem:v8+s23+$0x0], $0xffff;
	v0 =	vadd.f32 v6, v0;
	v6 =	vor.u32 v45, v46;
	v3 =	vmul.f32 v9, v3  }
0x37b: {  	v9 =	vor.u32 v38, v48;
	v2 =	vld.idx.msk [tilespmem:v2+s13+$0x0], $0xffff  }
0x37c: {  	v5 =	vld.idx.msk [tilespmem:v5+s23+$0x0], $0xffff;
	v0 =	vadd.f32 v3, v0;
	v3 =	vor.u32 v47, v46  }
0x37d: {  	v10 =	vmul.f32 v11, v10;
	v11 =	vor.u32 v40, v48;
	v4 =	vld.idx.msk [tilespmem:v4+s13+$0x0], $0xffff  }
0x37e: {  	v7 =	vld.idx.msk [tilespmem:v7+s23+$0x0], $0xffff  }
0x37f: {  	v0 =	vadd.f32 v10, v0;
	v10 =	vor.u32 v49, v46;
	v1 =	vmul.f32 v12, v1;
	v6 =	vld.idx.msk [tilespmem:v6+s13+$0x0], $0xffff  }
0x380: {  	v12 =	vor.u32 v44, v48;
	v9 =	vld.idx.msk [tilespmem:v9+s23+$0x0], $0xffff  }
0x381: {  	v0 =	vadd.f32 v1, v0;
	v2 =	vmul.f32 v8, v2;
	v3 =	vld.idx.msk [tilespmem:v3+s13+$0x0], $0xffff  }
0x382: {  	v1 =	vor.u32 v51, v46;
	v11 =	vld.idx.msk [tilespmem:v11+s23+$0x0], $0xffff  }
0x383: {  	v8 =	vor.u32 v26, v48;
	v0 =	vadd.f32 v2, v0;
	v2 =	vld [tilespmem:$0x1FEF0]  }
0x384: {  	v4 =	vmul.f32 v5, v4;
	v10 =	vld.idx.msk [tilespmem:v10+s13+$0x0], $0xffff  }
0x385: {  	v5 =	vor.u32 v20, v48;
	v12 =	vld.idx.msk [tilespmem:v12+s23+$0x0], $0xffff  }
0x386: {  	v0 =	vadd.f32 v4, v0;
	v4 =	vld [tilespmem:$0x1FF60]  }
0x387: {  	v6 =	vmul.f32 v7, v6;
	v1 =	vld.idx.msk [tilespmem:v1+s13+$0x0], $0xffff  }
0x388: {  	v7 =	vor.u32 v52, v48;
	v8 =	vld.idx.msk [tilespmem:v8+s23+$0x0], $0xffff  }
0x389: {  	v0 =	vadd.f32 v6, v0;
	v6 =	vld [tilespmem:$0x1FF70];
	v3 =	vmul.f32 v9, v3  }
0x38a: {  	v5 =	vld.idx.msk [tilespmem:v5+s23+$0x0], $0xffff  }
0x38b: {  	v2 =	vor.u32 v2, v46;
	v0 =	vadd.f32 v3, v0;
	v3 =	vld [tilespmem:$0x1FC90]  }
0x38c: {  	v9 =	vor.u32 v56, v48;
	v10 =	vmul.f32 v11, v10;
	v11 =	vld [tilespmem:$0x1FEE0]  }
0x38d: {  	v7 =	vld.idx.msk [tilespmem:v7+s23+$0x0], $0xffff  }
0x38e: {  	v4 =	vor.u32 v4, v46;
	v0 =	vadd.f32 v10, v0;
	v10 =	vld [tilespmem:$0x1FCA0]  }
0x38f: {  	v1 =	vmul.f32 v12, v1;
	v12 =	vld [tilespmem:$0x1FDF0];
	v6 =	vor.u32 v6, v46  }
0x390: {  	v2 =	vld.idx.msk [tilespmem:v2+s13+$0x0], $0xffff  }
0x391: {  	v9 =	vld.idx.msk [tilespmem:v9+s23+$0x0], $0xffff;
	v3 =	vor.u32 v3, v46  }
0x392: {  	v0 =	vadd.f32 v1, v0;
	v1 =	vld [tilespmem:$0x1FDE0];
	v11 =	vor.u32 v11, v48  }
0x393: {  	v4 =	vld.idx.msk [tilespmem:v4+s13+$0x0], $0xffff  }
0x394: {  	v6 =	vld.idx.msk [tilespmem:v6+s13+$0x0], $0xffff  }
0x395: {  	v10 =	vor.u32 v10, v46;
	v2 =	vmul.f32 v8, v2;
	v8 =	vld [tilespmem:$0x1FE00]  }
0x396: {  	v12 =	vor.u32 v12, v48;
	v3 =	vld.idx.msk [tilespmem:v3+s13+$0x0], $0xffff  }
0x397: {  	v11 =	vld.idx.msk [tilespmem:v11+s23+$0x0], $0xffff  }
0x398: {  	v0 =	vadd.f32 v2, v0;
	v2 =	vld [tilespmem:$0x1FE10]  }
0x399: {  	v1 =	vor.u32 v1, v46;
	v4 =	vmul.f32 v5, v4;
	v5 =	vld [tilespmem:$0x1FE30]  }
0x39a: {  	v10 =	vld.idx.msk [tilespmem:v10+s13+$0x0], $0xffff  }
0x39b: {  	v12 =	vld.idx.msk [tilespmem:v12+s23+$0x0], $0xffff  }
0x39c: {  	v0 =	vadd.f32 v4, v0;
	v4 =	vld [tilespmem:$0x1FE20]  }
0x39d: {  	v6 =	vmul.f32 v7, v6;
	v7 =	vld [tilespmem:$0x1FE50]  }
0x39e: {  	v8 =	vor.u32 v8, v46;
	v1 =	vld.idx.msk [tilespmem:v1+s13+$0x0], $0xffff  }
0x39f: {  	v0 =	vadd.f32 v6, v0;
	v6 =	vld [tilespmem:$0x1FE40];
	v3 =	vmul.f32 v9, v3;
	v2 =	vor.u32 v2, v48  }
0x3a0: {  	v9 =	vld [tilespmem:$0x1FE70]  }
0x3a1: {  	v0 =	vadd.f32 v3, v0;
	v3 =	vld [tilespmem:$0x1FE60]  }
0x3a2: {  	v5 =	vor.u32 v5, v48;
	v10 =	vmul.f32 v11, v10;
	v11 =	vld [tilespmem:$0x1FE90]  }
0x3a3: {  	v4 =	vor.u32 v4, v46;
	v8 =	vld.idx.msk [tilespmem:v8+s13+$0x0], $0xffff  }
0x3a4: {  	v2 =	vld.idx.msk [tilespmem:v2+s23+$0x0], $0xffff  }
0x3a5: {  	v0 =	vadd.f32 v10, v0;
	v10 =	vld [tilespmem:$0x1FE80];
	v9 =	vor.u32 v9, v48  }
0x3a6: {  	v1 =	vmul.f32 v12, v1;
	v12 =	vld [tilespmem:$0x1FEB0]  }
0x3a7: {  	v7 =	vor.u32 v7, v48;
	v5 =	vld.idx.msk [tilespmem:v5+s23+$0x0], $0xffff  }
0x3a8: {  	v6 =	vor.u32 v6, v46;
	v4 =	vld.idx.msk [tilespmem:v4+s13+$0x0], $0xffff  }
0x3a9: {  	v0 =	vadd.f32 v1, v0;
	v1 =	vmul.f32 v2, v8;
	v2 =	vld [tilespmem:$0x1FEA0]  }
0x3aa: {  	v3 =	vor.u32 v3, v46;
	v8 =	vld.idx.msk [tilespmem:v9+s23+$0x0], $0xffff  }
0x3ab: {  	v11 =	vor.u32 v11, v48;
	v9 =	vld [tilespmem:$0x1FC80]  }
0x3ac: {  	v7 =	vld.idx.msk [tilespmem:v7+s23+$0x0], $0xffff;
	v10 =	vor.u32 v10, v46  }
0x3ad: {  	v12 =	vor.u32 v12, v48;
	v6 =	vld.idx.msk [tilespmem:v6+s13+$0x0], $0xffff  }
0x3ae: {  	v2 =	vor.u32 v2, v46  }
0x3af: {  	v13 =	vor.u32 v13, v46;
	v3 =	vld.idx.msk [tilespmem:v3+s13+$0x0], $0xffff  }
0x3b0: {  	v0 =	vadd.f32 v1, v0;
	v1 =	vmul.f32 v5, v4;
	v4 =	vld.idx.msk [tilespmem:v11+s23+$0x0], $0xffff;
	v9 =	vor.u32 v9, v48  }
0x3b1: {  	v5 =	vld.idx.msk [tilespmem:v10+s13+$0x0], $0xffff  }
0x3b2: {  	v0 =	vadd.f32 v1, v0;
	v1 =	vmul.f32 v7, v6;
	v6 =	vld.idx.msk [tilespmem:v12+s23+$0x0], $0xffff  }
0x3b3: {  	v2 =	vld.idx.msk [tilespmem:v2+s13+$0x0], $0xffff  }
0x3b4: {  	v7 =	vld.idx.msk [tilespmem:v13+s13+$0x0], $0xffff;
	v0 =	vadd.f32 v1, v0;
	v1 =	vmul.f32 v8, v3  }
0x3b5: {  	v3 =	vld.idx.msk [tilespmem:v9+s23+$0x0], $0xffff  }
0x3b6: {  	v0 =	vadd.f32 v1, v0;
	v1 =	vmul.f32 v4, v5;
	_ =	sdelay $0x1  }
0x3b7: {  	v0 =	vadd.f32 v1, v0;
	v1 =	vmul.f32 v6, v2;
	_ =	sdelay $0x1  }
0x3b8: {  	v0 =	vadd.f32 v1, v0;
	v1 =	vmul.f32 v3, v7;
	_ =	sdelay $0x1  }
0x3b9: {  	v0 =	vadd.f32 v1, v0  }
0x3ba: {  	p0 =	seq.s32 s31, $0x7C0  }
0x3bb: {  	s1 =	sshra.s32 @!p0 s31, $0x2;
	[tilespmem:s3+$0x10F00] =	vst v0  }
0x3bc: {  	v0 =	vld @!p0 [tilespmem:s1+$0x10];
	_ =	sdelay $0x4  }
0x3bd: {  	(v2sf) =	vpush @!p0 v0, $0x0;
	_ =	sdelay $0x3  }
0x3be: {  	(v2sf) =	vpush @!p0 v0, $0x1;
	_ =	sdelay $0x3  }
0x3bf: {  	(v2sf) =	vpush @!p0 v0, $0x2;
	_ =	sdelay $0x3  }
0x3c0: {  	(v2sf) =	vpush @!p0 v0, $0x3;
	_ =	sdelay $0x2  }
0x3c1: {  	s5 =	spop @!p0 (v2sf)  }
0x3c2: {  	s14 =	simm.s32 @!p0 $0x700;
	(v2sf) =	vpush @!p0 v0, $0x4;
	s5 =	sand.u32 @!p0 $0xFFFFF80, s5  }
0x3c3: {  	s15 =	simm.s32 @!p0 $0x400;
	s10 =	simm.s32 @!p0 $0x7A1400;
	s5 =	sadd.s32 @!p0 s0, s5  }
0x3c4: {  	[tilespmem:s14], [sflag:$0x1] =	stream.strided.gather @!p0 [hbm4b:s5+s15], $0x1000, s10, s15, $0x38;
	[tilespmem:$0x11180] =	vst v63  }
0x3c5: {  	s5 =	spop @!p0 (v2sf)  }
0x3c6: {  	(v2sf) =	vpush @!p0 v0, $0x5;
	s5 =	sand.u32 @!p0 $0xFFFFF80, s5  }
0x3c7: {  	s14 =	simm.s32 @!p0 $0x1700;
	s5 =	sadd.s32 @!p0 s0, s5  }
0x3c8: {  	[tilespmem:s14], [sflag:$0x1] =	stream.strided.gather @!p0 [hbm4b:s5+s15], $0x1000, s10, s15, $0x38;
	[tilespmem:$0x11180] =	vst v63  }
0x3c9: {  	s5 =	spop @!p0 (v2sf)  }
0x3ca: {  	(v2sf) =	vpush @!p0 v0, $0x6;
	s5 =	sand.u32 @!p0 $0xFFFFF80, s5  }
0x3cb: {  	s14 =	simm.s32 @!p0 $0x2700;
	s5 =	sadd.s32 @!p0 s0, s5  }
0x3cc: {  	[tilespmem:s14], [sflag:$0x1] =	stream.strided.gather @!p0 [hbm4b:s5+s15], $0x1000, s10, s15, $0x38;
	[tilespmem:$0x11180] =	vst v63  }
0x3cd: {  	s5 =	spop @!p0 (v2sf)  }
0x3ce: {  	(v2sf) =	vpush @!p0 v0, $0x7;
	s5 =	sand.u32 @!p0 $0xFFFFF80, s5  }
0x3cf: {  	s14 =	simm.s32 @!p0 $0x3700;
	s5 =	sadd.s32 @!p0 s0, s5  }
0x3d0: {  	[tilespmem:s14], [sflag:$0x1] =	stream.strided.gather @!p0 [hbm4b:s5+s15], $0x1000, s10, s15, $0x38;
	[tilespmem:$0x11180] =	vst v63  }
0x3d1: {  	s5 =	spop @!p0 (v2sf)  }
0x3d2: {  	s5 =	sand.u32 @!p0 $0xFFFFF80, s5  }
0x3d3: {  	s14 =	simm.s32 @!p0 $0x4700;
	s5 =	sadd.s32 @!p0 s0, s5  }
0x3d4: {  	[tilespmem:s14], [sflag:$0x1] =	stream.strided.gather @!p0 [hbm4b:s5+s15], $0x1000, s10, s15, $0x38;
	[tilespmem:$0x11180] =	vst v63  }
0x3d5: {  	s5 =	spop @!p0 (v2sf)  }
0x3d6: {  	s5 =	sand.u32 @!p0 $0xFFFFF80, s5  }
0x3d7: {  	s14 =	simm.s32 @!p0 $0x5700;
	s5 =	sadd.s32 @!p0 s0, s5  }
0x3d8: {  	[tilespmem:s14], [sflag:$0x1] =	stream.strided.gather @!p0 [hbm4b:s5+s15], $0x1000, s10, s15, $0x38;
	[tilespmem:$0x11180] =	vst v63  }
0x3d9: {  	s5 =	spop @!p0 (v2sf)  }
0x3da: {  	s5 =	sand.u32 @!p0 $0xFFFFF80, s5  }
0x3db: {  	s14 =	simm.s32 @!p0 $0x6700;
	s5 =	sadd.s32 @!p0 s0, s5  }
0x3dc: {  	[tilespmem:s14], [sflag:$0x1] =	stream.strided.gather @!p0 [hbm4b:s5+s15], $0x1000, s10, s15, $0x38;
	[tilespmem:$0x11180] =	vst v63  }
0x3dd: {  	s5 =	spop @!p0 (v2sf)  }
0x3de: {  	s5 =	sand.u32 @!p0 $0xFFFFF80, s5  }
0x3df: {  	s14 =	simm.s32 @!p0 $0x7700;
	s5 =	sadd.s32 @!p0 s0, s5  }
0x3e0: {  	[tilespmem:s14], [sflag:$0x1] =	stream.strided.gather @!p0 [hbm4b:s5+s15], $0x1000, s10, s15, $0x38;
	[tilespmem:$0x11180] =	vst v63  }
0x3e1: {  	s1 =	sadd.s32 @!p0 $0x510, s1;
	s5 =	simm.s32 @!p0 $0x8;
	s10 =	simm.s32 @!p0 $0x10700  }
0x3e2: {  	[tilespmem:s10], [sflag:$0x1] =	stream.indirect.gather @!p0 [hbm4b:s4+s5], $0x80, s1, s5, $0xb8;
	[tilespmem:$0x11180] =	vst v63  }
0x3e3: {  	_ =	swait.ge [sflag:s26], $0x1000  }
0x3e4: {  	[sflag:s26] =	ssyncset.done $0x0  }
0x3e5: {  	[sflag:s26] =	ssyncadd.s32 $0xFFFFF000  }
0x3e6: {  	_ =	swait.ge [sflag:s26], $0x1000  }
0x3e7: {  	[sflag:s26] =	ssyncset.done $0x0  }
0x3e8: {  	[sflag:s26] =	ssyncadd.s32 $0xFFFFF000  }
0x3e9: {  	_ =	swait.ge [sflag:s26], $0x1000  }
0x3ea: {  	[sflag:s26] =	ssyncset.done $0x0  }
0x3eb: {  	[sflag:s26] =	ssyncadd.s32 $0xFFFFF000  }
0x3ec: {  	_ =	swait.ge [sflag:s26], $0x1000  }
0x3ed: {  	[sflag:s26] =	ssyncset.done $0x0  }
0x3ee: {  	[sflag:s26] =	ssyncadd.s32 $0xFFFFF000  }
0x3ef: {  	_ =	swait.ge [sflag:s26], $0x1000  }
0x3f0: {  	[sflag:s26] =	ssyncset.done $0x0  }
0x3f1: {  	[sflag:s26] =	ssyncadd.s32 $0xFFFFF000  }
0x3f2: {  	_ =	swait.ge [sflag:s26], $0x1000  }
0x3f3: {  	[sflag:s26] =	ssyncset.done $0x0  }
0x3f4: {  	[sflag:s26] =	ssyncadd.s32 $0xFFFFF000  }
0x3f5: {  	_ =	swait.ge [sflag:s26], $0x1000  }
0x3f6: {  	[sflag:s26] =	ssyncset.done $0x0  }
0x3f7: {  	[sflag:s26] =	ssyncadd.s32 $0xFFFFF000  }
0x3f8: {  	_ =	swait.ge [sflag:s26], $0x1000  }
0x3f9: {  	[sflag:s26] =	ssyncset.done $0x0  }
0x3fa: {  	[sflag:s26] =	ssyncadd.s32 $0xFFFFF000  }
0x3fb: {  	_ =	swait.ge [sflag:s26], $0x400  }
0x3fc: {  	[sflag:s26] =	ssyncset.done $0x0  }
0x3fd: {  	[sflag:s26] =	ssyncadd.s32 $0xFFFFFC00  }
0x3fe: {  	v1 =	vld [tilespmem:s3+$0x8]  }
0x3ff: {  	v0 =	vld [tilespmem:s3+$0x288]  }
0x400: {  	v2 =	vld [tilespmem:$0x1FA80];
	_ =	sdelay $0x2  }
0x401: {  	v63 =	vand.u32 $0x7F, v1;
	v1 =	vld [tilespmem:$0x1FA90]  }
0x402: {  	v0 =	vshll.u32 v0, $0x5  }
0x403: {  	v12 =	vand.u32 $0x60, v0;
	v2 =	vor.u32 v2, v63  }
0x404: {  	v0 =	vor.u32 v60, v12  }
0x405: {  	v4 =	vld [tilespmem:$0x1FAA0];
	v3 =	vor.u32 v55, v12  }
0x406: {  	v6 =	vld [tilespmem:$0x1FAB0];
	v1 =	vor.u32 v1, v63  }
0x407: {  	v8 =	vld [tilespmem:$0x1FAC0]  }
0x408: {  	v2 =	vld.idx.msk [tilespmem:v2+s13+$0x0], $0xffff  }
0x409: {  	v0 =	vld.idx.msk [tilespmem:v0+s24+$0x0], $0xffff  }
0x40a: {  	v4 =	vor.u32 v4, v63;
	v3 =	vld.idx.msk [tilespmem:v3+s24+$0x0], $0xffff  }
0x40b: {  	v1 =	vld.idx.msk [tilespmem:v1+s13+$0x0], $0xffff  }
0x40c: {  	v10 =	vld [tilespmem:$0x1FAD0];
	v5 =	vor.u32 v59, v12;
	_ =	sdelay $0x1  }
0x40d: {  	v6 =	vor.u32 v6, v63;
	v8 =	vor.u32 v8, v63  }
0x40e: {  	v7 =	vor.u32 v62, v12;
	v9 =	vor.u32 v14, v12;
	v4 =	vld.idx.msk [tilespmem:v4+s13+$0x0], $0xffff;
	v2 =	vmul.f32 v3, v2  }
0x40f: {  	v14 =	vmovc v12;
	v3 =	vor.u32 v53, v12;
	v0 =	vmul.f32 v0, v1;
	v1 =	vor.u32 v50, v12;
	v12 =	vld [tilespmem:$0x1FAF0]  }
0x410: {  	v10 =	vor.u32 v10, v63;
	v5 =	vld.idx.msk [tilespmem:v5+s24+$0x0], $0xffff  }
0x411: {  	v11 =	vld [tilespmem:$0x1FAE0]  }
0x412: {  	v6 =	vld.idx.msk [tilespmem:v6+s13+$0x0], $0xffff  }
0x413: {  	v8 =	vld.idx.msk [tilespmem:v8+s13+$0x0], $0xffff  }
0x414: {  	v9 =	vld.idx.msk [tilespmem:v9+s24+$0x0], $0xffff;
	v12 =	vor.u32 v12, v63  }
0x415: {  	v4 =	vmul.f32 v5, v4;
	v5 =	vld.idx.msk [tilespmem:v10+s13+$0x0], $0xffff  }
0x416: {  	v10 =	vld [tilespmem:$0x1FB00]  }
0x417: {  	v11 =	vor.u32 v11, v63;
	v7 =	vld.idx.msk [tilespmem:v7+s24+$0x0], $0xffff  }
0x418: {  	v0 =	vadd.f32 $0.0e+00, v0  }
0x419: {  	v8 =	vmul.f32 v9, v8;
	v9 =	vld.idx.msk [tilespmem:v12+s13+$0x0], $0xffff  }
0x41a: {  	v0 =	vadd.f32 v2, v0;
	v2 =	vor.u32 v57, v14;
	v12 =	vld [tilespmem:$0x1FB20]  }
0x41b: {  	v10 =	vor.u32 v10, v63  }
0x41c: {  	v6 =	vmul.f32 v7, v6;
	v7 =	vld.idx.msk [tilespmem:v11+s13+$0x0], $0xffff;
	v0 =	vadd.f32 v4, v0  }
0x41d: {  	v11 =	vld [tilespmem:$0x1FB10]  }
0x41e: {  	v1 =	vld.idx.msk [tilespmem:v1+s24+$0x0], $0xffff;
	v0 =	vadd.f32 v6, v0  }
0x41f: {  	v2 =	vld.idx.msk [tilespmem:v2+s24+$0x0], $0xffff;
	v12 =	vor.u32 v12, v63  }
0x420: {  	v0 =	vadd.f32 v8, v0;
	v8 =	vld.idx.msk [tilespmem:v10+s13+$0x0], $0xffff  }
0x421: {  	v4 =	vor.u32 v61, v14;
	v10 =	vld [tilespmem:$0x1FB30];
	_ =	sdelay $0x1  }
0x422: {  	v11 =	vor.u32 v11, v63;
	v3 =	vld.idx.msk [tilespmem:v3+s24+$0x0], $0xffff  }
0x423: {  	v2 =	vmul.f32 v2, v9;
	v9 =	vld.idx.msk [tilespmem:v12+s13+$0x0], $0xffff  }
0x424: {  	v1 =	vmul.f32 v1, v5;
	v5 =	vor.u32 v24, v14;
	v12 =	vld [tilespmem:$0x1FB50]  }
0x425: {  	v4 =	vld.idx.msk [tilespmem:v4+s24+$0x0], $0xffff;
	v10 =	vor.u32 v10, v63  }
0x426: {  	v32 =	vld [tilespmem:$0x1FEE0]  }
0x427: {  	v3 =	vmul.f32 v3, v7;
	v7 =	vld.idx.msk [tilespmem:v11+s13+$0x0], $0xffff  }
0x428: {  	v11 =	vld [tilespmem:$0x1FB40];
	v6 =	vor.u32 v34, v14  }
0x429: {  	v5 =	vld.idx.msk [tilespmem:v5+s24+$0x0], $0xffff;
	v12 =	vor.u32 v12, v63  }
0x42a: {  	v4 =	vmul.f32 v4, v8;
	v8 =	vld.idx.msk [tilespmem:v10+s13+$0x0], $0xffff  }
0x42b: {  	v0 =	vadd.f32 v1, v0;
	v1 =	vor.u32 v30, v14;
	v10 =	vld [tilespmem:$0x1FB60]  }
0x42c: {  	v28 =	vld [tilespmem:$0x1FDF0]  }
0x42d: {  	v11 =	vor.u32 v11, v63;
	v6 =	vld.idx.msk [tilespmem:v6+s24+$0x0], $0xffff;
	v0 =	vadd.f32 v3, v0  }
0x42e: {  	v5 =	vmul.f32 v5, v9;
	v9 =	vld.idx.msk [tilespmem:v12+s13+$0x0], $0xffff  }
0x42f: {  	v0 =	vadd.f32 v2, v0;
	v2 =	vor.u32 v54, v14;
	v12 =	vld [tilespmem:$0x1FB80]  }
0x430: {  	v1 =	vld.idx.msk [tilespmem:v1+s24+$0x0], $0xffff;
	v10 =	vor.u32 v10, v63  }
0x431: {  	v16 =	vld [tilespmem:$0x1FE50]  }
0x432: {  	v6 =	vmul.f32 v6, v7;
	v7 =	vld.idx.msk [tilespmem:v11+s13+$0x0], $0xffff  }
0x433: {  	v3 =	vor.u32 v58, v14;
	v11 =	vld [tilespmem:$0x1FB70]  }
0x434: {  	v2 =	vld.idx.msk [tilespmem:v2+s24+$0x0], $0xffff;
	v12 =	vor.u32 v12, v63  }
0x435: {  	v1 =	vmul.f32 v1, v8;
	v8 =	vld.idx.msk [tilespmem:v10+s13+$0x0], $0xffff  }
0x436: {  	v0 =	vadd.f32 v4, v0;
	v4 =	vor.u32 v42, v14;
	v10 =	vld [tilespmem:$0x1FB90]  }
0x437: {  	v18 =	vld [tilespmem:$0x1FE70]  }
0x438: {  	v3 =	vld.idx.msk [tilespmem:v3+s24+$0x0], $0xffff;
	v0 =	vadd.f32 v6, v0;
	v11 =	vor.u32 v11, v63  }
0x439: {  	v2 =	vmul.f32 v2, v9;
	v9 =	vld.idx.msk [tilespmem:v12+s13+$0x0], $0xffff  }
0x43a: {  	v0 =	vadd.f32 v5, v0;
	v5 =	vor.u32 v38, v14;
	v12 =	vld [tilespmem:$0x1FBB0]  }
0x43b: {  	v4 =	vld.idx.msk [tilespmem:v4+s24+$0x0], $0xffff;
	v10 =	vor.u32 v10, v63  }
0x43c: {  	v22 =	vld [tilespmem:$0x1FE90]  }
0x43d: {  	v6 =	vor.u32 v36, v14;
	v3 =	vmul.f32 v3, v7;
	v7 =	vld.idx.msk [tilespmem:v11+s13+$0x0], $0xffff  }
0x43e: {  	v11 =	vld [tilespmem:$0x1FBA0]  }
0x43f: {  	v5 =	vld.idx.msk [tilespmem:v5+s24+$0x0], $0xffff;
	v12 =	vor.u32 v12, v63  }
0x440: {  	v0 =	vadd.f32 v1, v0;
	v4 =	vmul.f32 v4, v8;
	v8 =	vld.idx.msk [tilespmem:v10+s13+$0x0], $0xffff  }
0x441: {  	v1 =	vor.u32 v40, v14;
	v10 =	vld [tilespmem:$0x1FBC0]  }
0x442: {  	v6 =	vld.idx.msk [tilespmem:v6+s24+$0x0], $0xffff;
	v0 =	vadd.f32 v3, v0;
	v3 =	vor.u32 v44, v14  }
0x443: {  	v13 =	vld [tilespmem:$0x1FC80];
	v11 =	vor.u32 v11, v63  }
0x444: {  	v5 =	vmul.f32 v5, v9;
	v9 =	vld.idx.msk [tilespmem:v12+s13+$0x0], $0xffff  }
0x445: {  	v0 =	vadd.f32 v2, v0;
	v2 =	vor.u32 v26, v14;
	v12 =	vld [tilespmem:$0x1FBE0]  }
0x446: {  	v1 =	vld.idx.msk [tilespmem:v1+s24+$0x0], $0xffff;
	v10 =	vor.u32 v10, v63  }
0x447: {  	v6 =	vmul.f32 v6, v7;
	v3 =	vld.idx.msk [tilespmem:v3+s24+$0x0], $0xffff;
	v0 =	vadd.f32 v4, v0  }
0x448: {  	v11 =	vld.idx.msk [tilespmem:v11+s13+$0x0], $0xffff  }
0x449: {  	v0 =	vadd.f32 v6, v0;
	v6 =	vld [tilespmem:$0x1FBD0]  }
0x44a: {  	v2 =	vld.idx.msk [tilespmem:v2+s24+$0x0], $0xffff;
	v12 =	vor.u32 v12, v63  }
0x44b: {  	v1 =	vmul.f32 v1, v8;
	v8 =	vld.idx.msk [tilespmem:v10+s13+$0x0], $0xffff  }
0x44c: {  	v7 =	vor.u32 v20, v14;
	v10 =	vld [tilespmem:$0x1FBF0]  }
0x44d: {  	v24 =	vld [tilespmem:$0x1FE10]  }
0x44e: {  	v4 =	vor.u32 v52, v14;
	v3 =	vmul.f32 v3, v11;
	v11 =	vld [tilespmem:$0x1FC00]  }
0x44f: {  	v6 =	vor.u32 v6, v63;
	v2 =	vmul.f32 v2, v9;
	v9 =	vld.idx.msk [tilespmem:v12+s13+$0x0], $0xffff  }
0x450: {  	v0 =	vadd.f32 v5, v0;
	v5 =	vor.u32 v56, v14;
	v12 =	vld [tilespmem:$0x1FC10]  }
0x451: {  	v7 =	vld.idx.msk [tilespmem:v7+s24+$0x0], $0xffff;
	v10 =	vor.u32 v10, v63  }
0x452: {  	v48 =	vmov v20;
	v20 =	vld [tilespmem:$0x1FE30];
	v0 =	vadd.f32 v1, v0  }
0x453: {  	v4 =	vld.idx.msk [tilespmem:v4+s24+$0x0], $0xffff;
	v11 =	vor.u32 v11, v63  }
0x454: {  	v6 =	vld.idx.msk [tilespmem:v6+s13+$0x0], $0xffff;
	v0 =	vadd.f32 v3, v0  }
0x455: {  	v5 =	vld.idx.msk [tilespmem:v5+s24+$0x0], $0xffff;
	v12 =	vor.u32 v12, v63  }
0x456: {  	v7 =	vmul.f32 v7, v8;
	v0 =	vadd.f32 v2, v0;
	v8 =	vld.idx.msk [tilespmem:v10+s13+$0x0], $0xffff  }
0x457: {  	v1 =	vor.u32 v32, v14;
	v10 =	vld [tilespmem:$0x1FC20]  }
0x458: {  	v0 =	vadd.f32 v7, v0;
	v7 =	vld.idx.msk [tilespmem:v11+s13+$0x0], $0xffff  }
0x459: {  	v3 =	vor.u32 v28, v14;
	v11 =	vld [tilespmem:$0x1FC30]  }
0x45a: {  	v4 =	vmul.f32 v4, v6;
	v6 =	vor.u32 v20, v14;
	v5 =	vmul.f32 v5, v9;
	v9 =	vld.idx.msk [tilespmem:v12+s13+$0x0], $0xffff  }
0x45b: {  	v2 =	vor.u32 v24, v14;
	v12 =	vld [tilespmem:$0x1FC40]  }
0x45c: {  	v1 =	vld.idx.msk [tilespmem:v1+s24+$0x0], $0xffff;
	v10 =	vor.u32 v10, v63  }
0x45d: {  	v46 =	vmovc v34;
	v34 =	vmov v30;
	v30 =	vmov v44;
	v44 =	vmov v26;
	v26 =	vld [tilespmem:$0x1FEB0]  }
0x45e: {  	v3 =	vld.idx.msk [tilespmem:v3+s24+$0x0], $0xffff;
	v11 =	vor.u32 v11, v63  }
0x45f: {  	v6 =	vld.idx.msk [tilespmem:v6+s24+$0x0], $0xffff  }
0x460: {  	v2 =	vld.idx.msk [tilespmem:v2+s24+$0x0], $0xffff;
	v12 =	vor.u32 v12, v63  }
0x461: {  	v1 =	vmul.f32 v1, v8;
	v8 =	vld.idx.msk [tilespmem:v10+s13+$0x0], $0xffff  }
0x462: {  	v0 =	vadd.f32 v4, v0;
	v10 =	vld [tilespmem:$0x1FC50]  }
0x463: {  	v4 =	vor.u32 v16, v14;
	v3 =	vmul.f32 v3, v7;
	v7 =	vld.idx.msk [tilespmem:v11+s13+$0x0], $0xffff  }
0x464: {  	v0 =	vadd.f32 v5, v0;
	v11 =	vld [tilespmem:$0x1FC60]  }
0x465: {  	v5 =	vor.u32 v18, v14;
	v2 =	vmul.f32 v2, v9;
	v9 =	vld.idx.msk [tilespmem:v12+s13+$0x0], $0xffff  }
0x466: {  	v0 =	vadd.f32 v1, v0;
	v1 =	vor.u32 v22, v14;
	v12 =	vld [tilespmem:$0x1FC70]  }
0x467: {  	v10 =	vor.u32 v10, v63  }
0x468: {  	v4 =	vld.idx.msk [tilespmem:v4+s24+$0x0], $0xffff;
	v0 =	vadd.f32 v3, v0;
	v3 =	vor.u32 v26, v14  }
0x469: {  	v11 =	vor.u32 v11, v63  }
0x46a: {  	v13 =	vor.u32 v13, v14;
	v5 =	vld.idx.msk [tilespmem:v5+s24+$0x0], $0xffff  }
0x46b: {  	v1 =	vld.idx.msk [tilespmem:v1+s24+$0x0], $0xffff;
	v6 =	vmul.f32 v6, v8;
	v0 =	vadd.f32 v2, v0;
	v12 =	vor.u32 v12, v63  }
0x46c: {  	v2 =	vld.idx.msk [tilespmem:v10+s13+$0x0], $0xffff  }
0x46d: {  	v4 =	vmul.f32 v4, v7;
	v3 =	vld.idx.msk [tilespmem:v3+s24+$0x0], $0xffff;
	v0 =	vadd.f32 v6, v0  }
0x46e: {  	v6 =	vld.idx.msk [tilespmem:v11+s13+$0x0], $0xffff  }
0x46f: {  	v7 =	vld.idx.msk [tilespmem:v13+s24+$0x0], $0xffff;
	v0 =	vadd.f32 v4, v0;
	v5 =	vmul.f32 v5, v9  }
0x470: {  	v4 =	vld.idx.msk [tilespmem:v12+s13+$0x0], $0xffff  }
0x471: {  	v1 =	vmul.f32 v1, v2;
	v0 =	vadd.f32 v5, v0;
	_ =	sdelay $0x1  }
0x472: {  	v2 =	vmul.f32 v3, v6;
	v0 =	vadd.f32 v1, v0;
	_ =	sdelay $0x1  }
0x473: {  	v0 =	vadd.f32 v2, v0;
	v1 =	vmul.f32 v7, v4;
	_ =	sdelay $0x1  }
0x474: {  	v0 =	vadd.f32 v1, v0  }
0x475: {  	s29 =	sadd.s32 $0x1, s29  }
0x476: {  	s31 =	simm.s32 $0x10F00;
	p0 =	sne.s32 s29, s8;
	[tilespmem:s3+$0x10F08] =	vst v0  }
0x477: {  	[hbm4b:s7+s2] =	stream.linear.scatter [tilespmem:s31], [sflag:$0x3], $0x200, $0x38;
	[tilespmem:$0x11180] =	vst v63  }
.Ltmp2:
0x478: {  	_ =	swait.ge [sflag:s9], $0x200;
	(pc) =	sbr.rel @p0 .LBB2_1-.Ltmp2, $4  }
0x479: {  	v1 =	vld [tilespmem:$0x1FEC0]  }
0x47a: {  	v7 =	vmov v46;
	v46 =	vld [tilespmem:$0x1FF10]  }
0x47b: {  	v13 =	vmov v58;
	v58 =	vmov v54;
	[sflag:s9] =	ssyncset.done $0x0;
	v54 =	vld [tilespmem:$0x1FEF0]  }
0x47c: {  	v11 =	vmov v34;
	v3 =	vmov v50;
	v9 =	vmov v30;
	v50 =	vld [tilespmem:$0x1FF70];
	[sflag:s9] =	ssyncadd.s32 $0xFFFFFE00  }
0x47d: {  	_ =	sfence.sel $0x180000  }
0x47e: {  	[bflag:$0x0] =	sbarrier.arrive $0xFFFF  }
0x47f: {  	_ =	strace $0x90000047  }
0x480: {  	s0 =	stileid.u32;
	[bflag:$0x2] =	sbarrier.arrive $0xFFFF  }
0x481: {  	p0 =	sne.s32 s0, $0x0;
	s0 =	rddreg [dreg:$0x5]  }
0x482: {  	s0 =	sadd.s32 @!p0 $0x100000, s0  }
0x483: {  	[sflag:s0] =	ssyncadd.tile.s32 @!p0 $0x1;
	_ =	shalt  }
.Lfunc_end2:
_tile_overlayer_lowered:
.L_overlay_start_2:
0x484: {  	(tag) =	ssettag $0x2  }
0x485: {  	s0 =	rddreg [dreg:$0x0];
	s2 =	stileid.u32  }
0x486: {  	s1 =	rddreg [dreg:$0x1];
	p0 =	sne.s32 s2, $0x0  }
0x487: {  	s3 =	rddreg [dreg:$0x2];
	[bflag:$0x3] =	sbarrier.arrive $0xFFFF;
	s2 =	simm.s32 @!p0 $0x1C03  }
0x488: {  	[timem:s3], [sflag:s2] =	dma.local @!p0 [hbm:s0], s1  }
0x489: {  	s0 =	simm.s32 @!p0 $0x3  }
0x48a: {  	_ =	swait.ge @!p0 [sflag:s0], s1  }
0x48b: {  	s1 =	ssub.s32 @!p0 $0x0, s1;
	[sflag:s0] =	ssyncset.done @!p0 $0x0  }
0x48c: {  	[sflag:s0] =	ssyncadd.s32 @!p0 s1  }
0x48d: {  	[bflag:$0x3] =	sbarrier.arrive $0xFFFF  }
0x48e: {  	_ =	shalt  }

</sc_bundles>
